<compile_context>
chip_gen: v7x
topology: tpu7x:2x2x1
jax: 0.10.2.dev20260603
libtpu: 0.0.44.dev20260713+nightly
codegen_flags: <defaults>
</compile_context>

<pallas_src>
import functools

import jax
import jax.numpy as jnp
from jax import lax
from jax.experimental import pallas as pl
from jax.experimental.pallas import tpu as pltpu
from jax.experimental.pallas import tpu_sc as plsc

N_NODES_ = 10000
N_PAD = 10240
D_ = 256
HALF = 128
N_GRAPHS_ = 64
N_EDGES_ = 160000
NC = 2
NS = 16
CHUNK = 64
CPT = 160
EPT = CPT * CHUNK
E_PAD = NS * EPT
ROWS_PER_TILE = N_PAD // NS
DUMP_ROW = 10000

_mesh = plsc.VectorSubcoreMesh(core_axis_name="c", subcore_axis_name="s")
_sc_params = pltpu.CompilerParams(
    needs_layout_passes=False, use_tc_tiling_on_sc=False)


EPW = E_PAD // (NC * NS)


@functools.partial(
    pl.kernel, mesh=_mesh, compiler_params=_sc_params,
    out_type=jax.ShapeDtypeStruct((NC * NS, N_PAD), jnp.float32),
    scratch_types=[
        pltpu.VMEM((N_PAD,), jnp.float32),
        pltpu.VMEM((EPW,), jnp.int32),
    ],
)
def _deg_kernel(dst_hbm, out_hbm, dl, dstv):
    cid = lax.axis_index("c")
    sid = lax.axis_index("s")
    wid = cid * NS + sid
    zeros = jnp.zeros((16,), jnp.float32)
    ones = jnp.ones((16,), jnp.float32)

    pltpu.sync_copy(dst_hbm.at[pl.ds(wid * EPW, EPW)], dstv)

    @pl.loop(0, N_PAD // 16)
    def _z(i):
        dl[pl.ds(i * 16, 16)] = zeros

    @pl.loop(0, EPW // 16)
    def _scat(j):
        idx = dstv[pl.ds(j * 16, 16)]
        plsc.addupdate_scatter(dl.at[:], [idx], ones)

    pltpu.sync_copy(dl, out_hbm.at[wid])


_BLK = 2048
_NBLK = N_PAD // _BLK


def _mm1_body(x_ref, w_ref, parts_ref, out_ref, dinv_ref):
    deg = jnp.sum(parts_ref[...], axis=0) + 1.0
    dinv = lax.rsqrt(deg)
    dinv_ref[...] = dinv
    h = jnp.dot(x_ref[...], w_ref[...], preferred_element_type=jnp.float32)
    g = h * dinv[:, None]
    out_ref[0] = g[:, :HALF]
    out_ref[1] = g[:, HALF:]


def _mm1(x_pad, w1, parts):
    return pl.pallas_call(
        _mm1_body,
        grid=(_NBLK,),
        in_specs=[
            pl.BlockSpec((_BLK, D_), lambda i: (i, 0)),
            pl.BlockSpec((D_, D_), lambda i: (0, 0)),
            pl.BlockSpec((NC * NS, _BLK), lambda i: (0, i)),
        ],
        out_specs=[
            pl.BlockSpec((2, _BLK, HALF), lambda i: (0, i, 0)),
            pl.BlockSpec((_BLK,), lambda i: (i,)),
        ],
        out_shape=[
            jax.ShapeDtypeStruct((2, N_PAD, HALF), jnp.float32),
            jax.ShapeDtypeStruct((N_PAD,), jnp.float32),
        ],
        compiler_params=pltpu.CompilerParams(
            dimension_semantics=("parallel",)),
    )(x_pad, w1, parts)


@functools.partial(
    pl.kernel, mesh=_mesh, compiler_params=_sc_params,
    out_type=jax.ShapeDtypeStruct((NC * N_PAD, HALF), jnp.float32),
    scratch_types=[
        pltpu.VMEM_SHARED((N_PAD, HALF), jnp.float32),
        pltpu.VMEM((CPT // 2, CHUNK), jnp.int32),
        pltpu.VMEM((CPT // 2, CHUNK), jnp.int32),
        pltpu.VMEM((CHUNK, HALF), jnp.float32),
        pltpu.VMEM((CHUNK, HALF), jnp.float32),
        pltpu.VMEM((CHUNK, HALF), jnp.float32),
        pltpu.VMEM((CHUNK, HALF), jnp.float32),
        pltpu.SemaphoreType.DMA,
        pltpu.SemaphoreType.DMA,
        pltpu.SemaphoreType.DMA,
        pltpu.SemaphoreType.DMA,
        pltpu.SemaphoreType.DMA,
        pltpu.SemaphoreType.DMA,
        pltpu.SemaphoreType.DMA,
        pltpu.SemaphoreType.DMA,
    ],
)
def _agg_kernel(g_hbm, idx_hbm, dst_hbm, out_hbm, acc, idxv, dstv,
                r0, r1, r2, r3, g0, g1, g2, g3, s0, s1, s2, s3):
    cid = lax.axis_index("c")
    sid = lax.axis_index("s")
    goff = cid * N_PAD
    bufs = (r0, r1, r2, r3)
    gs = (g0, g1, g2, g3)
    ss = (s0, s1, s2, s3)
    nbuf = 4
    hcpt = CPT // 2

    pltpu.sync_copy(
        g_hbm.at[pl.ds(goff + sid * ROWS_PER_TILE, ROWS_PER_TILE)],
        acc.at[pl.ds(sid * ROWS_PER_TILE, ROWS_PER_TILE)])
    plsc.subcore_barrier()

    def drain(buf, sem):
        pltpu.make_async_copy(g_hbm.at[pl.ds(0, CHUNK)], buf, sem).wait()

    for h in (0, 1):
        pltpu.sync_copy(
            idx_hbm.at[pl.ds((cid * NS + sid) * CPT + h * hcpt, hcpt)], idxv)
        pltpu.sync_copy(
            dst_hbm.at[pl.ds(sid * CPT + h * hcpt, hcpt)], dstv)
        for p in range(nbuf - 1):
            pltpu.async_copy(g_hbm.at[idxv.at[p]], bufs[p], gs[p])

        @pl.loop(0, hcpt // nbuf)
        def _quad(i):
            for b in range(nbuf):
                k = i * nbuf + b
                x = bufs[b]
                w = bufs[(b + nbuf - 1) % nbuf]

                def _free_and_prefetch():
                    drain(w, ss[(b + nbuf - 1) % nbuf])

                def _prefetch():
                    pltpu.async_copy(
                        g_hbm.at[idxv.at[k + nbuf - 1]], w,
                        gs[(b + nbuf - 1) % nbuf])

                if b == 0:
                    @pl.when(i > 0)
                    def _w0():
                        _free_and_prefetch()
                    _prefetch()
                else:
                    _free_and_prefetch()

                    @pl.when(i < hcpt // nbuf - 1)
                    def _g1():
                        _prefetch()
                drain(x, gs[b])
                pltpu.async_copy(x, acc.at[dstv.at[k]], ss[b], add=True)

        drain(bufs[(hcpt - 1) % nbuf], ss[(hcpt - 1) % nbuf])

    plsc.subcore_barrier()
    pltpu.sync_copy(
        acc.at[pl.ds(sid * ROWS_PER_TILE, ROWS_PER_TILE)],
        out_hbm.at[pl.ds(goff + sid * ROWS_PER_TILE, ROWS_PER_TILE)])


def _mid_body(s_ref, dinv_ref, b1_ref, w2_ref, out_ref):
    dinv = dinv_ref[...][:, None]
    b1 = b1_ref[...]
    ra = jax.nn.relu(s_ref[0] * dinv + b1[:HALF][None, :])
    rb = jax.nn.relu(s_ref[1] * dinv + b1[HALF:][None, :])
    h2 = (jnp.dot(ra, w2_ref[:HALF, :], preferred_element_type=jnp.float32)
          + jnp.dot(rb, w2_ref[HALF:, :], preferred_element_type=jnp.float32))
    g2 = h2 * dinv
    out_ref[0] = g2[:, :HALF]
    out_ref[1] = g2[:, HALF:]


def _mid(s_split, dinv, b1, w2):
    return pl.pallas_call(
        _mid_body,
        grid=(_NBLK,),
        in_specs=[
            pl.BlockSpec((2, _BLK, HALF), lambda i: (0, i, 0)),
            pl.BlockSpec((_BLK,), lambda i: (i,)),
            pl.BlockSpec((D_,), lambda i: (0,)),
            pl.BlockSpec((D_, D_), lambda i: (0, 0)),
        ],
        out_specs=pl.BlockSpec((2, _BLK, HALF), lambda i: (0, i, 0)),
        out_shape=jax.ShapeDtypeStruct((2, N_PAD, HALF), jnp.float32),
        compiler_params=pltpu.CompilerParams(
            dimension_semantics=("parallel",)),
    )(s_split, dinv, b1, w2)


def _pool_body(s_ref, dinv_ref, b2_ref, batch_ref, wfc_ref, bfc_ref,
               out_ref, pooled, counts):
    i = pl.program_id(0)

    @pl.when(i == 0)
    def _init():
        pooled[...] = jnp.zeros((N_GRAPHS_, D_), jnp.float32)
        counts[...] = jnp.zeros((N_GRAPHS_,), jnp.float32)

    dinv = dinv_ref[...][:, None]
    b2 = b2_ref[...]
    sa = s_ref[0] * dinv + b2[:HALF][None, :]
    sb = s_ref[1] * dinv + b2[HALF:][None, :]
    s_out = jnp.concatenate([sa, sb], axis=1)
    gids = lax.broadcasted_iota(jnp.int32, (_BLK, N_GRAPHS_), 1)
    p = (batch_ref[...][:, None] == gids).astype(jnp.float32)
    pooled[...] += lax.dot_general(
        p, s_out, (((0,), (0,)), ((), ())),
        preferred_element_type=jnp.float32)
    counts[...] += jnp.sum(p, axis=0)

    @pl.when(i == _NBLK - 1)
    def _fin():
        mean = pooled[...] / jnp.maximum(counts[...], 1.0)[:, None]
        logits = (jnp.dot(mean, wfc_ref[...],
                          preferred_element_type=jnp.float32)
                  + bfc_ref[...][None, :])
        out_ref[...] = jax.nn.sigmoid(logits[:, 0])


def _pool(s_split, dinv, b2, batch_pad, wfc, bfc):
    return pl.pallas_call(
        _pool_body,
        grid=(_NBLK,),
        in_specs=[
            pl.BlockSpec((2, _BLK, HALF), lambda i: (0, i, 0)),
            pl.BlockSpec((_BLK,), lambda i: (i,)),
            pl.BlockSpec((D_,), lambda i: (0,)),
            pl.BlockSpec((_BLK,), lambda i: (i,)),
            pl.BlockSpec((D_, 1), lambda i: (0, 0)),
            pl.BlockSpec((1,), lambda i: (0,)),
        ],
        out_specs=pl.BlockSpec((N_GRAPHS_,), lambda i: (0,)),
        out_shape=jax.ShapeDtypeStruct((N_GRAPHS_,), jnp.float32),
        scratch_shapes=[
            pltpu.VMEM((N_GRAPHS_, D_), jnp.float32),
            pltpu.VMEM((N_GRAPHS_,), jnp.float32),
        ],
        compiler_params=pltpu.CompilerParams(
            dimension_semantics=("arbitrary",)),
    )(s_split, dinv, b2, batch_pad, wfc, bfc)


def kernel(x, edge_index, batch, W1, b1, W2, b2, Wfc, bfc):
    src = edge_index[0].astype(jnp.int32)
    dst = edge_index[1].astype(jnp.int32)
    npad = E_PAD - N_EDGES_
    src_p = jnp.concatenate([src, jnp.zeros((npad,), jnp.int32)])
    dst_p = jnp.concatenate([dst, jnp.full((npad,), DUMP_ROW, jnp.int32)])
    idx2 = jnp.concatenate([src_p, src_p + N_PAD]).reshape(
        2 * NS * CPT, CHUNK)
    dst2 = dst_p.reshape(NS * CPT, CHUNK)
    x_pad = jnp.pad(x, ((0, N_PAD - N_NODES_), (0, 0)))
    batch_p = jnp.concatenate([
        batch.astype(jnp.int32),
        jnp.full((N_PAD - N_NODES_,), N_GRAPHS_, jnp.int32)])

    deg_parts = _deg_kernel(dst_p)
    g1, dinv = _mm1(x_pad, W1, deg_parts)
    s1 = _agg_kernel(g1.reshape(NC * N_PAD, HALF), idx2, dst2)
    g2 = _mid(s1.reshape(2, N_PAD, HALF), dinv, b1, W2)
    s2 = _agg_kernel(g2.reshape(NC * N_PAD, HALF), idx2, dst2)
    return _pool(s2.reshape(2, N_PAD, HALF), dinv, b2, batch_p, Wfc, bfc)

# --- scband reference (transcript-rebuilt; emitter-appended) ---
"""Pipeline reference for scband-gnnclassifier-8933531975922 (READ-ONLY COPY).

The authoritative reference and input builder live on the scoring server;
editing this copy changes nothing except your own understanding.
"""

import jax, jax.numpy as jnp
import numpy as np

N_NODES = 10000
N_EDGES = 160000
D_IN = 256
D_HID = 256
N_CLASSES = 1
N_GRAPHS = 64


def setup_inputs(seed: int = 0) -> dict:
    key = jax.random.key(seed)
    ks = jax.random.split(key, 10)
    x = jax.random.normal(ks[0], (N_NODES, D_IN), dtype=jnp.float32)
    edge_index = jax.random.randint(ks[1], (2, N_EDGES), 0, N_NODES, dtype=jnp.int64)
    batch = jnp.sort(jax.random.randint(ks[2], (N_NODES,), 0, N_GRAPHS, dtype=jnp.int64))
    s1 = 1.0 / np.sqrt(D_IN)
    s2 = 1.0 / np.sqrt(D_HID)
    W1 = jax.random.uniform(ks[3], (D_IN, D_HID), dtype=jnp.float32, minval=-s1, maxval=s1)
    b1 = jnp.zeros((D_HID,), dtype=jnp.float32)
    W2 = jax.random.uniform(ks[4], (D_HID, D_HID), dtype=jnp.float32, minval=-s2, maxval=s2)
    b2 = jnp.zeros((D_HID,), dtype=jnp.float32)
    Wfc = jax.random.uniform(ks[5], (D_HID, N_CLASSES), dtype=jnp.float32, minval=-s2, maxval=s2)
    bfc = jnp.zeros((N_CLASSES,), dtype=jnp.float32)
    return {"x": x, "edge_index": edge_index, "batch": batch,
            "W1": W1, "b1": b1, "W2": W2, "b2": b2, "Wfc": Wfc, "bfc": bfc}


def _gcn_conv(x, src, dst, W, b, num_nodes):
    # PyG GCNConv: h = D^{-1/2} (A + I) D^{-1/2} X W + b (self-loops added)
    loop = jnp.arange(num_nodes, dtype=src.dtype)
    src_full = jnp.concatenate([src, loop])
    dst_full = jnp.concatenate([dst, loop])
    ones = jnp.ones((src_full.shape[0],), dtype=x.dtype)
    deg = jax.ops.segment_sum(ones, dst_full, num_segments=num_nodes)
    deg_inv_sqrt = jnp.where(deg > 0, jax.lax.rsqrt(jnp.maximum(deg, 1e-12)), 0.0)
    norm = deg_inv_sqrt[src_full] * deg_inv_sqrt[dst_full]
    h = x @ W
    msg = h[src_full] * norm[:, None]
    out = jax.ops.segment_sum(msg, dst_full, num_segments=num_nodes)
    return out + b


def reference(x, edge_index, batch, W1, b1, W2, b2, Wfc, bfc):
    src = edge_index[0]
    dst = edge_index[1]
    h = _gcn_conv(x, src, dst, W1, b1, N_NODES)
    h = jax.nn.relu(h)
    h = _gcn_conv(h, src, dst, W2, b2, N_NODES)
    # global_mean_pool over graphs
    summed = jax.ops.segment_sum(h, batch, num_segments=N_GRAPHS)
    counts = jax.ops.segment_sum(jnp.ones((h.shape[0],), dtype=h.dtype), batch, num_segments=N_GRAPHS)
    pooled = summed / jnp.maximum(counts, 1.0)[:, None]
    logits = pooled @ Wfc + bfc
    return jax.nn.sigmoid(logits).squeeze(-1)

if __name__ == "__main__":
    import jax
    _d = setup_inputs()
    print(jax.jit(kernel)(*tuple(_d.values())))

</pallas_src>

<mosaic_0001>
#map = affine_map<(d0, d1) -> (0, 0)>
module attributes {stable_mosaic.version = 14 : i64} {
  func.func @_agg_kernel(%arg0: i32, %arg1: i32, %arg2: memref<20480x128xf32, #tpu.memory_space<hbm>>, %arg3: memref<5120x64xi32, #tpu.memory_space<hbm>>, %arg4: memref<2560x64xi32, #tpu.memory_space<hbm>>, %arg5: memref<20480x128xf32, #tpu.memory_space<hbm>>, %arg6: memref<10240x128xf32, #tpu.memory_space<vmem_shared>>, %arg7: memref<80x64xi32, #tpu.memory_space<vmem>>, %arg8: memref<80x64xi32, #tpu.memory_space<vmem>>, %arg9: memref<64x128xf32, #tpu.memory_space<vmem>>, %arg10: memref<64x128xf32, #tpu.memory_space<vmem>>, %arg11: memref<64x128xf32, #tpu.memory_space<vmem>>, %arg12: memref<64x128xf32, #tpu.memory_space<vmem>>, %arg13: memref<!tpu.dma_semaphore, #tpu.memory_space<semaphore_mem>>, %arg14: memref<!tpu.dma_semaphore, #tpu.memory_space<semaphore_mem>>, %arg15: memref<!tpu.dma_semaphore, #tpu.memory_space<semaphore_mem>>, %arg16: memref<!tpu.dma_semaphore, #tpu.memory_space<semaphore_mem>>, %arg17: memref<!tpu.dma_semaphore, #tpu.memory_space<semaphore_mem>>, %arg18: memref<!tpu.dma_semaphore, #tpu.memory_space<semaphore_mem>>, %arg19: memref<!tpu.dma_semaphore, #tpu.memory_space<semaphore_mem>>, %arg20: memref<!tpu.dma_semaphore, #tpu.memory_space<semaphore_mem>>) attributes {dimension_semantics = [#tpu.dimension_semantics<core_parallel>, #tpu.dimension_semantics<subcore_parallel>], iteration_bounds = array<i64: 2, 16>, scalar_prefetch = 0 : i64, scratch_operands = 15 : i64, tpu.core_type = #tpu.core_type<sc_vector_subcore>, window_params = [{transform_indices = #map}, {transform_indices = #map}, {transform_indices = #map}, {transform_indices = #map}]} {
    %mul3A = arith.constant 10240 : i32
    %mul3A_0 = arith.muli %arg0, %mul3A : i32
    %mul3A_1 = arith.constant 640 : i32
    %mul3A_2 = arith.muli %arg1, %mul3A_1 : i32
    %add3A = arith.addi %mul3A_0, %mul3A_2 : i32
    %mul3A_3 = arith.constant 640 : i32
    %mul3A_4 = arith.muli %arg1, %mul3A_3 : i32
    "tpu.region"() ({
      %run_scoped3A = tpu.sem_alloc : memref<!tpu.dma_semaphore, #tpu.memory_space<semaphore_mem>>
      %dma_start3A_94 = arith.constant 0 : i32
      %dma_start3A_95 = tpu.memref_slice %arg6[%mul3A_4, %dma_start3A_94] : memref<10240x128xf32, #tpu.memory_space<vmem_shared>> -> memref<640x128xf32, #tpu.memory_space<vmem_shared>>
      %dma_start3A_96 = arith.constant 0 : i32
      %dma_start3A_97 = tpu.memref_slice %arg2[%add3A, %dma_start3A_96] : memref<20480x128xf32, #tpu.memory_space<hbm>> -> memref<640x128xf32, #tpu.memory_space<hbm>>
      tpu.enqueue_dma source(%dma_start3A_97 : memref<640x128xf32, #tpu.memory_space<hbm>>) target(%dma_start3A_95 : memref<640x128xf32, #tpu.memory_space<vmem_shared>>) target_semaphore(%run_scoped3A : memref<!tpu.dma_semaphore, #tpu.memory_space<semaphore_mem>>)
      %dma_wait3A_98 = arith.constant 0 : i32
      %dma_wait3A_99 = tpu.memref_slice %arg6[%mul3A_4, %dma_wait3A_98] : memref<10240x128xf32, #tpu.memory_space<vmem_shared>> -> memref<640x128xf32, #tpu.memory_space<vmem_shared>>
      %dma_wait3A_100 = arith.constant 0 : i32
      %dma_wait3A_101 = tpu.memref_slice %arg2[%add3A, %dma_wait3A_100] : memref<20480x128xf32, #tpu.memory_space<hbm>> -> memref<640x128xf32, #tpu.memory_space<hbm>>
      tpu.wait_dma2 semaphore(%run_scoped3A : memref<!tpu.dma_semaphore, #tpu.memory_space<semaphore_mem>>) src(%dma_wait3A_101 : memref<640x128xf32, #tpu.memory_space<hbm>>) dst(%dma_wait3A_99 : memref<640x128xf32, #tpu.memory_space<vmem_shared>>)
      tpu.yield
    }) : () -> ()
    %barrier3A = arith.constant 0 : index
    tpu.barrier barrier_id(%barrier3A)
    %mul3A_5 = arith.constant 16 : i32
    %mul3A_6 = arith.muli %arg0, %mul3A_5 : i32
    %add3A_7 = arith.addi %mul3A_6, %arg1 : i32
    %mul3A_8 = arith.constant 160 : i32
    %mul3A_9 = arith.muli %add3A_7, %mul3A_8 : i32
    %add3A_10 = arith.constant 0 : i32
    %add3A_11 = arith.addi %mul3A_9, %add3A_10 : i32
    "tpu.region"() ({
      %run_scoped3A = tpu.sem_alloc : memref<!tpu.dma_semaphore, #tpu.memory_space<semaphore_mem>>
      %dma_start3A_94 = arith.constant 0 : i32
      %dma_start3A_95 = tpu.memref_slice %arg3[%add3A_11, %dma_start3A_94] : memref<5120x64xi32, #tpu.memory_space<hbm>> -> memref<80x64xi32, #tpu.memory_space<hbm>>
      %dma_start3A_96 = arith.constant 0 : i32
      %dma_start3A_97 = tpu.memref_slice %arg3[%add3A_11, %dma_start3A_96] : memref<5120x64xi32, #tpu.memory_space<hbm>> -> memref<80x64xi32, #tpu.memory_space<hbm>>
      tpu.enqueue_dma source(%dma_start3A_97 : memref<80x64xi32, #tpu.memory_space<hbm>>) target(%arg7 : memref<80x64xi32, #tpu.memory_space<vmem>>) target_semaphore(%run_scoped3A : memref<!tpu.dma_semaphore, #tpu.memory_space<semaphore_mem>>)
      %dma_wait3A_98 = arith.constant 0 : i32
      %dma_wait3A_99 = tpu.memref_slice %arg3[%add3A_11, %dma_wait3A_98] : memref<5120x64xi32, #tpu.memory_space<hbm>> -> memref<80x64xi32, #tpu.memory_space<hbm>>
      %dma_wait3A_100 = arith.constant 0 : i32
      %dma_wait3A_101 = tpu.memref_slice %arg3[%add3A_11, %dma_wait3A_100] : memref<5120x64xi32, #tpu.memory_space<hbm>> -> memref<80x64xi32, #tpu.memory_space<hbm>>
      tpu.wait_dma2 semaphore(%run_scoped3A : memref<!tpu.dma_semaphore, #tpu.memory_space<semaphore_mem>>) src(%dma_wait3A_101 : memref<80x64xi32, #tpu.memory_space<hbm>>) dst(%arg7 : memref<80x64xi32, #tpu.memory_space<vmem>>)
      tpu.yield
    }) : () -> ()
    %mul3A_12 = arith.constant 160 : i32
    %mul3A_13 = arith.muli %arg1, %mul3A_12 : i32
    %add3A_14 = arith.constant 0 : i32
    %add3A_15 = arith.addi %mul3A_13, %add3A_14 : i32
    "tpu.region"() ({
      %run_scoped3A = tpu.sem_alloc : memref<!tpu.dma_semaphore, #tpu.memory_space<semaphore_mem>>
      %dma_start3A_94 = arith.constant 0 : i32
      %dma_start3A_95 = tpu.memref_slice %arg4[%add3A_15, %dma_start3A_94] : memref<2560x64xi32, #tpu.memory_space<hbm>> -> memref<80x64xi32, #tpu.memory_space<hbm>>
      %dma_start3A_96 = arith.constant 0 : i32
      %dma_start3A_97 = tpu.memref_slice %arg4[%add3A_15, %dma_start3A_96] : memref<2560x64xi32, #tpu.memory_space<hbm>> -> memref<80x64xi32, #tpu.memory_space<hbm>>
      tpu.enqueue_dma source(%dma_start3A_97 : memref<80x64xi32, #tpu.memory_space<hbm>>) target(%arg8 : memref<80x64xi32, #tpu.memory_space<vmem>>) target_semaphore(%run_scoped3A : memref<!tpu.dma_semaphore, #tpu.memory_space<semaphore_mem>>)
      %dma_wait3A_98 = arith.constant 0 : i32
      %dma_wait3A_99 = tpu.memref_slice %arg4[%add3A_15, %dma_wait3A_98] : memref<2560x64xi32, #tpu.memory_space<hbm>> -> memref<80x64xi32, #tpu.memory_space<hbm>>
      %dma_wait3A_100 = arith.constant 0 : i32
      %dma_wait3A_101 = tpu.memref_slice %arg4[%add3A_15, %dma_wait3A_100] : memref<2560x64xi32, #tpu.memory_space<hbm>> -> memref<80x64xi32, #tpu.memory_space<hbm>>
      tpu.wait_dma2 semaphore(%run_scoped3A : memref<!tpu.dma_semaphore, #tpu.memory_space<semaphore_mem>>) src(%dma_wait3A_101 : memref<80x64xi32, #tpu.memory_space<hbm>>) dst(%arg8 : memref<80x64xi32, #tpu.memory_space<vmem>>)
      tpu.yield
    }) : () -> ()
    %dma_start3A = arith.constant 0 : i32
    %dma_start3A_16 = arith.constant 0 : i32
    %dma_start3A_17 = tpu.memref_slice %arg7[%dma_start3A, %dma_start3A_16] : memref<80x64xi32, #tpu.memory_space<vmem>> -> memref<1x64xi32, #tpu.memory_space<vmem>>
    %dma_start3A_18 = tpu.memref_squeeze %dma_start3A_17 : memref<1x64xi32, #tpu.memory_space<vmem>> -> memref<64xi32, #tpu.memory_space<vmem>>
    %dma_start3A_19 = arith.constant 0 : i32
    %dma_start3A_20 = arith.constant 0 : i32
    %dma_start3A_21 = tpu.memref_slice %arg2[%dma_start3A_19, %dma_start3A_20] : memref<20480x128xf32, #tpu.memory_space<hbm>> -> memref<20480x128xf32, #tpu.memory_space<hbm>>
    tpu.enqueue_indirect_dma source(%dma_start3A_21 : memref<20480x128xf32, #tpu.memory_space<hbm>>) target(%arg9 : memref<64x128xf32, #tpu.memory_space<vmem>>) offsets(%dma_start3A_18 : memref<64xi32, #tpu.memory_space<vmem>>) semaphore(%arg13 : memref<!tpu.dma_semaphore, #tpu.memory_space<semaphore_mem>>)
    %dma_start3A_22 = arith.constant 1 : i32
    %dma_start3A_23 = arith.constant 0 : i32
    %dma_start3A_24 = tpu.memref_slice %arg7[%dma_start3A_22, %dma_start3A_23] : memref<80x64xi32, #tpu.memory_space<vmem>> -> memref<1x64xi32, #tpu.memory_space<vmem>>
    %dma_start3A_25 = tpu.memref_squeeze %dma_start3A_24 : memref<1x64xi32, #tpu.memory_space<vmem>> -> memref<64xi32, #tpu.memory_space<vmem>>
    %dma_start3A_26 = arith.constant 0 : i32
    %dma_start3A_27 = arith.constant 0 : i32
    %dma_start3A_28 = tpu.memref_slice %arg2[%dma_start3A_26, %dma_start3A_27] : memref<20480x128xf32, #tpu.memory_space<hbm>> -> memref<20480x128xf32, #tpu.memory_space<hbm>>
    tpu.enqueue_indirect_dma source(%dma_start3A_28 : memref<20480x128xf32, #tpu.memory_space<hbm>>) target(%arg10 : memref<64x128xf32, #tpu.memory_space<vmem>>) offsets(%dma_start3A_25 : memref<64xi32, #tpu.memory_space<vmem>>) semaphore(%arg14 : memref<!tpu.dma_semaphore, #tpu.memory_space<semaphore_mem>>)
    %dma_start3A_29 = arith.constant 2 : i32
    %dma_start3A_30 = arith.constant 0 : i32
    %dma_start3A_31 = tpu.memref_slice %arg7[%dma_start3A_29, %dma_start3A_30] : memref<80x64xi32, #tpu.memory_space<vmem>> -> memref<1x64xi32, #tpu.memory_space<vmem>>
    %dma_start3A_32 = tpu.memref_squeeze %dma_start3A_31 : memref<1x64xi32, #tpu.memory_space<vmem>> -> memref<64xi32, #tpu.memory_space<vmem>>
    %dma_start3A_33 = arith.constant 0 : i32
    %dma_start3A_34 = arith.constant 0 : i32
    %dma_start3A_35 = tpu.memref_slice %arg2[%dma_start3A_33, %dma_start3A_34] : memref<20480x128xf32, #tpu.memory_space<hbm>> -> memref<20480x128xf32, #tpu.memory_space<hbm>>
    tpu.enqueue_indirect_dma source(%dma_start3A_35 : memref<20480x128xf32, #tpu.memory_space<hbm>>) target(%arg11 : memref<64x128xf32, #tpu.memory_space<vmem>>) offsets(%dma_start3A_32 : memref<64xi32, #tpu.memory_space<vmem>>) semaphore(%arg15 : memref<!tpu.dma_semaphore, #tpu.memory_space<semaphore_mem>>)
    %scan3A = arith.constant 0 : i32
    %scan3A_36 = arith.constant 20 : i32
    %scan3A_37 = arith.addi %scan3A, %scan3A_36 : i32
    %scan3A_38 = arith.constant 1 : i32
    scf.for %scan3A_94 = %scan3A to %scan3A_37 step %scan3A_38  : i32 {
      %mul3A_95 = arith.constant 1 : i32
      %mul3A_96 = arith.muli %scan3A_94, %mul3A_95 : i32
      %add3A_97 = arith.constant 0 : i32
      %add3A_98 = arith.addi %add3A_97, %mul3A_96 : i32
      %mul3A_99 = arith.constant 4 : i32
      %mul3A_100 = arith.muli %add3A_98, %mul3A_99 : i32
      %add3A_101 = arith.constant 0 : i32
      %add3A_102 = arith.addi %mul3A_100, %add3A_101 : i32
      %gt3A = arith.constant 0 : i32
      %gt3A_103 = arith.cmpi sgt, %add3A_98, %gt3A : i32
      %convert_element_type3A = arith.extui %gt3A_103 : i1 to i32
      %cond3A = arith.constant 0 : i32
      %cond3A_104 = arith.cmpi ne, %convert_element_type3A, %cond3A : i32
      scf.if %cond3A_104 {
        %dma_wait3A_206 = arith.constant 0 : i32
        %dma_wait3A_207 = arith.constant 0 : i32
        %dma_wait3A_208 = tpu.memref_slice %arg2[%dma_wait3A_206, %dma_wait3A_207] : memref<20480x128xf32, #tpu.memory_space<hbm>> -> memref<64x128xf32, #tpu.memory_space<hbm>>
        %dma_wait3A_209 = arith.constant 0 : i32
        %dma_wait3A_210 = arith.constant 0 : i32
        %dma_wait3A_211 = tpu.memref_slice %arg2[%dma_wait3A_209, %dma_wait3A_210] : memref<20480x128xf32, #tpu.memory_space<hbm>> -> memref<64x128xf32, #tpu.memory_space<hbm>>
        tpu.wait_dma2 semaphore(%arg20 : memref<!tpu.dma_semaphore, #tpu.memory_space<semaphore_mem>>) src(%dma_wait3A_211 : memref<64x128xf32, #tpu.memory_space<hbm>>) dst(%arg12 : memref<64x128xf32, #tpu.memory_space<vmem>>)
      } else {
      }
      %add3A_105 = arith.constant 4 : i32
      %add3A_106 = arith.addi %add3A_102, %add3A_105 : i32
      %sub3A = arith.constant 1 : i32
      %sub3A_107 = arith.subi %add3A_106, %sub3A : i32
      %dma_start3A_108 = arith.constant 0 : i32
      %dma_start3A_109 = tpu.memref_slice %arg7[%sub3A_107, %dma_start3A_108] : memref<80x64xi32, #tpu.memory_space<vmem>> -> memref<1x64xi32, #tpu.memory_space<vmem>>
      %dma_start3A_110 = tpu.memref_squeeze %dma_start3A_109 : memref<1x64xi32, #tpu.memory_space<vmem>> -> memref<64xi32, #tpu.memory_space<vmem>>
      %dma_start3A_111 = arith.constant 0 : i32
      %dma_start3A_112 = arith.constant 0 : i32
      %dma_start3A_113 = tpu.memref_slice %arg2[%dma_start3A_111, %dma_start3A_112] : memref<20480x128xf32, #tpu.memory_space<hbm>> -> memref<20480x128xf32, #tpu.memory_space<hbm>>
      tpu.enqueue_indirect_dma source(%dma_start3A_113 : memref<20480x128xf32, #tpu.memory_space<hbm>>) target(%arg12 : memref<64x128xf32, #tpu.memory_space<vmem>>) offsets(%dma_start3A_110 : memref<64xi32, #tpu.memory_space<vmem>>) semaphore(%arg16 : memref<!tpu.dma_semaphore, #tpu.memory_space<semaphore_mem>>)
      %dma_wait3A_114 = arith.constant 0 : i32
      %dma_wait3A_115 = arith.constant 0 : i32
      %dma_wait3A_116 = tpu.memref_slice %arg2[%dma_wait3A_114, %dma_wait3A_115] : memref<20480x128xf32, #tpu.memory_space<hbm>> -> memref<64x128xf32, #tpu.memory_space<hbm>>
      %dma_wait3A_117 = arith.constant 0 : i32
      %dma_wait3A_118 = arith.constant 0 : i32
      %dma_wait3A_119 = tpu.memref_slice %arg2[%dma_wait3A_117, %dma_wait3A_118] : memref<20480x128xf32, #tpu.memory_space<hbm>> -> memref<64x128xf32, #tpu.memory_space<hbm>>
      tpu.wait_dma2 semaphore(%arg13 : memref<!tpu.dma_semaphore, #tpu.memory_space<semaphore_mem>>) src(%dma_wait3A_119 : memref<64x128xf32, #tpu.memory_space<hbm>>) dst(%arg9 : memref<64x128xf32, #tpu.memory_space<vmem>>)
      %dma_start3A_120 = arith.constant 0 : i32
      %dma_start3A_121 = tpu.memref_slice %arg8[%add3A_102, %dma_start3A_120] : memref<80x64xi32, #tpu.memory_space<vmem>> -> memref<1x64xi32, #tpu.memory_space<vmem>>
      %dma_start3A_122 = tpu.memref_squeeze %dma_start3A_121 : memref<1x64xi32, #tpu.memory_space<vmem>> -> memref<64xi32, #tpu.memory_space<vmem>>
      %dma_start3A_123 = arith.constant 0 : i32
      %dma_start3A_124 = arith.constant 0 : i32
      %dma_start3A_125 = tpu.memref_slice %arg6[%dma_start3A_123, %dma_start3A_124] : memref<10240x128xf32, #tpu.memory_space<vmem_shared>> -> memref<10240x128xf32, #tpu.memory_space<vmem_shared>>
      tpu.enqueue_indirect_dma source(%arg9 : memref<64x128xf32, #tpu.memory_space<vmem>>) target(%dma_start3A_125 : memref<10240x128xf32, #tpu.memory_space<vmem_shared>>) offsets(%dma_start3A_122 : memref<64xi32, #tpu.memory_space<vmem>>) semaphore(%arg17 : memref<!tpu.dma_semaphore, #tpu.memory_space<semaphore_mem>>) {add = true}
      %mul3A_126 = arith.constant 4 : i32
      %mul3A_127 = arith.muli %add3A_98, %mul3A_126 : i32
      %add3A_128 = arith.constant 1 : i32
      %add3A_129 = arith.addi %mul3A_127, %add3A_128 : i32
      %dma_wait3A_130 = arith.constant 0 : i32
      %dma_wait3A_131 = arith.constant 0 : i32
      %dma_wait3A_132 = tpu.memref_slice %arg2[%dma_wait3A_130, %dma_wait3A_131] : memref<20480x128xf32, #tpu.memory_space<hbm>> -> memref<64x128xf32, #tpu.memory_space<hbm>>
      %dma_wait3A_133 = arith.constant 0 : i32
      %dma_wait3A_134 = arith.constant 0 : i32
      %dma_wait3A_135 = tpu.memref_slice %arg2[%dma_wait3A_133, %dma_wait3A_134] : memref<20480x128xf32, #tpu.memory_space<hbm>> -> memref<64x128xf32, #tpu.memory_space<hbm>>
      tpu.wait_dma2 semaphore(%arg17 : memref<!tpu.dma_semaphore, #tpu.memory_space<semaphore_mem>>) src(%dma_wait3A_135 : memref<64x128xf32, #tpu.memory_space<hbm>>) dst(%arg9 : memref<64x128xf32, #tpu.memory_space<vmem>>)
      %lt3A = arith.constant 19 : i32
      %lt3A_136 = arith.cmpi slt, %add3A_98, %lt3A : i32
      %convert_element_type3A_137 = arith.extui %lt3A_136 : i1 to i32
      %cond3A_138 = arith.constant 0 : i32
      %cond3A_139 = arith.cmpi ne, %convert_element_type3A_137, %cond3A_138 : i32
      scf.if %cond3A_139 {
        %add3A_206 = arith.constant 4 : i32
        %add3A_207 = arith.addi %add3A_129, %add3A_206 : i32
        %sub3A_208 = arith.constant 1 : i32
        %sub3A_209 = arith.subi %add3A_207, %sub3A_208 : i32
        %dma_start3A_210 = arith.constant 0 : i32
        %dma_start3A_211 = tpu.memref_slice %arg7[%sub3A_209, %dma_start3A_210] : memref<80x64xi32, #tpu.memory_space<vmem>> -> memref<1x64xi32, #tpu.memory_space<vmem>>
        %dma_start3A_212 = tpu.memref_squeeze %dma_start3A_211 : memref<1x64xi32, #tpu.memory_space<vmem>> -> memref<64xi32, #tpu.memory_space<vmem>>
        %dma_start3A_213 = arith.constant 0 : i32
        %dma_start3A_214 = arith.constant 0 : i32
        %dma_start3A_215 = tpu.memref_slice %arg2[%dma_start3A_213, %dma_start3A_214] : memref<20480x128xf32, #tpu.memory_space<hbm>> -> memref<20480x128xf32, #tpu.memory_space<hbm>>
        tpu.enqueue_indirect_dma source(%dma_start3A_215 : memref<20480x128xf32, #tpu.memory_space<hbm>>) target(%arg9 : memref<64x128xf32, #tpu.memory_space<vmem>>) offsets(%dma_start3A_212 : memref<64xi32, #tpu.memory_space<vmem>>) semaphore(%arg13 : memref<!tpu.dma_semaphore, #tpu.memory_space<semaphore_mem>>)
      } else {
      }
      %dma_wait3A_140 = arith.constant 0 : i32
      %dma_wait3A_141 = arith.constant 0 : i32
      %dma_wait3A_142 = tpu.memref_slice %arg2[%dma_wait3A_140, %dma_wait3A_141] : memref<20480x128xf32, #tpu.memory_space<hbm>> -> memref<64x128xf32, #tpu.memory_space<hbm>>
      %dma_wait3A_143 = arith.constant 0 : i32
      %dma_wait3A_144 = arith.constant 0 : i32
      %dma_wait3A_145 = tpu.memref_slice %arg2[%dma_wait3A_143, %dma_wait3A_144] : memref<20480x128xf32, #tpu.memory_space<hbm>> -> memref<64x128xf32, #tpu.memory_space<hbm>>
      tpu.wait_dma2 semaphore(%arg14 : memref<!tpu.dma_semaphore, #tpu.memory_space<semaphore_mem>>) src(%dma_wait3A_145 : memref<64x128xf32, #tpu.memory_space<hbm>>) dst(%arg10 : memref<64x128xf32, #tpu.memory_space<vmem>>)
      %dma_start3A_146 = arith.constant 0 : i32
      %dma_start3A_147 = tpu.memref_slice %arg8[%add3A_129, %dma_start3A_146] : memref<80x64xi32, #tpu.memory_space<vmem>> -> memref<1x64xi32, #tpu.memory_space<vmem>>
      %dma_start3A_148 = tpu.memref_squeeze %dma_start3A_147 : memref<1x64xi32, #tpu.memory_space<vmem>> -> memref<64xi32, #tpu.memory_space<vmem>>
      %dma_start3A_149 = arith.constant 0 : i32
      %dma_start3A_150 = arith.constant 0 : i32
      %dma_start3A_151 = tpu.memref_slice %arg6[%dma_start3A_149, %dma_start3A_150] : memref<10240x128xf32, #tpu.memory_space<vmem_shared>> -> memref<10240x128xf32, #tpu.memory_space<vmem_shared>>
      tpu.enqueue_indirect_dma source(%arg10 : memref<64x128xf32, #tpu.memory_space<vmem>>) target(%dma_start3A_151 : memref<10240x128xf32, #tpu.memory_space<vmem_shared>>) offsets(%dma_start3A_148 : memref<64xi32, #tpu.memory_space<vmem>>) semaphore(%arg18 : memref<!tpu.dma_semaphore, #tpu.memory_space<semaphore_mem>>) {add = true}
      %mul3A_152 = arith.constant 4 : i32
      %mul3A_153 = arith.muli %add3A_98, %mul3A_152 : i32
      %add3A_154 = arith.constant 2 : i32
      %add3A_155 = arith.addi %mul3A_153, %add3A_154 : i32
      %dma_wait3A_156 = arith.constant 0 : i32
      %dma_wait3A_157 = arith.constant 0 : i32
      %dma_wait3A_158 = tpu.memref_slice %arg2[%dma_wait3A_156, %dma_wait3A_157] : memref<20480x128xf32, #tpu.memory_space<hbm>> -> memref<64x128xf32, #tpu.memory_space<hbm>>
      %dma_wait3A_159 = arith.constant 0 : i32
      %dma_wait3A_160 = arith.constant 0 : i32
      %dma_wait3A_161 = tpu.memref_slice %arg2[%dma_wait3A_159, %dma_wait3A_160] : memref<20480x128xf32, #tpu.memory_space<hbm>> -> memref<64x128xf32, #tpu.memory_space<hbm>>
      tpu.wait_dma2 semaphore(%arg18 : memref<!tpu.dma_semaphore, #tpu.memory_space<semaphore_mem>>) src(%dma_wait3A_161 : memref<64x128xf32, #tpu.memory_space<hbm>>) dst(%arg10 : memref<64x128xf32, #tpu.memory_space<vmem>>)
      %lt3A_162 = arith.constant 19 : i32
      %lt3A_163 = arith.cmpi slt, %add3A_98, %lt3A_162 : i32
      %convert_element_type3A_164 = arith.extui %lt3A_163 : i1 to i32
      %cond3A_165 = arith.constant 0 : i32
      %cond3A_166 = arith.cmpi ne, %convert_element_type3A_164, %cond3A_165 : i32
      scf.if %cond3A_166 {
        %add3A_206 = arith.constant 4 : i32
        %add3A_207 = arith.addi %add3A_155, %add3A_206 : i32
        %sub3A_208 = arith.constant 1 : i32
        %sub3A_209 = arith.subi %add3A_207, %sub3A_208 : i32
        %dma_start3A_210 = arith.constant 0 : i32
        %dma_start3A_211 = tpu.memref_slice %arg7[%sub3A_209, %dma_start3A_210] : memref<80x64xi32, #tpu.memory_space<vmem>> -> memref<1x64xi32, #tpu.memory_space<vmem>>
        %dma_start3A_212 = tpu.memref_squeeze %dma_start3A_211 : memref<1x64xi32, #tpu.memory_space<vmem>> -> memref<64xi32, #tpu.memory_space<vmem>>
        %dma_start3A_213 = arith.constant 0 : i32
        %dma_start3A_214 = arith.constant 0 : i32
        %dma_start3A_215 = tpu.memref_slice %arg2[%dma_start3A_213, %dma_start3A_214] : memref<20480x128xf32, #tpu.memory_space<hbm>> -> memref<20480x128xf32, #tpu.memory_space<hbm>>
        tpu.enqueue_indirect_dma source(%dma_start3A_215 : memref<20480x128xf32, #tpu.memory_space<hbm>>) target(%arg10 : memref<64x128xf32, #tpu.memory_space<vmem>>) offsets(%dma_start3A_212 : memref<64xi32, #tpu.memory_space<vmem>>) semaphore(%arg14 : memref<!tpu.dma_semaphore, #tpu.memory_space<semaphore_mem>>)
      } else {
      }
      %dma_wait3A_167 = arith.constant 0 : i32
      %dma_wait3A_168 = arith.constant 0 : i32
      %dma_wait3A_169 = tpu.memref_slice %arg2[%dma_wait3A_167, %dma_wait3A_168] : memref<20480x128xf32, #tpu.memory_space<hbm>> -> memref<64x128xf32, #tpu.memory_space<hbm>>
      %dma_wait3A_170 = arith.constant 0 : i32
      %dma_wait3A_171 = arith.constant 0 : i32
      %dma_wait3A_172 = tpu.memref_slice %arg2[%dma_wait3A_170, %dma_wait3A_171] : memref<20480x128xf32, #tpu.memory_space<hbm>> -> memref<64x128xf32, #tpu.memory_space<hbm>>
      tpu.wait_dma2 semaphore(%arg15 : memref<!tpu.dma_semaphore, #tpu.memory_space<semaphore_mem>>) src(%dma_wait3A_172 : memref<64x128xf32, #tpu.memory_space<hbm>>) dst(%arg11 : memref<64x128xf32, #tpu.memory_space<vmem>>)
      %dma_start3A_173 = arith.constant 0 : i32
      %dma_start3A_174 = tpu.memref_slice %arg8[%add3A_155, %dma_start3A_173] : memref<80x64xi32, #tpu.memory_space<vmem>> -> memref<1x64xi32, #tpu.memory_space<vmem>>
      %dma_start3A_175 = tpu.memref_squeeze %dma_start3A_174 : memref<1x64xi32, #tpu.memory_space<vmem>> -> memref<64xi32, #tpu.memory_space<vmem>>
      %dma_start3A_176 = arith.constant 0 : i32
      %dma_start3A_177 = arith.constant 0 : i32
      %dma_start3A_178 = tpu.memref_slice %arg6[%dma_start3A_176, %dma_start3A_177] : memref<10240x128xf32, #tpu.memory_space<vmem_shared>> -> memref<10240x128xf32, #tpu.memory_space<vmem_shared>>
      tpu.enqueue_indirect_dma source(%arg11 : memref<64x128xf32, #tpu.memory_space<vmem>>) target(%dma_start3A_178 : memref<10240x128xf32, #tpu.memory_space<vmem_shared>>) offsets(%dma_start3A_175 : memref<64xi32, #tpu.memory_space<vmem>>) semaphore(%arg19 : memref<!tpu.dma_semaphore, #tpu.memory_space<semaphore_mem>>) {add = true}
      %mul3A_179 = arith.constant 4 : i32
      %mul3A_180 = arith.muli %add3A_98, %mul3A_179 : i32
      %add3A_181 = arith.constant 3 : i32
      %add3A_182 = arith.addi %mul3A_180, %add3A_181 : i32
      %dma_wait3A_183 = arith.constant 0 : i32
      %dma_wait3A_184 = arith.constant 0 : i32
      %dma_wait3A_185 = tpu.memref_slice %arg2[%dma_wait3A_183, %dma_wait3A_184] : memref<20480x128xf32, #tpu.memory_space<hbm>> -> memref<64x128xf32, #tpu.memory_space<hbm>>
      %dma_wait3A_186 = arith.constant 0 : i32
      %dma_wait3A_187 = arith.constant 0 : i32
      %dma_wait3A_188 = tpu.memref_slice %arg2[%dma_wait3A_186, %dma_wait3A_187] : memref<20480x128xf32, #tpu.memory_space<hbm>> -> memref<64x128xf32, #tpu.memory_space<hbm>>
      tpu.wait_dma2 semaphore(%arg19 : memref<!tpu.dma_semaphore, #tpu.memory_space<semaphore_mem>>) src(%dma_wait3A_188 : memref<64x128xf32, #tpu.memory_space<hbm>>) dst(%arg11 : memref<64x128xf32, #tpu.memory_space<vmem>>)
      %lt3A_189 = arith.constant 19 : i32
      %lt3A_190 = arith.cmpi slt, %add3A_98, %lt3A_189 : i32
      %convert_element_type3A_191 = arith.extui %lt3A_190 : i1 to i32
      %cond3A_192 = arith.constant 0 : i32
      %cond3A_193 = arith.cmpi ne, %convert_element_type3A_191, %cond3A_192 : i32
      scf.if %cond3A_193 {
        %add3A_206 = arith.constant 4 : i32
        %add3A_207 = arith.addi %add3A_182, %add3A_206 : i32
        %sub3A_208 = arith.constant 1 : i32
        %sub3A_209 = arith.subi %add3A_207, %sub3A_208 : i32
        %dma_start3A_210 = arith.constant 0 : i32
        %dma_start3A_211 = tpu.memref_slice %arg7[%sub3A_209, %dma_start3A_210] : memref<80x64xi32, #tpu.memory_space<vmem>> -> memref<1x64xi32, #tpu.memory_space<vmem>>
        %dma_start3A_212 = tpu.memref_squeeze %dma_start3A_211 : memref<1x64xi32, #tpu.memory_space<vmem>> -> memref<64xi32, #tpu.memory_space<vmem>>
        %dma_start3A_213 = arith.constant 0 : i32
        %dma_start3A_214 = arith.constant 0 : i32
        %dma_start3A_215 = tpu.memref_slice %arg2[%dma_start3A_213, %dma_start3A_214] : memref<20480x128xf32, #tpu.memory_space<hbm>> -> memref<20480x128xf32, #tpu.memory_space<hbm>>
        tpu.enqueue_indirect_dma source(%dma_start3A_215 : memref<20480x128xf32, #tpu.memory_space<hbm>>) target(%arg11 : memref<64x128xf32, #tpu.memory_space<vmem>>) offsets(%dma_start3A_212 : memref<64xi32, #tpu.memory_space<vmem>>) semaphore(%arg15 : memref<!tpu.dma_semaphore, #tpu.memory_space<semaphore_mem>>)
      } else {
      }
      %dma_wait3A_194 = arith.constant 0 : i32
      %dma_wait3A_195 = arith.constant 0 : i32
      %dma_wait3A_196 = tpu.memref_slice %arg2[%dma_wait3A_194, %dma_wait3A_195] : memref<20480x128xf32, #tpu.memory_space<hbm>> -> memref<64x128xf32, #tpu.memory_space<hbm>>
      %dma_wait3A_197 = arith.constant 0 : i32
      %dma_wait3A_198 = arith.constant 0 : i32
      %dma_wait3A_199 = tpu.memref_slice %arg2[%dma_wait3A_197, %dma_wait3A_198] : memref<20480x128xf32, #tpu.memory_space<hbm>> -> memref<64x128xf32, #tpu.memory_space<hbm>>
      tpu.wait_dma2 semaphore(%arg16 : memref<!tpu.dma_semaphore, #tpu.memory_space<semaphore_mem>>) src(%dma_wait3A_199 : memref<64x128xf32, #tpu.memory_space<hbm>>) dst(%arg12 : memref<64x128xf32, #tpu.memory_space<vmem>>)
      %dma_start3A_200 = arith.constant 0 : i32
      %dma_start3A_201 = tpu.memref_slice %arg8[%add3A_182, %dma_start3A_200] : memref<80x64xi32, #tpu.memory_space<vmem>> -> memref<1x64xi32, #tpu.memory_space<vmem>>
      %dma_start3A_202 = tpu.memref_squeeze %dma_start3A_201 : memref<1x64xi32, #tpu.memory_space<vmem>> -> memref<64xi32, #tpu.memory_space<vmem>>
      %dma_start3A_203 = arith.constant 0 : i32
      %dma_start3A_204 = arith.constant 0 : i32
      %dma_start3A_205 = tpu.memref_slice %arg6[%dma_start3A_203, %dma_start3A_204] : memref<10240x128xf32, #tpu.memory_space<vmem_shared>> -> memref<10240x128xf32, #tpu.memory_space<vmem_shared>>
      tpu.enqueue_indirect_dma source(%arg12 : memref<64x128xf32, #tpu.memory_space<vmem>>) target(%dma_start3A_205 : memref<10240x128xf32, #tpu.memory_space<vmem_shared>>) offsets(%dma_start3A_202 : memref<64xi32, #tpu.memory_space<vmem>>) semaphore(%arg20 : memref<!tpu.dma_semaphore, #tpu.memory_space<semaphore_mem>>) {add = true}
    }
    %scan3A_39 = arith.constant 20 : i32
    %dma_wait3A = arith.constant 0 : i32
    %dma_wait3A_40 = arith.constant 0 : i32
    %dma_wait3A_41 = tpu.memref_slice %arg2[%dma_wait3A, %dma_wait3A_40] : memref<20480x128xf32, #tpu.memory_space<hbm>> -> memref<64x128xf32, #tpu.memory_space<hbm>>
    %dma_wait3A_42 = arith.constant 0 : i32
    %dma_wait3A_43 = arith.constant 0 : i32
    %dma_wait3A_44 = tpu.memref_slice %arg2[%dma_wait3A_42, %dma_wait3A_43] : memref<20480x128xf32, #tpu.memory_space<hbm>> -> memref<64x128xf32, #tpu.memory_space<hbm>>
    tpu.wait_dma2 semaphore(%arg20 : memref<!tpu.dma_semaphore, #tpu.memory_space<semaphore_mem>>) src(%dma_wait3A_44 : memref<64x128xf32, #tpu.memory_space<hbm>>) dst(%arg12 : memref<64x128xf32, #tpu.memory_space<vmem>>)
    %mul3A_45 = arith.constant 16 : i32
    %mul3A_46 = arith.muli %arg0, %mul3A_45 : i32
    %add3A_47 = arith.addi %mul3A_46, %arg1 : i32
    %mul3A_48 = arith.constant 160 : i32
    %mul3A_49 = arith.muli %add3A_47, %mul3A_48 : i32
    %add3A_50 = arith.constant 80 : i32
    %add3A_51 = arith.addi %mul3A_49, %add3A_50 : i32
    "tpu.region"() ({
      %run_scoped3A = tpu.sem_alloc : memref<!tpu.dma_semaphore, #tpu.memory_space<semaphore_mem>>
      %dma_start3A_94 = arith.constant 0 : i32
      %dma_start3A_95 = tpu.memref_slice %arg3[%add3A_51, %dma_start3A_94] : memref<5120x64xi32, #tpu.memory_space<hbm>> -> memref<80x64xi32, #tpu.memory_space<hbm>>
      %dma_start3A_96 = arith.constant 0 : i32
      %dma_start3A_97 = tpu.memref_slice %arg3[%add3A_51, %dma_start3A_96] : memref<5120x64xi32, #tpu.memory_space<hbm>> -> memref<80x64xi32, #tpu.memory_space<hbm>>
      tpu.enqueue_dma source(%dma_start3A_97 : memref<80x64xi32, #tpu.memory_space<hbm>>) target(%arg7 : memref<80x64xi32, #tpu.memory_space<vmem>>) target_semaphore(%run_scoped3A : memref<!tpu.dma_semaphore, #tpu.memory_space<semaphore_mem>>)
      %dma_wait3A_98 = arith.constant 0 : i32
      %dma_wait3A_99 = tpu.memref_slice %arg3[%add3A_51, %dma_wait3A_98] : memref<5120x64xi32, #tpu.memory_space<hbm>> -> memref<80x64xi32, #tpu.memory_space<hbm>>
      %dma_wait3A_100 = arith.constant 0 : i32
      %dma_wait3A_101 = tpu.memref_slice %arg3[%add3A_51, %dma_wait3A_100] : memref<5120x64xi32, #tpu.memory_space<hbm>> -> memref<80x64xi32, #tpu.memory_space<hbm>>
      tpu.wait_dma2 semaphore(%run_scoped3A : memref<!tpu.dma_semaphore, #tpu.memory_space<semaphore_mem>>) src(%dma_wait3A_101 : memref<80x64xi32, #tpu.memory_space<hbm>>) dst(%arg7 : memref<80x64xi32, #tpu.memory_space<vmem>>)
      tpu.yield
    }) : () -> ()
    %mul3A_52 = arith.constant 160 : i32
    %mul3A_53 = arith.muli %arg1, %mul3A_52 : i32
    %add3A_54 = arith.constant 80 : i32
    %add3A_55 = arith.addi %mul3A_53, %add3A_54 : i32
    "tpu.region"() ({
      %run_scoped3A = tpu.sem_alloc : memref<!tpu.dma_semaphore, #tpu.memory_space<semaphore_mem>>
      %dma_start3A_94 = arith.constant 0 : i32
      %dma_start3A_95 = tpu.memref_slice %arg4[%add3A_55, %dma_start3A_94] : memref<2560x64xi32, #tpu.memory_space<hbm>> -> memref<80x64xi32, #tpu.memory_space<hbm>>
      %dma_start3A_96 = arith.constant 0 : i32
      %dma_start3A_97 = tpu.memref_slice %arg4[%add3A_55, %dma_start3A_96] : memref<2560x64xi32, #tpu.memory_space<hbm>> -> memref<80x64xi32, #tpu.memory_space<hbm>>
      tpu.enqueue_dma source(%dma_start3A_97 : memref<80x64xi32, #tpu.memory_space<hbm>>) target(%arg8 : memref<80x64xi32, #tpu.memory_space<vmem>>) target_semaphore(%run_scoped3A : memref<!tpu.dma_semaphore, #tpu.memory_space<semaphore_mem>>)
      %dma_wait3A_98 = arith.constant 0 : i32
      %dma_wait3A_99 = tpu.memref_slice %arg4[%add3A_55, %dma_wait3A_98] : memref<2560x64xi32, #tpu.memory_space<hbm>> -> memref<80x64xi32, #tpu.memory_space<hbm>>
      %dma_wait3A_100 = arith.constant 0 : i32
      %dma_wait3A_101 = tpu.memref_slice %arg4[%add3A_55, %dma_wait3A_100] : memref<2560x64xi32, #tpu.memory_space<hbm>> -> memref<80x64xi32, #tpu.memory_space<hbm>>
      tpu.wait_dma2 semaphore(%run_scoped3A : memref<!tpu.dma_semaphore, #tpu.memory_space<semaphore_mem>>) src(%dma_wait3A_101 : memref<80x64xi32, #tpu.memory_space<hbm>>) dst(%arg8 : memref<80x64xi32, #tpu.memory_space<vmem>>)
      tpu.yield
    }) : () -> ()
    %dma_start3A_56 = arith.constant 0 : i32
    %dma_start3A_57 = arith.constant 0 : i32
    %dma_start3A_58 = tpu.memref_slice %arg7[%dma_start3A_56, %dma_start3A_57] : memref<80x64xi32, #tpu.memory_space<vmem>> -> memref<1x64xi32, #tpu.memory_space<vmem>>
    %dma_start3A_59 = tpu.memref_squeeze %dma_start3A_58 : memref<1x64xi32, #tpu.memory_space<vmem>> -> memref<64xi32, #tpu.memory_space<vmem>>
    %dma_start3A_60 = arith.constant 0 : i32
    %dma_start3A_61 = arith.constant 0 : i32
    %dma_start3A_62 = tpu.memref_slice %arg2[%dma_start3A_60, %dma_start3A_61] : memref<20480x128xf32, #tpu.memory_space<hbm>> -> memref<20480x128xf32, #tpu.memory_space<hbm>>
    tpu.enqueue_indirect_dma source(%dma_start3A_62 : memref<20480x128xf32, #tpu.memory_space<hbm>>) target(%arg9 : memref<64x128xf32, #tpu.memory_space<vmem>>) offsets(%dma_start3A_59 : memref<64xi32, #tpu.memory_space<vmem>>) semaphore(%arg13 : memref<!tpu.dma_semaphore, #tpu.memory_space<semaphore_mem>>)
    %dma_start3A_63 = arith.constant 1 : i32
    %dma_start3A_64 = arith.constant 0 : i32
    %dma_start3A_65 = tpu.memref_slice %arg7[%dma_start3A_63, %dma_start3A_64] : memref<80x64xi32, #tpu.memory_space<vmem>> -> memref<1x64xi32, #tpu.memory_space<vmem>>
    %dma_start3A_66 = tpu.memref_squeeze %dma_start3A_65 : memref<1x64xi32, #tpu.memory_space<vmem>> -> memref<64xi32, #tpu.memory_space<vmem>>
    %dma_start3A_67 = arith.constant 0 : i32
    %dma_start3A_68 = arith.constant 0 : i32
    %dma_start3A_69 = tpu.memref_slice %arg2[%dma_start3A_67, %dma_start3A_68] : memref<20480x128xf32, #tpu.memory_space<hbm>> -> memref<20480x128xf32, #tpu.memory_space<hbm>>
    tpu.enqueue_indirect_dma source(%dma_start3A_69 : memref<20480x128xf32, #tpu.memory_space<hbm>>) target(%arg10 : memref<64x128xf32, #tpu.memory_space<vmem>>) offsets(%dma_start3A_66 : memref<64xi32, #tpu.memory_space<vmem>>) semaphore(%arg14 : memref<!tpu.dma_semaphore, #tpu.memory_space<semaphore_mem>>)
    %dma_start3A_70 = arith.constant 2 : i32
    %dma_start3A_71 = arith.constant 0 : i32
    %dma_start3A_72 = tpu.memref_slice %arg7[%dma_start3A_70, %dma_start3A_71] : memref<80x64xi32, #tpu.memory_space<vmem>> -> memref<1x64xi32, #tpu.memory_space<vmem>>
    %dma_start3A_73 = tpu.memref_squeeze %dma_start3A_72 : memref<1x64xi32, #tpu.memory_space<vmem>> -> memref<64xi32, #tpu.memory_space<vmem>>
    %dma_start3A_74 = arith.constant 0 : i32
    %dma_start3A_75 = arith.constant 0 : i32
    %dma_start3A_76 = tpu.memref_slice %arg2[%dma_start3A_74, %dma_start3A_75] : memref<20480x128xf32, #tpu.memory_space<hbm>> -> memref<20480x128xf32, #tpu.memory_space<hbm>>
    tpu.enqueue_indirect_dma source(%dma_start3A_76 : memref<20480x128xf32, #tpu.memory_space<hbm>>) target(%arg11 : memref<64x128xf32, #tpu.memory_space<vmem>>) offsets(%dma_start3A_73 : memref<64xi32, #tpu.memory_space<vmem>>) semaphore(%arg15 : memref<!tpu.dma_semaphore, #tpu.memory_space<semaphore_mem>>)
    %scan3A_77 = arith.constant 0 : i32
    %scan3A_78 = arith.constant 20 : i32
    %scan3A_79 = arith.addi %scan3A_77, %scan3A_78 : i32
    %scan3A_80 = arith.constant 1 : i32
    scf.for %scan3A_94 = %scan3A_77 to %scan3A_79 step %scan3A_80  : i32 {
      %mul3A_95 = arith.constant 1 : i32
      %mul3A_96 = arith.muli %scan3A_94, %mul3A_95 : i32
      %add3A_97 = arith.constant 0 : i32
      %add3A_98 = arith.addi %add3A_97, %mul3A_96 : i32
      %mul3A_99 = arith.constant 4 : i32
      %mul3A_100 = arith.muli %add3A_98, %mul3A_99 : i32
      %add3A_101 = arith.constant 0 : i32
      %add3A_102 = arith.addi %mul3A_100, %add3A_101 : i32
      %gt3A = arith.constant 0 : i32
      %gt3A_103 = arith.cmpi sgt, %add3A_98, %gt3A : i32
      %convert_element_type3A = arith.extui %gt3A_103 : i1 to i32
      %cond3A = arith.constant 0 : i32
      %cond3A_104 = arith.cmpi ne, %convert_element_type3A, %cond3A : i32
      scf.if %cond3A_104 {
        %dma_wait3A_206 = arith.constant 0 : i32
        %dma_wait3A_207 = arith.constant 0 : i32
        %dma_wait3A_208 = tpu.memref_slice %arg2[%dma_wait3A_206, %dma_wait3A_207] : memref<20480x128xf32, #tpu.memory_space<hbm>> -> memref<64x128xf32, #tpu.memory_space<hbm>>
        %dma_wait3A_209 = arith.constant 0 : i32
        %dma_wait3A_210 = arith.constant 0 : i32
        %dma_wait3A_211 = tpu.memref_slice %arg2[%dma_wait3A_209, %dma_wait3A_210] : memref<20480x128xf32, #tpu.memory_space<hbm>> -> memref<64x128xf32, #tpu.memory_space<hbm>>
        tpu.wait_dma2 semaphore(%arg20 : memref<!tpu.dma_semaphore, #tpu.memory_space<semaphore_mem>>) src(%dma_wait3A_211 : memref<64x128xf32, #tpu.memory_space<hbm>>) dst(%arg12 : memref<64x128xf32, #tpu.memory_space<vmem>>)
      } else {
      }
      %add3A_105 = arith.constant 4 : i32
      %add3A_106 = arith.addi %add3A_102, %add3A_105 : i32
      %sub3A = arith.constant 1 : i32
      %sub3A_107 = arith.subi %add3A_106, %sub3A : i32
      %dma_start3A_108 = arith.constant 0 : i32
      %dma_start3A_109 = tpu.memref_slice %arg7[%sub3A_107, %dma_start3A_108] : memref<80x64xi32, #tpu.memory_space<vmem>> -> memref<1x64xi32, #tpu.memory_space<vmem>>
      %dma_start3A_110 = tpu.memref_squeeze %dma_start3A_109 : memref<1x64xi32, #tpu.memory_space<vmem>> -> memref<64xi32, #tpu.memory_space<vmem>>
      %dma_start3A_111 = arith.constant 0 : i32
      %dma_start3A_112 = arith.constant 0 : i32
      %dma_start3A_113 = tpu.memref_slice %arg2[%dma_start3A_111, %dma_start3A_112] : memref<20480x128xf32, #tpu.memory_space<hbm>> -> memref<20480x128xf32, #tpu.memory_space<hbm>>
      tpu.enqueue_indirect_dma source(%dma_start3A_113 : memref<20480x128xf32, #tpu.memory_space<hbm>>) target(%arg12 : memref<64x128xf32, #tpu.memory_space<vmem>>) offsets(%dma_start3A_110 : memref<64xi32, #tpu.memory_space<vmem>>) semaphore(%arg16 : memref<!tpu.dma_semaphore, #tpu.memory_space<semaphore_mem>>)
      %dma_wait3A_114 = arith.constant 0 : i32
      %dma_wait3A_115 = arith.constant 0 : i32
      %dma_wait3A_116 = tpu.memref_slice %arg2[%dma_wait3A_114, %dma_wait3A_115] : memref<20480x128xf32, #tpu.memory_space<hbm>> -> memref<64x128xf32, #tpu.memory_space<hbm>>
      %dma_wait3A_117 = arith.constant 0 : i32
      %dma_wait3A_118 = arith.constant 0 : i32
      %dma_wait3A_119 = tpu.memref_slice %arg2[%dma_wait3A_117, %dma_wait3A_118] : memref<20480x128xf32, #tpu.memory_space<hbm>> -> memref<64x128xf32, #tpu.memory_space<hbm>>
      tpu.wait_dma2 semaphore(%arg13 : memref<!tpu.dma_semaphore, #tpu.memory_space<semaphore_mem>>) src(%dma_wait3A_119 : memref<64x128xf32, #tpu.memory_space<hbm>>) dst(%arg9 : memref<64x128xf32, #tpu.memory_space<vmem>>)
      %dma_start3A_120 = arith.constant 0 : i32
      %dma_start3A_121 = tpu.memref_slice %arg8[%add3A_102, %dma_start3A_120] : memref<80x64xi32, #tpu.memory_space<vmem>> -> memref<1x64xi32, #tpu.memory_space<vmem>>
      %dma_start3A_122 = tpu.memref_squeeze %dma_start3A_121 : memref<1x64xi32, #tpu.memory_space<vmem>> -> memref<64xi32, #tpu.memory_space<vmem>>
      %dma_start3A_123 = arith.constant 0 : i32
      %dma_start3A_124 = arith.constant 0 : i32
      %dma_start3A_125 = tpu.memref_slice %arg6[%dma_start3A_123, %dma_start3A_124] : memref<10240x128xf32, #tpu.memory_space<vmem_shared>> -> memref<10240x128xf32, #tpu.memory_space<vmem_shared>>
      tpu.enqueue_indirect_dma source(%arg9 : memref<64x128xf32, #tpu.memory_space<vmem>>) target(%dma_start3A_125 : memref<10240x128xf32, #tpu.memory_space<vmem_shared>>) offsets(%dma_start3A_122 : memref<64xi32, #tpu.memory_space<vmem>>) semaphore(%arg17 : memref<!tpu.dma_semaphore, #tpu.memory_space<semaphore_mem>>) {add = true}
      %mul3A_126 = arith.constant 4 : i32
      %mul3A_127 = arith.muli %add3A_98, %mul3A_126 : i32
      %add3A_128 = arith.constant 1 : i32
      %add3A_129 = arith.addi %mul3A_127, %add3A_128 : i32
      %dma_wait3A_130 = arith.constant 0 : i32
      %dma_wait3A_131 = arith.constant 0 : i32
      %dma_wait3A_132 = tpu.memref_slice %arg2[%dma_wait3A_130, %dma_wait3A_131] : memref<20480x128xf32, #tpu.memory_space<hbm>> -> memref<64x128xf32, #tpu.memory_space<hbm>>
      %dma_wait3A_133 = arith.constant 0 : i32
      %dma_wait3A_134 = arith.constant 0 : i32
      %dma_wait3A_135 = tpu.memref_slice %arg2[%dma_wait3A_133, %dma_wait3A_134] : memref<20480x128xf32, #tpu.memory_space<hbm>> -> memref<64x128xf32, #tpu.memory_space<hbm>>
      tpu.wait_dma2 semaphore(%arg17 : memref<!tpu.dma_semaphore, #tpu.memory_space<semaphore_mem>>) src(%dma_wait3A_135 : memref<64x128xf32, #tpu.memory_space<hbm>>) dst(%arg9 : memref<64x128xf32, #tpu.memory_space<vmem>>)
      %lt3A = arith.constant 19 : i32
      %lt3A_136 = arith.cmpi slt, %add3A_98, %lt3A : i32
      %convert_element_type3A_137 = arith.extui %lt3A_136 : i1 to i32
      %cond3A_138 = arith.constant 0 : i32
      %cond3A_139 = arith.cmpi ne, %convert_element_type3A_137, %cond3A_138 : i32
      scf.if %cond3A_139 {
        %add3A_206 = arith.constant 4 : i32
        %add3A_207 = arith.addi %add3A_129, %add3A_206 : i32
        %sub3A_208 = arith.constant 1 : i32
        %sub3A_209 = arith.subi %add3A_207, %sub3A_208 : i32
        %dma_start3A_210 = arith.constant 0 : i32
        %dma_start3A_211 = tpu.memref_slice %arg7[%sub3A_209, %dma_start3A_210] : memref<80x64xi32, #tpu.memory_space<vmem>> -> memref<1x64xi32, #tpu.memory_space<vmem>>
        %dma_start3A_212 = tpu.memref_squeeze %dma_start3A_211 : memref<1x64xi32, #tpu.memory_space<vmem>> -> memref<64xi32, #tpu.memory_space<vmem>>
        %dma_start3A_213 = arith.constant 0 : i32
        %dma_start3A_214 = arith.constant 0 : i32
        %dma_start3A_215 = tpu.memref_slice %arg2[%dma_start3A_213, %dma_start3A_214] : memref<20480x128xf32, #tpu.memory_space<hbm>> -> memref<20480x128xf32, #tpu.memory_space<hbm>>
        tpu.enqueue_indirect_dma source(%dma_start3A_215 : memref<20480x128xf32, #tpu.memory_space<hbm>>) target(%arg9 : memref<64x128xf32, #tpu.memory_space<vmem>>) offsets(%dma_start3A_212 : memref<64xi32, #tpu.memory_space<vmem>>) semaphore(%arg13 : memref<!tpu.dma_semaphore, #tpu.memory_space<semaphore_mem>>)
      } else {
      }
      %dma_wait3A_140 = arith.constant 0 : i32
      %dma_wait3A_141 = arith.constant 0 : i32
      %dma_wait3A_142 = tpu.memref_slice %arg2[%dma_wait3A_140, %dma_wait3A_141] : memref<20480x128xf32, #tpu.memory_space<hbm>> -> memref<64x128xf32, #tpu.memory_space<hbm>>
      %dma_wait3A_143 = arith.constant 0 : i32
      %dma_wait3A_144 = arith.constant 0 : i32
      %dma_wait3A_145 = tpu.memref_slice %arg2[%dma_wait3A_143, %dma_wait3A_144] : memref<20480x128xf32, #tpu.memory_space<hbm>> -> memref<64x128xf32, #tpu.memory_space<hbm>>
      tpu.wait_dma2 semaphore(%arg14 : memref<!tpu.dma_semaphore, #tpu.memory_space<semaphore_mem>>) src(%dma_wait3A_145 : memref<64x128xf32, #tpu.memory_space<hbm>>) dst(%arg10 : memref<64x128xf32, #tpu.memory_space<vmem>>)
      %dma_start3A_146 = arith.constant 0 : i32
      %dma_start3A_147 = tpu.memref_slice %arg8[%add3A_129, %dma_start3A_146] : memref<80x64xi32, #tpu.memory_space<vmem>> -> memref<1x64xi32, #tpu.memory_space<vmem>>
      %dma_start3A_148 = tpu.memref_squeeze %dma_start3A_147 : memref<1x64xi32, #tpu.memory_space<vmem>> -> memref<64xi32, #tpu.memory_space<vmem>>
      %dma_start3A_149 = arith.constant 0 : i32
      %dma_start3A_150 = arith.constant 0 : i32
      %dma_start3A_151 = tpu.memref_slice %arg6[%dma_start3A_149, %dma_start3A_150] : memref<10240x128xf32, #tpu.memory_space<vmem_shared>> -> memref<10240x128xf32, #tpu.memory_space<vmem_shared>>
      tpu.enqueue_indirect_dma source(%arg10 : memref<64x128xf32, #tpu.memory_space<vmem>>) target(%dma_start3A_151 : memref<10240x128xf32, #tpu.memory_space<vmem_shared>>) offsets(%dma_start3A_148 : memref<64xi32, #tpu.memory_space<vmem>>) semaphore(%arg18 : memref<!tpu.dma_semaphore, #tpu.memory_space<semaphore_mem>>) {add = true}
      %mul3A_152 = arith.constant 4 : i32
      %mul3A_153 = arith.muli %add3A_98, %mul3A_152 : i32
      %add3A_154 = arith.constant 2 : i32
      %add3A_155 = arith.addi %mul3A_153, %add3A_154 : i32
      %dma_wait3A_156 = arith.constant 0 : i32
      %dma_wait3A_157 = arith.constant 0 : i32
      %dma_wait3A_158 = tpu.memref_slice %arg2[%dma_wait3A_156, %dma_wait3A_157] : memref<20480x128xf32, #tpu.memory_space<hbm>> -> memref<64x128xf32, #tpu.memory_space<hbm>>
      %dma_wait3A_159 = arith.constant 0 : i32
      %dma_wait3A_160 = arith.constant 0 : i32
      %dma_wait3A_161 = tpu.memref_slice %arg2[%dma_wait3A_159, %dma_wait3A_160] : memref<20480x128xf32, #tpu.memory_space<hbm>> -> memref<64x128xf32, #tpu.memory_space<hbm>>
      tpu.wait_dma2 semaphore(%arg18 : memref<!tpu.dma_semaphore, #tpu.memory_space<semaphore_mem>>) src(%dma_wait3A_161 : memref<64x128xf32, #tpu.memory_space<hbm>>) dst(%arg10 : memref<64x128xf32, #tpu.memory_space<vmem>>)
      %lt3A_162 = arith.constant 19 : i32
      %lt3A_163 = arith.cmpi slt, %add3A_98, %lt3A_162 : i32
      %convert_element_type3A_164 = arith.extui %lt3A_163 : i1 to i32
      %cond3A_165 = arith.constant 0 : i32
      %cond3A_166 = arith.cmpi ne, %convert_element_type3A_164, %cond3A_165 : i32
      scf.if %cond3A_166 {
        %add3A_206 = arith.constant 4 : i32
        %add3A_207 = arith.addi %add3A_155, %add3A_206 : i32
        %sub3A_208 = arith.constant 1 : i32
        %sub3A_209 = arith.subi %add3A_207, %sub3A_208 : i32
        %dma_start3A_210 = arith.constant 0 : i32
        %dma_start3A_211 = tpu.memref_slice %arg7[%sub3A_209, %dma_start3A_210] : memref<80x64xi32, #tpu.memory_space<vmem>> -> memref<1x64xi32, #tpu.memory_space<vmem>>
        %dma_start3A_212 = tpu.memref_squeeze %dma_start3A_211 : memref<1x64xi32, #tpu.memory_space<vmem>> -> memref<64xi32, #tpu.memory_space<vmem>>
        %dma_start3A_213 = arith.constant 0 : i32
        %dma_start3A_214 = arith.constant 0 : i32
        %dma_start3A_215 = tpu.memref_slice %arg2[%dma_start3A_213, %dma_start3A_214] : memref<20480x128xf32, #tpu.memory_space<hbm>> -> memref<20480x128xf32, #tpu.memory_space<hbm>>
        tpu.enqueue_indirect_dma source(%dma_start3A_215 : memref<20480x128xf32, #tpu.memory_space<hbm>>) target(%arg10 : memref<64x128xf32, #tpu.memory_space<vmem>>) offsets(%dma_start3A_212 : memref<64xi32, #tpu.memory_space<vmem>>) semaphore(%arg14 : memref<!tpu.dma_semaphore, #tpu.memory_space<semaphore_mem>>)
      } else {
      }
      %dma_wait3A_167 = arith.constant 0 : i32
      %dma_wait3A_168 = arith.constant 0 : i32
      %dma_wait3A_169 = tpu.memref_slice %arg2[%dma_wait3A_167, %dma_wait3A_168] : memref<20480x128xf32, #tpu.memory_space<hbm>> -> memref<64x128xf32, #tpu.memory_space<hbm>>
      %dma_wait3A_170 = arith.constant 0 : i32
      %dma_wait3A_171 = arith.constant 0 : i32
      %dma_wait3A_172 = tpu.memref_slice %arg2[%dma_wait3A_170, %dma_wait3A_171] : memref<20480x128xf32, #tpu.memory_space<hbm>> -> memref<64x128xf32, #tpu.memory_space<hbm>>
      tpu.wait_dma2 semaphore(%arg15 : memref<!tpu.dma_semaphore, #tpu.memory_space<semaphore_mem>>) src(%dma_wait3A_172 : memref<64x128xf32, #tpu.memory_space<hbm>>) dst(%arg11 : memref<64x128xf32, #tpu.memory_space<vmem>>)
      %dma_start3A_173 = arith.constant 0 : i32
      %dma_start3A_174 = tpu.memref_slice %arg8[%add3A_155, %dma_start3A_173] : memref<80x64xi32, #tpu.memory_space<vmem>> -> memref<1x64xi32, #tpu.memory_space<vmem>>
      %dma_start3A_175 = tpu.memref_squeeze %dma_start3A_174 : memref<1x64xi32, #tpu.memory_space<vmem>> -> memref<64xi32, #tpu.memory_space<vmem>>
      %dma_start3A_176 = arith.constant 0 : i32
      %dma_start3A_177 = arith.constant 0 : i32
      %dma_start3A_178 = tpu.memref_slice %arg6[%dma_start3A_176, %dma_start3A_177] : memref<10240x128xf32, #tpu.memory_space<vmem_shared>> -> memref<10240x128xf32, #tpu.memory_space<vmem_shared>>
      tpu.enqueue_indirect_dma source(%arg11 : memref<64x128xf32, #tpu.memory_space<vmem>>) target(%dma_start3A_178 : memref<10240x128xf32, #tpu.memory_space<vmem_shared>>) offsets(%dma_start3A_175 : memref<64xi32, #tpu.memory_space<vmem>>) semaphore(%arg19 : memref<!tpu.dma_semaphore, #tpu.memory_space<semaphore_mem>>) {add = true}
      %mul3A_179 = arith.constant 4 : i32
      %mul3A_180 = arith.muli %add3A_98, %mul3A_179 : i32
      %add3A_181 = arith.constant 3 : i32
      %add3A_182 = arith.addi %mul3A_180, %add3A_181 : i32
      %dma_wait3A_183 = arith.constant 0 : i32
      %dma_wait3A_184 = arith.constant 0 : i32
      %dma_wait3A_185 = tpu.memref_slice %arg2[%dma_wait3A_183, %dma_wait3A_184] : memref<20480x128xf32, #tpu.memory_space<hbm>> -> memref<64x128xf32, #tpu.memory_space<hbm>>
      %dma_wait3A_186 = arith.constant 0 : i32
      %dma_wait3A_187 = arith.constant 0 : i32
      %dma_wait3A_188 = tpu.memref_slice %arg2[%dma_wait3A_186, %dma_wait3A_187] : memref<20480x128xf32, #tpu.memory_space<hbm>> -> memref<64x128xf32, #tpu.memory_space<hbm>>
      tpu.wait_dma2 semaphore(%arg19 : memref<!tpu.dma_semaphore, #tpu.memory_space<semaphore_mem>>) src(%dma_wait3A_188 : memref<64x128xf32, #tpu.memory_space<hbm>>) dst(%arg11 : memref<64x128xf32, #tpu.memory_space<vmem>>)
      %lt3A_189 = arith.constant 19 : i32
      %lt3A_190 = arith.cmpi slt, %add3A_98, %lt3A_189 : i32
      %convert_element_type3A_191 = arith.extui %lt3A_190 : i1 to i32
      %cond3A_192 = arith.constant 0 : i32
      %cond3A_193 = arith.cmpi ne, %convert_element_type3A_191, %cond3A_192 : i32
      scf.if %cond3A_193 {
        %add3A_206 = arith.constant 4 : i32
        %add3A_207 = arith.addi %add3A_182, %add3A_206 : i32
        %sub3A_208 = arith.constant 1 : i32
        %sub3A_209 = arith.subi %add3A_207, %sub3A_208 : i32
        %dma_start3A_210 = arith.constant 0 : i32
        %dma_start3A_211 = tpu.memref_slice %arg7[%sub3A_209, %dma_start3A_210] : memref<80x64xi32, #tpu.memory_space<vmem>> -> memref<1x64xi32, #tpu.memory_space<vmem>>
        %dma_start3A_212 = tpu.memref_squeeze %dma_start3A_211 : memref<1x64xi32, #tpu.memory_space<vmem>> -> memref<64xi32, #tpu.memory_space<vmem>>
        %dma_start3A_213 = arith.constant 0 : i32
        %dma_start3A_214 = arith.constant 0 : i32
        %dma_start3A_215 = tpu.memref_slice %arg2[%dma_start3A_213, %dma_start3A_214] : memref<20480x128xf32, #tpu.memory_space<hbm>> -> memref<20480x128xf32, #tpu.memory_space<hbm>>
        tpu.enqueue_indirect_dma source(%dma_start3A_215 : memref<20480x128xf32, #tpu.memory_space<hbm>>) target(%arg11 : memref<64x128xf32, #tpu.memory_space<vmem>>) offsets(%dma_start3A_212 : memref<64xi32, #tpu.memory_space<vmem>>) semaphore(%arg15 : memref<!tpu.dma_semaphore, #tpu.memory_space<semaphore_mem>>)
      } else {
      }
      %dma_wait3A_194 = arith.constant 0 : i32
      %dma_wait3A_195 = arith.constant 0 : i32
      %dma_wait3A_196 = tpu.memref_slice %arg2[%dma_wait3A_194, %dma_wait3A_195] : memref<20480x128xf32, #tpu.memory_space<hbm>> -> memref<64x128xf32, #tpu.memory_space<hbm>>
      %dma_wait3A_197 = arith.constant 0 : i32
      %dma_wait3A_198 = arith.constant 0 : i32
      %dma_wait3A_199 = tpu.memref_slice %arg2[%dma_wait3A_197, %dma_wait3A_198] : memref<20480x128xf32, #tpu.memory_space<hbm>> -> memref<64x128xf32, #tpu.memory_space<hbm>>
      tpu.wait_dma2 semaphore(%arg16 : memref<!tpu.dma_semaphore, #tpu.memory_space<semaphore_mem>>) src(%dma_wait3A_199 : memref<64x128xf32, #tpu.memory_space<hbm>>) dst(%arg12 : memref<64x128xf32, #tpu.memory_space<vmem>>)
      %dma_start3A_200 = arith.constant 0 : i32
      %dma_start3A_201 = tpu.memref_slice %arg8[%add3A_182, %dma_start3A_200] : memref<80x64xi32, #tpu.memory_space<vmem>> -> memref<1x64xi32, #tpu.memory_space<vmem>>
      %dma_start3A_202 = tpu.memref_squeeze %dma_start3A_201 : memref<1x64xi32, #tpu.memory_space<vmem>> -> memref<64xi32, #tpu.memory_space<vmem>>
      %dma_start3A_203 = arith.constant 0 : i32
      %dma_start3A_204 = arith.constant 0 : i32
      %dma_start3A_205 = tpu.memref_slice %arg6[%dma_start3A_203, %dma_start3A_204] : memref<10240x128xf32, #tpu.memory_space<vmem_shared>> -> memref<10240x128xf32, #tpu.memory_space<vmem_shared>>
      tpu.enqueue_indirect_dma source(%arg12 : memref<64x128xf32, #tpu.memory_space<vmem>>) target(%dma_start3A_205 : memref<10240x128xf32, #tpu.memory_space<vmem_shared>>) offsets(%dma_start3A_202 : memref<64xi32, #tpu.memory_space<vmem>>) semaphore(%arg20 : memref<!tpu.dma_semaphore, #tpu.memory_space<semaphore_mem>>) {add = true}
    }
    %scan3A_81 = arith.constant 20 : i32
    %dma_wait3A_82 = arith.constant 0 : i32
    %dma_wait3A_83 = arith.constant 0 : i32
    %dma_wait3A_84 = tpu.memref_slice %arg2[%dma_wait3A_82, %dma_wait3A_83] : memref<20480x128xf32, #tpu.memory_space<hbm>> -> memref<64x128xf32, #tpu.memory_space<hbm>>
    %dma_wait3A_85 = arith.constant 0 : i32
    %dma_wait3A_86 = arith.constant 0 : i32
    %dma_wait3A_87 = tpu.memref_slice %arg2[%dma_wait3A_85, %dma_wait3A_86] : memref<20480x128xf32, #tpu.memory_space<hbm>> -> memref<64x128xf32, #tpu.memory_space<hbm>>
    tpu.wait_dma2 semaphore(%arg20 : memref<!tpu.dma_semaphore, #tpu.memory_space<semaphore_mem>>) src(%dma_wait3A_87 : memref<64x128xf32, #tpu.memory_space<hbm>>) dst(%arg12 : memref<64x128xf32, #tpu.memory_space<vmem>>)
    %barrier3A_88 = arith.constant 0 : index
    tpu.barrier barrier_id(%barrier3A_88)
    %mul3A_89 = arith.constant 640 : i32
    %mul3A_90 = arith.muli %arg1, %mul3A_89 : i32
    %mul3A_91 = arith.constant 640 : i32
    %mul3A_92 = arith.muli %arg1, %mul3A_91 : i32
    %add3A_93 = arith.addi %mul3A_0, %mul3A_92 : i32
    "tpu.region"() ({
      %run_scoped3A = tpu.sem_alloc : memref<!tpu.dma_semaphore, #tpu.memory_space<semaphore_mem>>
      %dma_start3A_94 = arith.constant 0 : i32
      %dma_start3A_95 = tpu.memref_slice %arg5[%add3A_93, %dma_start3A_94] : memref<20480x128xf32, #tpu.memory_space<hbm>> -> memref<640x128xf32, #tpu.memory_space<hbm>>
      %dma_start3A_96 = arith.constant 0 : i32
      %dma_start3A_97 = tpu.memref_slice %arg6[%mul3A_90, %dma_start3A_96] : memref<10240x128xf32, #tpu.memory_space<vmem_shared>> -> memref<640x128xf32, #tpu.memory_space<vmem_shared>>
      tpu.enqueue_dma source(%dma_start3A_97 : memref<640x128xf32, #tpu.memory_space<vmem_shared>>) target(%dma_start3A_95 : memref<640x128xf32, #tpu.memory_space<hbm>>) target_semaphore(%run_scoped3A : memref<!tpu.dma_semaphore, #tpu.memory_space<semaphore_mem>>)
      %dma_wait3A_98 = arith.constant 0 : i32
      %dma_wait3A_99 = tpu.memref_slice %arg5[%add3A_93, %dma_wait3A_98] : memref<20480x128xf32, #tpu.memory_space<hbm>> -> memref<640x128xf32, #tpu.memory_space<hbm>>
      %dma_wait3A_100 = arith.constant 0 : i32
      %dma_wait3A_101 = tpu.memref_slice %arg6[%mul3A_90, %dma_wait3A_100] : memref<10240x128xf32, #tpu.memory_space<vmem_shared>> -> memref<640x128xf32, #tpu.memory_space<vmem_shared>>
      tpu.wait_dma2 semaphore(%run_scoped3A : memref<!tpu.dma_semaphore, #tpu.memory_space<semaphore_mem>>) src(%dma_wait3A_101 : memref<640x128xf32, #tpu.memory_space<vmem_shared>>) dst(%dma_wait3A_99 : memref<640x128xf32, #tpu.memory_space<hbm>>)
      tpu.yield
    }) : () -> ()
    return
  }
}

#map = affine_map<(d0, d1) -> (0)>
#map1 = affine_map<(d0, d1) -> (0, 0)>
module attributes {stable_mosaic.version = 14 : i64} {
  func.func @_deg_kernel(%arg0: i32, %arg1: i32, %arg2: memref<163840xi32, #tpu.memory_space<hbm>>, %arg3: memref<32x10240xf32, #tpu.memory_space<hbm>>, %arg4: memref<10240xf32, #tpu.memory_space<vmem>>, %arg5: memref<5120xi32, #tpu.memory_space<vmem>>) attributes {dimension_semantics = [#tpu.dimension_semantics<core_parallel>, #tpu.dimension_semantics<subcore_parallel>], iteration_bounds = array<i64: 2, 16>, scalar_prefetch = 0 : i64, scratch_operands = 2 : i64, tpu.core_type = #tpu.core_type<sc_vector_subcore>, window_params = [{transform_indices = #map}, {transform_indices = #map1}]} {
    %mul3A = arith.constant 16 : i32
    %mul3A_0 = arith.muli %arg0, %mul3A : i32
    %add3A = arith.addi %mul3A_0, %arg1 : i32
    %broadcast_in_dim3A = arith.constant 0.000000e+00 : f32
    %broadcast_in_dim3A_1 = vector.broadcast %broadcast_in_dim3A : f32 to vector<16xf32>
    %broadcast_in_dim3A_2 = arith.constant 1.000000e+00 : f32
    %broadcast_in_dim3A_3 = vector.broadcast %broadcast_in_dim3A_2 : f32 to vector<16xf32>
    %mul3A_4 = arith.constant 5120 : i32
    %mul3A_5 = arith.muli %add3A, %mul3A_4 : i32
    "tpu.region"() ({
      %run_scoped3A = tpu.sem_alloc : memref<!tpu.dma_semaphore, #tpu.memory_space<semaphore_mem>>
      %dma_start3A = tpu.memref_slice %arg2[%mul3A_5] : memref<163840xi32, #tpu.memory_space<hbm>> -> memref<5120xi32, #tpu.memory_space<hbm>>
      %dma_start3A_15 = tpu.memref_slice %arg2[%mul3A_5] : memref<163840xi32, #tpu.memory_space<hbm>> -> memref<5120xi32, #tpu.memory_space<hbm>>
      tpu.enqueue_dma source(%dma_start3A_15 : memref<5120xi32, #tpu.memory_space<hbm>>) target(%arg5 : memref<5120xi32, #tpu.memory_space<vmem>>) target_semaphore(%run_scoped3A : memref<!tpu.dma_semaphore, #tpu.memory_space<semaphore_mem>>)
      %dma_wait3A = tpu.memref_slice %arg2[%mul3A_5] : memref<163840xi32, #tpu.memory_space<hbm>> -> memref<5120xi32, #tpu.memory_space<hbm>>
      %dma_wait3A_16 = tpu.memref_slice %arg2[%mul3A_5] : memref<163840xi32, #tpu.memory_space<hbm>> -> memref<5120xi32, #tpu.memory_space<hbm>>
      tpu.wait_dma2 semaphore(%run_scoped3A : memref<!tpu.dma_semaphore, #tpu.memory_space<semaphore_mem>>) src(%dma_wait3A_16 : memref<5120xi32, #tpu.memory_space<hbm>>) dst(%arg5 : memref<5120xi32, #tpu.memory_space<vmem>>)
      tpu.yield
    }) : () -> ()
    %scan3A = arith.constant 0 : i32
    %scan3A_6 = arith.constant 640 : i32
    %scan3A_7 = arith.addi %scan3A, %scan3A_6 : i32
    %scan3A_8 = arith.constant 1 : i32
    scf.for %scan3A_15 = %scan3A to %scan3A_7 step %scan3A_8  : i32 {
      %mul3A_16 = arith.constant 1 : i32
      %mul3A_17 = arith.muli %scan3A_15, %mul3A_16 : i32
      %add3A_18 = arith.constant 0 : i32
      %add3A_19 = arith.addi %add3A_18, %mul3A_17 : i32
      %mul3A_20 = arith.constant 16 : i32
      %mul3A_21 = arith.muli %add3A_19, %mul3A_20 : i32
      %swap3A = arith.index_cast %mul3A_21 : i32 to index
      %swap3A_22 = tpu.vector_load %arg4[%swap3A] {strides = array<i32>} : memref<10240xf32, #tpu.memory_space<vmem>>, vector<16xf32>,
      tpu.vector_store %arg4[%swap3A], %broadcast_in_dim3A_1 {strides = array<i32>} : memref<10240xf32, #tpu.memory_space<vmem>>, vector<16xf32>,
    }
    %scan3A_9 = arith.constant 640 : i32
    %scan3A_10 = arith.constant 0 : i32
    %scan3A_11 = arith.constant 320 : i32
    %scan3A_12 = arith.addi %scan3A_10, %scan3A_11 : i32
    %scan3A_13 = arith.constant 1 : i32
    scf.for %scan3A_15 = %scan3A_10 to %scan3A_12 step %scan3A_13  : i32 {
      %mul3A_16 = arith.constant 1 : i32
      %mul3A_17 = arith.muli %scan3A_15, %mul3A_16 : i32
      %add3A_18 = arith.constant 0 : i32
      %add3A_19 = arith.addi %add3A_18, %mul3A_17 : i32
      %mul3A_20 = arith.constant 16 : i32
      %mul3A_21 = arith.muli %add3A_19, %mul3A_20 : i32
      %get3A = arith.index_cast %mul3A_21 : i32 to index
      %get3A_22 = tpu.vector_load %arg5[%get3A] {strides = array<i32>} : memref<5120xi32, #tpu.memory_space<vmem>>, vector<16xi32>,
      %scatter3A = arith.constant 0 : i32
      %scatter3A_23 = tpu.memref_slice %arg4[%scatter3A] : memref<10240xf32, #tpu.memory_space<vmem>> -> memref<10240xf32, #tpu.memory_space<vmem>>
      tpu.vector_store_idx %scatter3A_23[%get3A_22], %broadcast_in_dim3A_3 {add = true} : memref<10240xf32, #tpu.memory_space<vmem>>[vector<16xi32>], vector<16xf32>,
    }
    %scan3A_14 = arith.constant 320 : i32
    "tpu.region"() ({
      %run_scoped3A = tpu.sem_alloc : memref<!tpu.dma_semaphore, #tpu.memory_space<semaphore_mem>>
      %dma_start3A = arith.constant 0 : i32
      %dma_start3A_15 = tpu.memref_slice %arg3[%add3A, %dma_start3A] : memref<32x10240xf32, #tpu.memory_space<hbm>> -> memref<1x10240xf32, #tpu.memory_space<hbm>>
      %dma_start3A_16 = tpu.memref_squeeze %dma_start3A_15 : memref<1x10240xf32, #tpu.memory_space<hbm>> -> memref<10240xf32, #tpu.memory_space<hbm>>
      %dma_start3A_17 = arith.constant 0 : i32
      %dma_start3A_18 = tpu.memref_slice %arg3[%add3A, %dma_start3A_17] : memref<32x10240xf32, #tpu.memory_space<hbm>> -> memref<1x10240xf32, #tpu.memory_space<hbm>>
      %dma_start3A_19 = tpu.memref_squeeze %dma_start3A_18 : memref<1x10240xf32, #tpu.memory_space<hbm>> -> memref<10240xf32, #tpu.memory_space<hbm>>
      tpu.enqueue_dma source(%arg4 : memref<10240xf32, #tpu.memory_space<vmem>>) target(%dma_start3A_19 : memref<10240xf32, #tpu.memory_space<hbm>>) target_semaphore(%run_scoped3A : memref<!tpu.dma_semaphore, #tpu.memory_space<semaphore_mem>>)
      %dma_wait3A = arith.constant 0 : i32
      %dma_wait3A_20 = tpu.memref_slice %arg3[%add3A, %dma_wait3A] : memref<32x10240xf32, #tpu.memory_space<hbm>> -> memref<1x10240xf32, #tpu.memory_space<hbm>>
      %dma_wait3A_21 = tpu.memref_squeeze %dma_wait3A_20 : memref<1x10240xf32, #tpu.memory_space<hbm>> -> memref<10240xf32, #tpu.memory_space<hbm>>
      %dma_wait3A_22 = arith.constant 0 : i32
      %dma_wait3A_23 = tpu.memref_slice %arg3[%add3A, %dma_wait3A_22] : memref<32x10240xf32, #tpu.memory_space<hbm>> -> memref<1x10240xf32, #tpu.memory_space<hbm>>
      %dma_wait3A_24 = tpu.memref_squeeze %dma_wait3A_23 : memref<1x10240xf32, #tpu.memory_space<hbm>> -> memref<10240xf32, #tpu.memory_space<hbm>>
      tpu.wait_dma2 semaphore(%run_scoped3A : memref<!tpu.dma_semaphore, #tpu.memory_space<semaphore_mem>>) src(%arg4 : memref<10240xf32, #tpu.memory_space<vmem>>) dst(%dma_wait3A_24 : memref<10240xf32, #tpu.memory_space<hbm>>)
      tpu.yield
    }) : () -> ()
    return
  }
}

#map = affine_map<(d0, d1) -> (0, 0)>
module attributes {stable_mosaic.version = 14 : i64} {
  func.func @_agg_kernel(%arg0: i32, %arg1: i32, %arg2: memref<20480x128xf32, #tpu.memory_space<hbm>>, %arg3: memref<5120x64xi32, #tpu.memory_space<hbm>>, %arg4: memref<2560x64xi32, #tpu.memory_space<hbm>>, %arg5: memref<20480x128xf32, #tpu.memory_space<hbm>>, %arg6: memref<10240x128xf32, #tpu.memory_space<vmem_shared>>, %arg7: memref<80x64xi32, #tpu.memory_space<vmem>>, %arg8: memref<80x64xi32, #tpu.memory_space<vmem>>, %arg9: memref<64x128xf32, #tpu.memory_space<vmem>>, %arg10: memref<64x128xf32, #tpu.memory_space<vmem>>, %arg11: memref<64x128xf32, #tpu.memory_space<vmem>>, %arg12: memref<64x128xf32, #tpu.memory_space<vmem>>, %arg13: memref<!tpu.dma_semaphore, #tpu.memory_space<semaphore_mem>>, %arg14: memref<!tpu.dma_semaphore, #tpu.memory_space<semaphore_mem>>, %arg15: memref<!tpu.dma_semaphore, #tpu.memory_space<semaphore_mem>>, %arg16: memref<!tpu.dma_semaphore, #tpu.memory_space<semaphore_mem>>, %arg17: memref<!tpu.dma_semaphore, #tpu.memory_space<semaphore_mem>>, %arg18: memref<!tpu.dma_semaphore, #tpu.memory_space<semaphore_mem>>, %arg19: memref<!tpu.dma_semaphore, #tpu.memory_space<semaphore_mem>>, %arg20: memref<!tpu.dma_semaphore, #tpu.memory_space<semaphore_mem>>) attributes {dimension_semantics = [#tpu.dimension_semantics<core_parallel>, #tpu.dimension_semantics<subcore_parallel>], iteration_bounds = array<i64: 2, 16>, scalar_prefetch = 0 : i64, scratch_operands = 15 : i64, tpu.core_type = #tpu.core_type<sc_vector_subcore>, window_params = [{transform_indices = #map}, {transform_indices = #map}, {transform_indices = #map}, {transform_indices = #map}]} {
    %mul3A = arith.constant 10240 : i32
    %mul3A_0 = arith.muli %arg0, %mul3A : i32
    %mul3A_1 = arith.constant 640 : i32
    %mul3A_2 = arith.muli %arg1, %mul3A_1 : i32
    %add3A = arith.addi %mul3A_0, %mul3A_2 : i32
    %mul3A_3 = arith.constant 640 : i32
    %mul3A_4 = arith.muli %arg1, %mul3A_3 : i32
    "tpu.region"() ({
      %run_scoped3A = tpu.sem_alloc : memref<!tpu.dma_semaphore, #tpu.memory_space<semaphore_mem>>
      %dma_start3A_94 = arith.constant 0 : i32
      %dma_start3A_95 = tpu.memref_slice %arg6[%mul3A_4, %dma_start3A_94] : memref<10240x128xf32, #tpu.memory_space<vmem_shared>> -> memref<640x128xf32, #tpu.memory_space<vmem_shared>>
      %dma_start3A_96 = arith.constant 0 : i32
      %dma_start3A_97 = tpu.memref_slice %arg2[%add3A, %dma_start3A_96] : memref<20480x128xf32, #tpu.memory_space<hbm>> -> memref<640x128xf32, #tpu.memory_space<hbm>>
      tpu.enqueue_dma source(%dma_start3A_97 : memref<640x128xf32, #tpu.memory_space<hbm>>) target(%dma_start3A_95 : memref<640x128xf32, #tpu.memory_space<vmem_shared>>) target_semaphore(%run_scoped3A : memref<!tpu.dma_semaphore, #tpu.memory_space<semaphore_mem>>)
      %dma_wait3A_98 = arith.constant 0 : i32
      %dma_wait3A_99 = tpu.memref_slice %arg6[%mul3A_4, %dma_wait3A_98] : memref<10240x128xf32, #tpu.memory_space<vmem_shared>> -> memref<640x128xf32, #tpu.memory_space<vmem_shared>>
      %dma_wait3A_100 = arith.constant 0 : i32
      %dma_wait3A_101 = tpu.memref_slice %arg2[%add3A, %dma_wait3A_100] : memref<20480x128xf32, #tpu.memory_space<hbm>> -> memref<640x128xf32, #tpu.memory_space<hbm>>
      tpu.wait_dma2 semaphore(%run_scoped3A : memref<!tpu.dma_semaphore, #tpu.memory_space<semaphore_mem>>) src(%dma_wait3A_101 : memref<640x128xf32, #tpu.memory_space<hbm>>) dst(%dma_wait3A_99 : memref<640x128xf32, #tpu.memory_space<vmem_shared>>)
      tpu.yield
    }) : () -> ()
    %barrier3A = arith.constant 0 : index
    tpu.barrier barrier_id(%barrier3A)
    %mul3A_5 = arith.constant 16 : i32
    %mul3A_6 = arith.muli %arg0, %mul3A_5 : i32
    %add3A_7 = arith.addi %mul3A_6, %arg1 : i32
    %mul3A_8 = arith.constant 160 : i32
    %mul3A_9 = arith.muli %add3A_7, %mul3A_8 : i32
    %add3A_10 = arith.constant 0 : i32
    %add3A_11 = arith.addi %mul3A_9, %add3A_10 : i32
    "tpu.region"() ({
      %run_scoped3A = tpu.sem_alloc : memref<!tpu.dma_semaphore, #tpu.memory_space<semaphore_mem>>
      %dma_start3A_94 = arith.constant 0 : i32
      %dma_start3A_95 = tpu.memref_slice %arg3[%add3A_11, %dma_start3A_94] : memref<5120x64xi32, #tpu.memory_space<hbm>> -> memref<80x64xi32, #tpu.memory_space<hbm>>
      %dma_start3A_96 = arith.constant 0 : i32
      %dma_start3A_97 = tpu.memref_slice %arg3[%add3A_11, %dma_start3A_96] : memref<5120x64xi32, #tpu.memory_space<hbm>> -> memref<80x64xi32, #tpu.memory_space<hbm>>
      tpu.enqueue_dma source(%dma_start3A_97 : memref<80x64xi32, #tpu.memory_space<hbm>>) target(%arg7 : memref<80x64xi32, #tpu.memory_space<vmem>>) target_semaphore(%run_scoped3A : memref<!tpu.dma_semaphore, #tpu.memory_space<semaphore_mem>>)
      %dma_wait3A_98 = arith.constant 0 : i32
      %dma_wait3A_99 = tpu.memref_slice %arg3[%add3A_11, %dma_wait3A_98] : memref<5120x64xi32, #tpu.memory_space<hbm>> -> memref<80x64xi32, #tpu.memory_space<hbm>>
      %dma_wait3A_100 = arith.constant 0 : i32
      %dma_wait3A_101 = tpu.memref_slice %arg3[%add3A_11, %dma_wait3A_100] : memref<5120x64xi32, #tpu.memory_space<hbm>> -> memref<80x64xi32, #tpu.memory_space<hbm>>
      tpu.wait_dma2 semaphore(%run_scoped3A : memref<!tpu.dma_semaphore, #tpu.memory_space<semaphore_mem>>) src(%dma_wait3A_101 : memref<80x64xi32, #tpu.memory_space<hbm>>) dst(%arg7 : memref<80x64xi32, #tpu.memory_space<vmem>>)
      tpu.yield
    }) : () -> ()
    %mul3A_12 = arith.constant 160 : i32
    %mul3A_13 = arith.muli %arg1, %mul3A_12 : i32
    %add3A_14 = arith.constant 0 : i32
    %add3A_15 = arith.addi %mul3A_13, %add3A_14 : i32
    "tpu.region"() ({
      %run_scoped3A = tpu.sem_alloc : memref<!tpu.dma_semaphore, #tpu.memory_space<semaphore_mem>>
      %dma_start3A_94 = arith.constant 0 : i32
      %dma_start3A_95 = tpu.memref_slice %arg4[%add3A_15, %dma_start3A_94] : memref<2560x64xi32, #tpu.memory_space<hbm>> -> memref<80x64xi32, #tpu.memory_space<hbm>>
      %dma_start3A_96 = arith.constant 0 : i32
      %dma_start3A_97 = tpu.memref_slice %arg4[%add3A_15, %dma_start3A_96] : memref<2560x64xi32, #tpu.memory_space<hbm>> -> memref<80x64xi32, #tpu.memory_space<hbm>>
      tpu.enqueue_dma source(%dma_start3A_97 : memref<80x64xi32, #tpu.memory_space<hbm>>) target(%arg8 : memref<80x64xi32, #tpu.memory_space<vmem>>) target_semaphore(%run_scoped3A : memref<!tpu.dma_semaphore, #tpu.memory_space<semaphore_mem>>)
      %dma_wait3A_98 = arith.constant 0 : i32
      %dma_wait3A_99 = tpu.memref_slice %arg4[%add3A_15, %dma_wait3A_98] : memref<2560x64xi32, #tpu.memory_space<hbm>> -> memref<80x64xi32, #tpu.memory_space<hbm>>
      %dma_wait3A_100 = arith.constant 0 : i32
      %dma_wait3A_101 = tpu.memref_slice %arg4[%add3A_15, %dma_wait3A_100] : memref<2560x64xi32, #tpu.memory_space<hbm>> -> memref<80x64xi32, #tpu.memory_space<hbm>>
      tpu.wait_dma2 semaphore(%run_scoped3A : memref<!tpu.dma_semaphore, #tpu.memory_space<semaphore_mem>>) src(%dma_wait3A_101 : memref<80x64xi32, #tpu.memory_space<hbm>>) dst(%arg8 : memref<80x64xi32, #tpu.memory_space<vmem>>)
      tpu.yield
    }) : () -> ()
    %dma_start3A = arith.constant 0 : i32
    %dma_start3A_16 = arith.constant 0 : i32
    %dma_start3A_17 = tpu.memref_slice %arg7[%dma_start3A, %dma_start3A_16] : memref<80x64xi32, #tpu.memory_space<vmem>> -> memref<1x64xi32, #tpu.memory_space<vmem>>
    %dma_start3A_18 = tpu.memref_squeeze %dma_start3A_17 : memref<1x64xi32, #tpu.memory_space<vmem>> -> memref<64xi32, #tpu.memory_space<vmem>>
    %dma_start3A_19 = arith.constant 0 : i32
    %dma_start3A_20 = arith.constant 0 : i32
    %dma_start3A_21 = tpu.memref_slice %arg2[%dma_start3A_19, %dma_start3A_20] : memref<20480x128xf32, #tpu.memory_space<hbm>> -> memref<20480x128xf32, #tpu.memory_space<hbm>>
    tpu.enqueue_indirect_dma source(%dma_start3A_21 : memref<20480x128xf32, #tpu.memory_space<hbm>>) target(%arg9 : memref<64x128xf32, #tpu.memory_space<vmem>>) offsets(%dma_start3A_18 : memref<64xi32, #tpu.memory_space<vmem>>) semaphore(%arg13 : memref<!tpu.dma_semaphore, #tpu.memory_space<semaphore_mem>>)
    %dma_start3A_22 = arith.constant 1 : i32
    %dma_start3A_23 = arith.constant 0 : i32
    %dma_start3A_24 = tpu.memref_slice %arg7[%dma_start3A_22, %dma_start3A_23] : memref<80x64xi32, #tpu.memory_space<vmem>> -> memref<1x64xi32, #tpu.memory_space<vmem>>
    %dma_start3A_25 = tpu.memref_squeeze %dma_start3A_24 : memref<1x64xi32, #tpu.memory_space<vmem>> -> memref<64xi32, #tpu.memory_space<vmem>>
    %dma_start3A_26 = arith.constant 0 : i32
    %dma_start3A_27 = arith.constant 0 : i32
    %dma_start3A_28 = tpu.memref_slice %arg2[%dma_start3A_26, %dma_start3A_27] : memref<20480x128xf32, #tpu.memory_space<hbm>> -> memref<20480x128xf32, #tpu.memory_space<hbm>>
    tpu.enqueue_indirect_dma source(%dma_start3A_28 : memref<20480x128xf32, #tpu.memory_space<hbm>>) target(%arg10 : memref<64x128xf32, #tpu.memory_space<vmem>>) offsets(%dma_start3A_25 : memref<64xi32, #tpu.memory_space<vmem>>) semaphore(%arg14 : memref<!tpu.dma_semaphore, #tpu.memory_space<semaphore_mem>>)
    %dma_start3A_29 = arith.constant 2 : i32
    %dma_start3A_30 = arith.constant 0 : i32
    %dma_start3A_31 = tpu.memref_slice %arg7[%dma_start3A_29, %dma_start3A_30] : memref<80x64xi32, #tpu.memory_space<vmem>> -> memref<1x64xi32, #tpu.memory_space<vmem>>
    %dma_start3A_32 = tpu.memref_squeeze %dma_start3A_31 : memref<1x64xi32, #tpu.memory_space<vmem>> -> memref<64xi32, #tpu.memory_space<vmem>>
    %dma_start3A_33 = arith.constant 0 : i32
    %dma_start3A_34 = arith.constant 0 : i32
    %dma_start3A_35 = tpu.memref_slice %arg2[%dma_start3A_33, %dma_start3A_34] : memref<20480x128xf32, #tpu.memory_space<hbm>> -> memref<20480x128xf32, #tpu.memory_space<hbm>>
    tpu.enqueue_indirect_dma source(%dma_start3A_35 : memref<20480x128xf32, #tpu.memory_space<hbm>>) target(%arg11 : memref<64x128xf32, #tpu.memory_space<vmem>>) offsets(%dma_start3A_32 : memref<64xi32, #tpu.memory_space<vmem>>) semaphore(%arg15 : memref<!tpu.dma_semaphore, #tpu.memory_space<semaphore_mem>>)
    %scan3A = arith.constant 0 : i32
    %scan3A_36 = arith.constant 20 : i32
    %scan3A_37 = arith.addi %scan3A, %scan3A_36 : i32
    %scan3A_38 = arith.constant 1 : i32
    scf.for %scan3A_94 = %scan3A to %scan3A_37 step %scan3A_38  : i32 {
      %mul3A_95 = arith.constant 1 : i32
      %mul3A_96 = arith.muli %scan3A_94, %mul3A_95 : i32
      %add3A_97 = arith.constant 0 : i32
      %add3A_98 = arith.addi %add3A_97, %mul3A_96 : i32
      %mul3A_99 = arith.constant 4 : i32
      %mul3A_100 = arith.muli %add3A_98, %mul3A_99 : i32
      %add3A_101 = arith.constant 0 : i32
      %add3A_102 = arith.addi %mul3A_100, %add3A_101 : i32
      %gt3A = arith.constant 0 : i32
      %gt3A_103 = arith.cmpi sgt, %add3A_98, %gt3A : i32
      %convert_element_type3A = arith.extui %gt3A_103 : i1 to i32
      %cond3A = arith.constant 0 : i32
      %cond3A_104 = arith.cmpi ne, %convert_element_type3A, %cond3A : i32
      scf.if %cond3A_104 {
        %dma_wait3A_206 = arith.constant 0 : i32
        %dma_wait3A_207 = arith.constant 0 : i32
        %dma_wait3A_208 = tpu.memref_slice %arg2[%dma_wait3A_206, %dma_wait3A_207] : memref<20480x128xf32, #tpu.memory_space<hbm>> -> memref<64x128xf32, #tpu.memory_space<hbm>>
        %dma_wait3A_209 = arith.constant 0 : i32
        %dma_wait3A_210 = arith.constant 0 : i32
        %dma_wait3A_211 = tpu.memref_slice %arg2[%dma_wait3A_209, %dma_wait3A_210] : memref<20480x128xf32, #tpu.memory_space<hbm>> -> memref<64x128xf32, #tpu.memory_space<hbm>>
        tpu.wait_dma2 semaphore(%arg20 : memref<!tpu.dma_semaphore, #tpu.memory_space<semaphore_mem>>) src(%dma_wait3A_211 : memref<64x128xf32, #tpu.memory_space<hbm>>) dst(%arg12 : memref<64x128xf32, #tpu.memory_space<vmem>>)
      } else {
      }
      %add3A_105 = arith.constant 4 : i32
      %add3A_106 = arith.addi %add3A_102, %add3A_105 : i32
      %sub3A = arith.constant 1 : i32
      %sub3A_107 = arith.subi %add3A_106, %sub3A : i32
      %dma_start3A_108 = arith.constant 0 : i32
      %dma_start3A_109 = tpu.memref_slice %arg7[%sub3A_107, %dma_start3A_108] : memref<80x64xi32, #tpu.memory_space<vmem>> -> memref<1x64xi32, #tpu.memory_space<vmem>>
      %dma_start3A_110 = tpu.memref_squeeze %dma_start3A_109 : memref<1x64xi32, #tpu.memory_space<vmem>> -> memref<64xi32, #tpu.memory_space<vmem>>
      %dma_start3A_111 = arith.constant 0 : i32
      %dma_start3A_112 = arith.constant 0 : i32
      %dma_start3A_113 = tpu.memref_slice %arg2[%dma_start3A_111, %dma_start3A_112] : memref<20480x128xf32, #tpu.memory_space<hbm>> -> memref<20480x128xf32, #tpu.memory_space<hbm>>
      tpu.enqueue_indirect_dma source(%dma_start3A_113 : memref<20480x128xf32, #tpu.memory_space<hbm>>) target(%arg12 : memref<64x128xf32, #tpu.memory_space<vmem>>) offsets(%dma_start3A_110 : memref<64xi32, #tpu.memory_space<vmem>>) semaphore(%arg16 : memref<!tpu.dma_semaphore, #tpu.memory_space<semaphore_mem>>)
      %dma_wait3A_114 = arith.constant 0 : i32
      %dma_wait3A_115 = arith.constant 0 : i32
      %dma_wait3A_116 = tpu.memref_slice %arg2[%dma_wait3A_114, %dma_wait3A_115] : memref<20480x128xf32, #tpu.memory_space<hbm>> -> memref<64x128xf32, #tpu.memory_space<hbm>>
      %dma_wait3A_117 = arith.constant 0 : i32
      %dma_wait3A_118 = arith.constant 0 : i32
      %dma_wait3A_119 = tpu.memref_slice %arg2[%dma_wait3A_117, %dma_wait3A_118] : memref<20480x128xf32, #tpu.memory_space<hbm>> -> memref<64x128xf32, #tpu.memory_space<hbm>>
      tpu.wait_dma2 semaphore(%arg13 : memref<!tpu.dma_semaphore, #tpu.memory_space<semaphore_mem>>) src(%dma_wait3A_119 : memref<64x128xf32, #tpu.memory_space<hbm>>) dst(%arg9 : memref<64x128xf32, #tpu.memory_space<vmem>>)
      %dma_start3A_120 = arith.constant 0 : i32
      %dma_start3A_121 = tpu.memref_slice %arg8[%add3A_102, %dma_start3A_120] : memref<80x64xi32, #tpu.memory_space<vmem>> -> memref<1x64xi32, #tpu.memory_space<vmem>>
      %dma_start3A_122 = tpu.memref_squeeze %dma_start3A_121 : memref<1x64xi32, #tpu.memory_space<vmem>> -> memref<64xi32, #tpu.memory_space<vmem>>
      %dma_start3A_123 = arith.constant 0 : i32
      %dma_start3A_124 = arith.constant 0 : i32
      %dma_start3A_125 = tpu.memref_slice %arg6[%dma_start3A_123, %dma_start3A_124] : memref<10240x128xf32, #tpu.memory_space<vmem_shared>> -> memref<10240x128xf32, #tpu.memory_space<vmem_shared>>
      tpu.enqueue_indirect_dma source(%arg9 : memref<64x128xf32, #tpu.memory_space<vmem>>) target(%dma_start3A_125 : memref<10240x128xf32, #tpu.memory_space<vmem_shared>>) offsets(%dma_start3A_122 : memref<64xi32, #tpu.memory_space<vmem>>) semaphore(%arg17 : memref<!tpu.dma_semaphore, #tpu.memory_space<semaphore_mem>>) {add = true}
      %mul3A_126 = arith.constant 4 : i32
      %mul3A_127 = arith.muli %add3A_98, %mul3A_126 : i32
      %add3A_128 = arith.constant 1 : i32
      %add3A_129 = arith.addi %mul3A_127, %add3A_128 : i32
      %dma_wait3A_130 = arith.constant 0 : i32
      %dma_wait3A_131 = arith.constant 0 : i32
      %dma_wait3A_132 = tpu.memref_slice %arg2[%dma_wait3A_130, %dma_wait3A_131] : memref<20480x128xf32, #tpu.memory_space<hbm>> -> memref<64x128xf32, #tpu.memory_space<hbm>>
      %dma_wait3A_133 = arith.constant 0 : i32
      %dma_wait3A_134 = arith.constant 0 : i32
      %dma_wait3A_135 = tpu.memref_slice %arg2[%dma_wait3A_133, %dma_wait3A_134] : memref<20480x128xf32, #tpu.memory_space<hbm>> -> memref<64x128xf32, #tpu.memory_space<hbm>>
      tpu.wait_dma2 semaphore(%arg17 : memref<!tpu.dma_semaphore, #tpu.memory_space<semaphore_mem>>) src(%dma_wait3A_135 : memref<64x128xf32, #tpu.memory_space<hbm>>) dst(%arg9 : memref<64x128xf32, #tpu.memory_space<vmem>>)
      %lt3A = arith.constant 19 : i32
      %lt3A_136 = arith.cmpi slt, %add3A_98, %lt3A : i32
      %convert_element_type3A_137 = arith.extui %lt3A_136 : i1 to i32
      %cond3A_138 = arith.constant 0 : i32
      %cond3A_139 = arith.cmpi ne, %convert_element_type3A_137, %cond3A_138 : i32
      scf.if %cond3A_139 {
        %add3A_206 = arith.constant 4 : i32
        %add3A_207 = arith.addi %add3A_129, %add3A_206 : i32
        %sub3A_208 = arith.constant 1 : i32
        %sub3A_209 = arith.subi %add3A_207, %sub3A_208 : i32
        %dma_start3A_210 = arith.constant 0 : i32
        %dma_start3A_211 = tpu.memref_slice %arg7[%sub3A_209, %dma_start3A_210] : memref<80x64xi32, #tpu.memory_space<vmem>> -> memref<1x64xi32, #tpu.memory_space<vmem>>
        %dma_start3A_212 = tpu.memref_squeeze %dma_start3A_211 : memref<1x64xi32, #tpu.memory_space<vmem>> -> memref<64xi32, #tpu.memory_space<vmem>>
        %dma_start3A_213 = arith.constant 0 : i32
        %dma_start3A_214 = arith.constant 0 : i32
        %dma_start3A_215 = tpu.memref_slice %arg2[%dma_start3A_213, %dma_start3A_214] : memref<20480x128xf32, #tpu.memory_space<hbm>> -> memref<20480x128xf32, #tpu.memory_space<hbm>>
        tpu.enqueue_indirect_dma source(%dma_start3A_215 : memref<20480x128xf32, #tpu.memory_space<hbm>>) target(%arg9 : memref<64x128xf32, #tpu.memory_space<vmem>>) offsets(%dma_start3A_212 : memref<64xi32, #tpu.memory_space<vmem>>) semaphore(%arg13 : memref<!tpu.dma_semaphore, #tpu.memory_space<semaphore_mem>>)
      } else {
      }
      %dma_wait3A_140 = arith.constant 0 : i32
      %dma_wait3A_141 = arith.constant 0 : i32
      %dma_wait3A_142 = tpu.memref_slice %arg2[%dma_wait3A_140, %dma_wait3A_141] : memref<20480x128xf32, #tpu.memory_space<hbm>> -> memref<64x128xf32, #tpu.memory_space<hbm>>
      %dma_wait3A_143 = arith.constant 0 : i32
      %dma_wait3A_144 = arith.constant 0 : i32
      %dma_wait3A_145 = tpu.memref_slice %arg2[%dma_wait3A_143, %dma_wait3A_144] : memref<20480x128xf32, #tpu.memory_space<hbm>> -> memref<64x128xf32, #tpu.memory_space<hbm>>
      tpu.wait_dma2 semaphore(%arg14 : memref<!tpu.dma_semaphore, #tpu.memory_space<semaphore_mem>>) src(%dma_wait3A_145 : memref<64x128xf32, #tpu.memory_space<hbm>>) dst(%arg10 : memref<64x128xf32, #tpu.memory_space<vmem>>)
      %dma_start3A_146 = arith.constant 0 : i32
      %dma_start3A_147 = tpu.memref_slice %arg8[%add3A_129, %dma_start3A_146] : memref<80x64xi32, #tpu.memory_space<vmem>> -> memref<1x64xi32, #tpu.memory_space<vmem>>
      %dma_start3A_148 = tpu.memref_squeeze %dma_start3A_147 : memref<1x64xi32, #tpu.memory_space<vmem>> -> memref<64xi32, #tpu.memory_space<vmem>>
      %dma_start3A_149 = arith.constant 0 : i32
      %dma_start3A_150 = arith.constant 0 : i32
      %dma_start3A_151 = tpu.memref_slice %arg6[%dma_start3A_149, %dma_start3A_150] : memref<10240x128xf32, #tpu.memory_space<vmem_shared>> -> memref<10240x128xf32, #tpu.memory_space<vmem_shared>>
      tpu.enqueue_indirect_dma source(%arg10 : memref<64x128xf32, #tpu.memory_space<vmem>>) target(%dma_start3A_151 : memref<10240x128xf32, #tpu.memory_space<vmem_shared>>) offsets(%dma_start3A_148 : memref<64xi32, #tpu.memory_space<vmem>>) semaphore(%arg18 : memref<!tpu.dma_semaphore, #tpu.memory_space<semaphore_mem>>) {add = true}
      %mul3A_152 = arith.constant 4 : i32
      %mul3A_153 = arith.muli %add3A_98, %mul3A_152 : i32
      %add3A_154 = arith.constant 2 : i32
      %add3A_155 = arith.addi %mul3A_153, %add3A_154 : i32
      %dma_wait3A_156 = arith.constant 0 : i32
      %dma_wait3A_157 = arith.constant 0 : i32
      %dma_wait3A_158 = tpu.memref_slice %arg2[%dma_wait3A_156, %dma_wait3A_157] : memref<20480x128xf32, #tpu.memory_space<hbm>> -> memref<64x128xf32, #tpu.memory_space<hbm>>
      %dma_wait3A_159 = arith.constant 0 : i32
      %dma_wait3A_160 = arith.constant 0 : i32
      %dma_wait3A_161 = tpu.memref_slice %arg2[%dma_wait3A_159, %dma_wait3A_160] : memref<20480x128xf32, #tpu.memory_space<hbm>> -> memref<64x128xf32, #tpu.memory_space<hbm>>
      tpu.wait_dma2 semaphore(%arg18 : memref<!tpu.dma_semaphore, #tpu.memory_space<semaphore_mem>>) src(%dma_wait3A_161 : memref<64x128xf32, #tpu.memory_space<hbm>>) dst(%arg10 : memref<64x128xf32, #tpu.memory_space<vmem>>)
      %lt3A_162 = arith.constant 19 : i32
      %lt3A_163 = arith.cmpi slt, %add3A_98, %lt3A_162 : i32
      %convert_element_type3A_164 = arith.extui %lt3A_163 : i1 to i32
      %cond3A_165 = arith.constant 0 : i32
      %cond3A_166 = arith.cmpi ne, %convert_element_type3A_164, %cond3A_165 : i32
      scf.if %cond3A_166 {
        %add3A_206 = arith.constant 4 : i32
        %add3A_207 = arith.addi %add3A_155, %add3A_206 : i32
        %sub3A_208 = arith.constant 1 : i32
        %sub3A_209 = arith.subi %add3A_207, %sub3A_208 : i32
        %dma_start3A_210 = arith.constant 0 : i32
        %dma_start3A_211 = tpu.memref_slice %arg7[%sub3A_209, %dma_start3A_210] : memref<80x64xi32, #tpu.memory_space<vmem>> -> memref<1x64xi32, #tpu.memory_space<vmem>>
        %dma_start3A_212 = tpu.memref_squeeze %dma_start3A_211 : memref<1x64xi32, #tpu.memory_space<vmem>> -> memref<64xi32, #tpu.memory_space<vmem>>
        %dma_start3A_213 = arith.constant 0 : i32
        %dma_start3A_214 = arith.constant 0 : i32
        %dma_start3A_215 = tpu.memref_slice %arg2[%dma_start3A_213, %dma_start3A_214] : memref<20480x128xf32, #tpu.memory_space<hbm>> -> memref<20480x128xf32, #tpu.memory_space<hbm>>
        tpu.enqueue_indirect_dma source(%dma_start3A_215 : memref<20480x128xf32, #tpu.memory_space<hbm>>) target(%arg10 : memref<64x128xf32, #tpu.memory_space<vmem>>) offsets(%dma_start3A_212 : memref<64xi32, #tpu.memory_space<vmem>>) semaphore(%arg14 : memref<!tpu.dma_semaphore, #tpu.memory_space<semaphore_mem>>)
      } else {
      }
      %dma_wait3A_167 = arith.constant 0 : i32
      %dma_wait3A_168 = arith.constant 0 : i32
      %dma_wait3A_169 = tpu.memref_slice %arg2[%dma_wait3A_167, %dma_wait3A_168] : memref<20480x128xf32, #tpu.memory_space<hbm>> -> memref<64x128xf32, #tpu.memory_space<hbm>>
      %dma_wait3A_170 = arith.constant 0 : i32
      %dma_wait3A_171 = arith.constant 0 : i32
      %dma_wait3A_172 = tpu.memref_slice %arg2[%dma_wait3A_170, %dma_wait3A_171] : memref<20480x128xf32, #tpu.memory_space<hbm>> -> memref<64x128xf32, #tpu.memory_space<hbm>>
      tpu.wait_dma2 semaphore(%arg15 : memref<!tpu.dma_semaphore, #tpu.memory_space<semaphore_mem>>) src(%dma_wait3A_172 : memref<64x128xf32, #tpu.memory_space<hbm>>) dst(%arg11 : memref<64x128xf32, #tpu.memory_space<vmem>>)
      %dma_start3A_173 = arith.constant 0 : i32
      %dma_start3A_174 = tpu.memref_slice %arg8[%add3A_155, %dma_start3A_173] : memref<80x64xi32, #tpu.memory_space<vmem>> -> memref<1x64xi32, #tpu.memory_space<vmem>>
      %dma_start3A_175 = tpu.memref_squeeze %dma_start3A_174 : memref<1x64xi32, #tpu.memory_space<vmem>> -> memref<64xi32, #tpu.memory_space<vmem>>
      %dma_start3A_176 = arith.constant 0 : i32
      %dma_start3A_177 = arith.constant 0 : i32
      %dma_start3A_178 = tpu.memref_slice %arg6[%dma_start3A_176, %dma_start3A_177] : memref<10240x128xf32, #tpu.memory_space<vmem_shared>> -> memref<10240x128xf32, #tpu.memory_space<vmem_shared>>
      tpu.enqueue_indirect_dma source(%arg11 : memref<64x128xf32, #tpu.memory_space<vmem>>) target(%dma_start3A_178 : memref<10240x128xf32, #tpu.memory_space<vmem_shared>>) offsets(%dma_start3A_175 : memref<64xi32, #tpu.memory_space<vmem>>) semaphore(%arg19 : memref<!tpu.dma_semaphore, #tpu.memory_space<semaphore_mem>>) {add = true}
      %mul3A_179 = arith.constant 4 : i32
      %mul3A_180 = arith.muli %add3A_98, %mul3A_179 : i32
      %add3A_181 = arith.constant 3 : i32
      %add3A_182 = arith.addi %mul3A_180, %add3A_181 : i32
      %dma_wait3A_183 = arith.constant 0 : i32
      %dma_wait3A_184 = arith.constant 0 : i32
      %dma_wait3A_185 = tpu.memref_slice %arg2[%dma_wait3A_183, %dma_wait3A_184] : memref<20480x128xf32, #tpu.memory_space<hbm>> -> memref<64x128xf32, #tpu.memory_space<hbm>>
      %dma_wait3A_186 = arith.constant 0 : i32
      %dma_wait3A_187 = arith.constant 0 : i32
      %dma_wait3A_188 = tpu.memref_slice %arg2[%dma_wait3A_186, %dma_wait3A_187] : memref<20480x128xf32, #tpu.memory_space<hbm>> -> memref<64x128xf32, #tpu.memory_space<hbm>>
      tpu.wait_dma2 semaphore(%arg19 : memref<!tpu.dma_semaphore, #tpu.memory_space<semaphore_mem>>) src(%dma_wait3A_188 : memref<64x128xf32, #tpu.memory_space<hbm>>) dst(%arg11 : memref<64x128xf32, #tpu.memory_space<vmem>>)
      %lt3A_189 = arith.constant 19 : i32
      %lt3A_190 = arith.cmpi slt, %add3A_98, %lt3A_189 : i32
      %convert_element_type3A_191 = arith.extui %lt3A_190 : i1 to i32
      %cond3A_192 = arith.constant 0 : i32
      %cond3A_193 = arith.cmpi ne, %convert_element_type3A_191, %cond3A_192 : i32
      scf.if %cond3A_193 {
        %add3A_206 = arith.constant 4 : i32
        %add3A_207 = arith.addi %add3A_182, %add3A_206 : i32
        %sub3A_208 = arith.constant 1 : i32
        %sub3A_209 = arith.subi %add3A_207, %sub3A_208 : i32
        %dma_start3A_210 = arith.constant 0 : i32
        %dma_start3A_211 = tpu.memref_slice %arg7[%sub3A_209, %dma_start3A_210] : memref<80x64xi32, #tpu.memory_space<vmem>> -> memref<1x64xi32, #tpu.memory_space<vmem>>
        %dma_start3A_212 = tpu.memref_squeeze %dma_start3A_211 : memref<1x64xi32, #tpu.memory_space<vmem>> -> memref<64xi32, #tpu.memory_space<vmem>>
        %dma_start3A_213 = arith.constant 0 : i32
        %dma_start3A_214 = arith.constant 0 : i32
        %dma_start3A_215 = tpu.memref_slice %arg2[%dma_start3A_213, %dma_start3A_214] : memref<20480x128xf32, #tpu.memory_space<hbm>> -> memref<20480x128xf32, #tpu.memory_space<hbm>>
        tpu.enqueue_indirect_dma source(%dma_start3A_215 : memref<20480x128xf32, #tpu.memory_space<hbm>>) target(%arg11 : memref<64x128xf32, #tpu.memory_space<vmem>>) offsets(%dma_start3A_212 : memref<64xi32, #tpu.memory_space<vmem>>) semaphore(%arg15 : memref<!tpu.dma_semaphore, #tpu.memory_space<semaphore_mem>>)
      } else {
      }
      %dma_wait3A_194 = arith.constant 0 : i32
      %dma_wait3A_195 = arith.constant 0 : i32
      %dma_wait3A_196 = tpu.memref_slice %arg2[%dma_wait3A_194, %dma_wait3A_195] : memref<20480x128xf32, #tpu.memory_space<hbm>> -> memref<64x128xf32, #tpu.memory_space<hbm>>
      %dma_wait3A_197 = arith.constant 0 : i32
      %dma_wait3A_198 = arith.constant 0 : i32
      %dma_wait3A_199 = tpu.memref_slice %arg2[%dma_wait3A_197, %dma_wait3A_198] : memref<20480x128xf32, #tpu.memory_space<hbm>> -> memref<64x128xf32, #tpu.memory_space<hbm>>
      tpu.wait_dma2 semaphore(%arg16 : memref<!tpu.dma_semaphore, #tpu.memory_space<semaphore_mem>>) src(%dma_wait3A_199 : memref<64x128xf32, #tpu.memory_space<hbm>>) dst(%arg12 : memref<64x128xf32, #tpu.memory_space<vmem>>)
      %dma_start3A_200 = arith.constant 0 : i32
      %dma_start3A_201 = tpu.memref_slice %arg8[%add3A_182, %dma_start3A_200] : memref<80x64xi32, #tpu.memory_space<vmem>> -> memref<1x64xi32, #tpu.memory_space<vmem>>
      %dma_start3A_202 = tpu.memref_squeeze %dma_start3A_201 : memref<1x64xi32, #tpu.memory_space<vmem>> -> memref<64xi32, #tpu.memory_space<vmem>>
      %dma_start3A_203 = arith.constant 0 : i32
      %dma_start3A_204 = arith.constant 0 : i32
      %dma_start3A_205 = tpu.memref_slice %arg6[%dma_start3A_203, %dma_start3A_204] : memref<10240x128xf32, #tpu.memory_space<vmem_shared>> -> memref<10240x128xf32, #tpu.memory_space<vmem_shared>>
      tpu.enqueue_indirect_dma source(%arg12 : memref<64x128xf32, #tpu.memory_space<vmem>>) target(%dma_start3A_205 : memref<10240x128xf32, #tpu.memory_space<vmem_shared>>) offsets(%dma_start3A_202 : memref<64xi32, #tpu.memory_space<vmem>>) semaphore(%arg20 : memref<!tpu.dma_semaphore, #tpu.memory_space<semaphore_mem>>) {add = true}
    }
    %scan3A_39 = arith.constant 20 : i32
    %dma_wait3A = arith.constant 0 : i32
    %dma_wait3A_40 = arith.constant 0 : i32
    %dma_wait3A_41 = tpu.memref_slice %arg2[%dma_wait3A, %dma_wait3A_40] : memref<20480x128xf32, #tpu.memory_space<hbm>> -> memref<64x128xf32, #tpu.memory_space<hbm>>
    %dma_wait3A_42 = arith.constant 0 : i32
    %dma_wait3A_43 = arith.constant 0 : i32
    %dma_wait3A_44 = tpu.memref_slice %arg2[%dma_wait3A_42, %dma_wait3A_43] : memref<20480x128xf32, #tpu.memory_space<hbm>> -> memref<64x128xf32, #tpu.memory_space<hbm>>
    tpu.wait_dma2 semaphore(%arg20 : memref<!tpu.dma_semaphore, #tpu.memory_space<semaphore_mem>>) src(%dma_wait3A_44 : memref<64x128xf32, #tpu.memory_space<hbm>>) dst(%arg12 : memref<64x128xf32, #tpu.memory_space<vmem>>)
    %mul3A_45 = arith.constant 16 : i32
    %mul3A_46 = arith.muli %arg0, %mul3A_45 : i32
    %add3A_47 = arith.addi %mul3A_46, %arg1 : i32
    %mul3A_48 = arith.constant 160 : i32
    %mul3A_49 = arith.muli %add3A_47, %mul3A_48 : i32
    %add3A_50 = arith.constant 80 : i32
    %add3A_51 = arith.addi %mul3A_49, %add3A_50 : i32
    "tpu.region"() ({
      %run_scoped3A = tpu.sem_alloc : memref<!tpu.dma_semaphore, #tpu.memory_space<semaphore_mem>>
      %dma_start3A_94 = arith.constant 0 : i32
      %dma_start3A_95 = tpu.memref_slice %arg3[%add3A_51, %dma_start3A_94] : memref<5120x64xi32, #tpu.memory_space<hbm>> -> memref<80x64xi32, #tpu.memory_space<hbm>>
      %dma_start3A_96 = arith.constant 0 : i32
      %dma_start3A_97 = tpu.memref_slice %arg3[%add3A_51, %dma_start3A_96] : memref<5120x64xi32, #tpu.memory_space<hbm>> -> memref<80x64xi32, #tpu.memory_space<hbm>>
      tpu.enqueue_dma source(%dma_start3A_97 : memref<80x64xi32, #tpu.memory_space<hbm>>) target(%arg7 : memref<80x64xi32, #tpu.memory_space<vmem>>) target_semaphore(%run_scoped3A : memref<!tpu.dma_semaphore, #tpu.memory_space<semaphore_mem>>)
      %dma_wait3A_98 = arith.constant 0 : i32
      %dma_wait3A_99 = tpu.memref_slice %arg3[%add3A_51, %dma_wait3A_98] : memref<5120x64xi32, #tpu.memory_space<hbm>> -> memref<80x64xi32, #tpu.memory_space<hbm>>
      %dma_wait3A_100 = arith.constant 0 : i32
      %dma_wait3A_101 = tpu.memref_slice %arg3[%add3A_51, %dma_wait3A_100] : memref<5120x64xi32, #tpu.memory_space<hbm>> -> memref<80x64xi32, #tpu.memory_space<hbm>>
      tpu.wait_dma2 semaphore(%run_scoped3A : memref<!tpu.dma_semaphore, #tpu.memory_space<semaphore_mem>>) src(%dma_wait3A_101 : memref<80x64xi32, #tpu.memory_space<hbm>>) dst(%arg7 : memref<80x64xi32, #tpu.memory_space<vmem>>)
      tpu.yield
    }) : () -> ()
    %mul3A_52 = arith.constant 160 : i32
    %mul3A_53 = arith.muli %arg1, %mul3A_52 : i32
    %add3A_54 = arith.constant 80 : i32
    %add3A_55 = arith.addi %mul3A_53, %add3A_54 : i32
    "tpu.region"() ({
      %run_scoped3A = tpu.sem_alloc : memref<!tpu.dma_semaphore, #tpu.memory_space<semaphore_mem>>
      %dma_start3A_94 = arith.constant 0 : i32
      %dma_start3A_95 = tpu.memref_slice %arg4[%add3A_55, %dma_start3A_94] : memref<2560x64xi32, #tpu.memory_space<hbm>> -> memref<80x64xi32, #tpu.memory_space<hbm>>
      %dma_start3A_96 = arith.constant 0 : i32
      %dma_start3A_97 = tpu.memref_slice %arg4[%add3A_55, %dma_start3A_96] : memref<2560x64xi32, #tpu.memory_space<hbm>> -> memref<80x64xi32, #tpu.memory_space<hbm>>
      tpu.enqueue_dma source(%dma_start3A_97 : memref<80x64xi32, #tpu.memory_space<hbm>>) target(%arg8 : memref<80x64xi32, #tpu.memory_space<vmem>>) target_semaphore(%run_scoped3A : memref<!tpu.dma_semaphore, #tpu.memory_space<semaphore_mem>>)
      %dma_wait3A_98 = arith.constant 0 : i32
      %dma_wait3A_99 = tpu.memref_slice %arg4[%add3A_55, %dma_wait3A_98] : memref<2560x64xi32, #tpu.memory_space<hbm>> -> memref<80x64xi32, #tpu.memory_space<hbm>>
      %dma_wait3A_100 = arith.constant 0 : i32
      %dma_wait3A_101 = tpu.memref_slice %arg4[%add3A_55, %dma_wait3A_100] : memref<2560x64xi32, #tpu.memory_space<hbm>> -> memref<80x64xi32, #tpu.memory_space<hbm>>
      tpu.wait_dma2 semaphore(%run_scoped3A : memref<!tpu.dma_semaphore, #tpu.memory_space<semaphore_mem>>) src(%dma_wait3A_101 : memref<80x64xi32, #tpu.memory_space<hbm>>) dst(%arg8 : memref<80x64xi32, #tpu.memory_space<vmem>>)
      tpu.yield
    }) : () -> ()
    %dma_start3A_56 = arith.constant 0 : i32
    %dma_start3A_57 = arith.constant 0 : i32
    %dma_start3A_58 = tpu.memref_slice %arg7[%dma_start3A_56, %dma_start3A_57] : memref<80x64xi32, #tpu.memory_space<vmem>> -> memref<1x64xi32, #tpu.memory_space<vmem>>
    %dma_start3A_59 = tpu.memref_squeeze %dma_start3A_58 : memref<1x64xi32, #tpu.memory_space<vmem>> -> memref<64xi32, #tpu.memory_space<vmem>>
    %dma_start3A_60 = arith.constant 0 : i32
    %dma_start3A_61 = arith.constant 0 : i32
    %dma_start3A_62 = tpu.memref_slice %arg2[%dma_start3A_60, %dma_start3A_61] : memref<20480x128xf32, #tpu.memory_space<hbm>> -> memref<20480x128xf32, #tpu.memory_space<hbm>>
    tpu.enqueue_indirect_dma source(%dma_start3A_62 : memref<20480x128xf32, #tpu.memory_space<hbm>>) target(%arg9 : memref<64x128xf32, #tpu.memory_space<vmem>>) offsets(%dma_start3A_59 : memref<64xi32, #tpu.memory_space<vmem>>) semaphore(%arg13 : memref<!tpu.dma_semaphore, #tpu.memory_space<semaphore_mem>>)
    %dma_start3A_63 = arith.constant 1 : i32
    %dma_start3A_64 = arith.constant 0 : i32
    %dma_start3A_65 = tpu.memref_slice %arg7[%dma_start3A_63, %dma_start3A_64] : memref<80x64xi32, #tpu.memory_space<vmem>> -> memref<1x64xi32, #tpu.memory_space<vmem>>
    %dma_start3A_66 = tpu.memref_squeeze %dma_start3A_65 : memref<1x64xi32, #tpu.memory_space<vmem>> -> memref<64xi32, #tpu.memory_space<vmem>>
    %dma_start3A_67 = arith.constant 0 : i32
    %dma_start3A_68 = arith.constant 0 : i32
    %dma_start3A_69 = tpu.memref_slice %arg2[%dma_start3A_67, %dma_start3A_68] : memref<20480x128xf32, #tpu.memory_space<hbm>> -> memref<20480x128xf32, #tpu.memory_space<hbm>>
    tpu.enqueue_indirect_dma source(%dma_start3A_69 : memref<20480x128xf32, #tpu.memory_space<hbm>>) target(%arg10 : memref<64x128xf32, #tpu.memory_space<vmem>>) offsets(%dma_start3A_66 : memref<64xi32, #tpu.memory_space<vmem>>) semaphore(%arg14 : memref<!tpu.dma_semaphore, #tpu.memory_space<semaphore_mem>>)
    %dma_start3A_70 = arith.constant 2 : i32
    %dma_start3A_71 = arith.constant 0 : i32
    %dma_start3A_72 = tpu.memref_slice %arg7[%dma_start3A_70, %dma_start3A_71] : memref<80x64xi32, #tpu.memory_space<vmem>> -> memref<1x64xi32, #tpu.memory_space<vmem>>
    %dma_start3A_73 = tpu.memref_squeeze %dma_start3A_72 : memref<1x64xi32, #tpu.memory_space<vmem>> -> memref<64xi32, #tpu.memory_space<vmem>>
    %dma_start3A_74 = arith.constant 0 : i32
    %dma_start3A_75 = arith.constant 0 : i32
    %dma_start3A_76 = tpu.memref_slice %arg2[%dma_start3A_74, %dma_start3A_75] : memref<20480x128xf32, #tpu.memory_space<hbm>> -> memref<20480x128xf32, #tpu.memory_space<hbm>>
    tpu.enqueue_indirect_dma source(%dma_start3A_76 : memref<20480x128xf32, #tpu.memory_space<hbm>>) target(%arg11 : memref<64x128xf32, #tpu.memory_space<vmem>>) offsets(%dma_start3A_73 : memref<64xi32, #tpu.memory_space<vmem>>) semaphore(%arg15 : memref<!tpu.dma_semaphore, #tpu.memory_space<semaphore_mem>>)
    %scan3A_77 = arith.constant 0 : i32
    %scan3A_78 = arith.constant 20 : i32
    %scan3A_79 = arith.addi %scan3A_77, %scan3A_78 : i32
    %scan3A_80 = arith.constant 1 : i32
    scf.for %scan3A_94 = %scan3A_77 to %scan3A_79 step %scan3A_80  : i32 {
      %mul3A_95 = arith.constant 1 : i32
      %mul3A_96 = arith.muli %scan3A_94, %mul3A_95 : i32
      %add3A_97 = arith.constant 0 : i32
      %add3A_98 = arith.addi %add3A_97, %mul3A_96 : i32
      %mul3A_99 = arith.constant 4 : i32
      %mul3A_100 = arith.muli %add3A_98, %mul3A_99 : i32
      %add3A_101 = arith.constant 0 : i32
      %add3A_102 = arith.addi %mul3A_100, %add3A_101 : i32
      %gt3A = arith.constant 0 : i32
      %gt3A_103 = arith.cmpi sgt, %add3A_98, %gt3A : i32
      %convert_element_type3A = arith.extui %gt3A_103 : i1 to i32
      %cond3A = arith.constant 0 : i32
      %cond3A_104 = arith.cmpi ne, %convert_element_type3A, %cond3A : i32
      scf.if %cond3A_104 {
        %dma_wait3A_206 = arith.constant 0 : i32
        %dma_wait3A_207 = arith.constant 0 : i32
        %dma_wait3A_208 = tpu.memref_slice %arg2[%dma_wait3A_206, %dma_wait3A_207] : memref<20480x128xf32, #tpu.memory_space<hbm>> -> memref<64x128xf32, #tpu.memory_space<hbm>>
        %dma_wait3A_209 = arith.constant 0 : i32
        %dma_wait3A_210 = arith.constant 0 : i32
        %dma_wait3A_211 = tpu.memref_slice %arg2[%dma_wait3A_209, %dma_wait3A_210] : memref<20480x128xf32, #tpu.memory_space<hbm>> -> memref<64x128xf32, #tpu.memory_space<hbm>>
        tpu.wait_dma2 semaphore(%arg20 : memref<!tpu.dma_semaphore, #tpu.memory_space<semaphore_mem>>) src(%dma_wait3A_211 : memref<64x128xf32, #tpu.memory_space<hbm>>) dst(%arg12 : memref<64x128xf32, #tpu.memory_space<vmem>>)
      } else {
      }
      %add3A_105 = arith.constant 4 : i32
      %add3A_106 = arith.addi %add3A_102, %add3A_105 : i32
      %sub3A = arith.constant 1 : i32
      %sub3A_107 = arith.subi %add3A_106, %sub3A : i32
      %dma_start3A_108 = arith.constant 0 : i32
      %dma_start3A_109 = tpu.memref_slice %arg7[%sub3A_107, %dma_start3A_108] : memref<80x64xi32, #tpu.memory_space<vmem>> -> memref<1x64xi32, #tpu.memory_space<vmem>>
      %dma_start3A_110 = tpu.memref_squeeze %dma_start3A_109 : memref<1x64xi32, #tpu.memory_space<vmem>> -> memref<64xi32, #tpu.memory_space<vmem>>
      %dma_start3A_111 = arith.constant 0 : i32
      %dma_start3A_112 = arith.constant 0 : i32
      %dma_start3A_113 = tpu.memref_slice %arg2[%dma_start3A_111, %dma_start3A_112] : memref<20480x128xf32, #tpu.memory_space<hbm>> -> memref<20480x128xf32, #tpu.memory_space<hbm>>
      tpu.enqueue_indirect_dma source(%dma_start3A_113 : memref<20480x128xf32, #tpu.memory_space<hbm>>) target(%arg12 : memref<64x128xf32, #tpu.memory_space<vmem>>) offsets(%dma_start3A_110 : memref<64xi32, #tpu.memory_space<vmem>>) semaphore(%arg16 : memref<!tpu.dma_semaphore, #tpu.memory_space<semaphore_mem>>)
      %dma_wait3A_114 = arith.constant 0 : i32
      %dma_wait3A_115 = arith.constant 0 : i32
      %dma_wait3A_116 = tpu.memref_slice %arg2[%dma_wait3A_114, %dma_wait3A_115] : memref<20480x128xf32, #tpu.memory_space<hbm>> -> memref<64x128xf32, #tpu.memory_space<hbm>>
      %dma_wait3A_117 = arith.constant 0 : i32
      %dma_wait3A_118 = arith.constant 0 : i32
      %dma_wait3A_119 = tpu.memref_slice %arg2[%dma_wait3A_117, %dma_wait3A_118] : memref<20480x128xf32, #tpu.memory_space<hbm>> -> memref<64x128xf32, #tpu.memory_space<hbm>>
      tpu.wait_dma2 semaphore(%arg13 : memref<!tpu.dma_semaphore, #tpu.memory_space<semaphore_mem>>) src(%dma_wait3A_119 : memref<64x128xf32, #tpu.memory_space<hbm>>) dst(%arg9 : memref<64x128xf32, #tpu.memory_space<vmem>>)
      %dma_start3A_120 = arith.constant 0 : i32
      %dma_start3A_121 = tpu.memref_slice %arg8[%add3A_102, %dma_start3A_120] : memref<80x64xi32, #tpu.memory_space<vmem>> -> memref<1x64xi32, #tpu.memory_space<vmem>>
      %dma_start3A_122 = tpu.memref_squeeze %dma_start3A_121 : memref<1x64xi32, #tpu.memory_space<vmem>> -> memref<64xi32, #tpu.memory_space<vmem>>
      %dma_start3A_123 = arith.constant 0 : i32
      %dma_start3A_124 = arith.constant 0 : i32
      %dma_start3A_125 = tpu.memref_slice %arg6[%dma_start3A_123, %dma_start3A_124] : memref<10240x128xf32, #tpu.memory_space<vmem_shared>> -> memref<10240x128xf32, #tpu.memory_space<vmem_shared>>
      tpu.enqueue_indirect_dma source(%arg9 : memref<64x128xf32, #tpu.memory_space<vmem>>) target(%dma_start3A_125 : memref<10240x128xf32, #tpu.memory_space<vmem_shared>>) offsets(%dma_start3A_122 : memref<64xi32, #tpu.memory_space<vmem>>) semaphore(%arg17 : memref<!tpu.dma_semaphore, #tpu.memory_space<semaphore_mem>>) {add = true}
      %mul3A_126 = arith.constant 4 : i32
      %mul3A_127 = arith.muli %add3A_98, %mul3A_126 : i32
      %add3A_128 = arith.constant 1 : i32
      %add3A_129 = arith.addi %mul3A_127, %add3A_128 : i32
      %dma_wait3A_130 = arith.constant 0 : i32
      %dma_wait3A_131 = arith.constant 0 : i32
      %dma_wait3A_132 = tpu.memref_slice %arg2[%dma_wait3A_130, %dma_wait3A_131] : memref<20480x128xf32, #tpu.memory_space<hbm>> -> memref<64x128xf32, #tpu.memory_space<hbm>>
      %dma_wait3A_133 = arith.constant 0 : i32
      %dma_wait3A_134 = arith.constant 0 : i32
      %dma_wait3A_135 = tpu.memref_slice %arg2[%dma_wait3A_133, %dma_wait3A_134] : memref<20480x128xf32, #tpu.memory_space<hbm>> -> memref<64x128xf32, #tpu.memory_space<hbm>>
      tpu.wait_dma2 semaphore(%arg17 : memref<!tpu.dma_semaphore, #tpu.memory_space<semaphore_mem>>) src(%dma_wait3A_135 : memref<64x128xf32, #tpu.memory_space<hbm>>) dst(%arg9 : memref<64x128xf32, #tpu.memory_space<vmem>>)
      %lt3A = arith.constant 19 : i32
      %lt3A_136 = arith.cmpi slt, %add3A_98, %lt3A : i32
      %convert_element_type3A_137 = arith.extui %lt3A_136 : i1 to i32
      %cond3A_138 = arith.constant 0 : i32
      %cond3A_139 = arith.cmpi ne, %convert_element_type3A_137, %cond3A_138 : i32
      scf.if %cond3A_139 {
        %add3A_206 = arith.constant 4 : i32
        %add3A_207 = arith.addi %add3A_129, %add3A_206 : i32
        %sub3A_208 = arith.constant 1 : i32
        %sub3A_209 = arith.subi %add3A_207, %sub3A_208 : i32
        %dma_start3A_210 = arith.constant 0 : i32
        %dma_start3A_211 = tpu.memref_slice %arg7[%sub3A_209, %dma_start3A_210] : memref<80x64xi32, #tpu.memory_space<vmem>> -> memref<1x64xi32, #tpu.memory_space<vmem>>
        %dma_start3A_212 = tpu.memref_squeeze %dma_start3A_211 : memref<1x64xi32, #tpu.memory_space<vmem>> -> memref<64xi32, #tpu.memory_space<vmem>>
        %dma_start3A_213 = arith.constant 0 : i32
        %dma_start3A_214 = arith.constant 0 : i32
        %dma_start3A_215 = tpu.memref_slice %arg2[%dma_start3A_213, %dma_start3A_214] : memref<20480x128xf32, #tpu.memory_space<hbm>> -> memref<20480x128xf32, #tpu.memory_space<hbm>>
        tpu.enqueue_indirect_dma source(%dma_start3A_215 : memref<20480x128xf32, #tpu.memory_space<hbm>>) target(%arg9 : memref<64x128xf32, #tpu.memory_space<vmem>>) offsets(%dma_start3A_212 : memref<64xi32, #tpu.memory_space<vmem>>) semaphore(%arg13 : memref<!tpu.dma_semaphore, #tpu.memory_space<semaphore_mem>>)
      } else {
      }
      %dma_wait3A_140 = arith.constant 0 : i32
      %dma_wait3A_141 = arith.constant 0 : i32
      %dma_wait3A_142 = tpu.memref_slice %arg2[%dma_wait3A_140, %dma_wait3A_141] : memref<20480x128xf32, #tpu.memory_space<hbm>> -> memref<64x128xf32, #tpu.memory_space<hbm>>
      %dma_wait3A_143 = arith.constant 0 : i32
      %dma_wait3A_144 = arith.constant 0 : i32
      %dma_wait3A_145 = tpu.memref_slice %arg2[%dma_wait3A_143, %dma_wait3A_144] : memref<20480x128xf32, #tpu.memory_space<hbm>> -> memref<64x128xf32, #tpu.memory_space<hbm>>
      tpu.wait_dma2 semaphore(%arg14 : memref<!tpu.dma_semaphore, #tpu.memory_space<semaphore_mem>>) src(%dma_wait3A_145 : memref<64x128xf32, #tpu.memory_space<hbm>>) dst(%arg10 : memref<64x128xf32, #tpu.memory_space<vmem>>)
      %dma_start3A_146 = arith.constant 0 : i32
      %dma_start3A_147 = tpu.memref_slice %arg8[%add3A_129, %dma_start3A_146] : memref<80x64xi32, #tpu.memory_space<vmem>> -> memref<1x64xi32, #tpu.memory_space<vmem>>
      %dma_start3A_148 = tpu.memref_squeeze %dma_start3A_147 : memref<1x64xi32, #tpu.memory_space<vmem>> -> memref<64xi32, #tpu.memory_space<vmem>>
      %dma_start3A_149 = arith.constant 0 : i32
      %dma_start3A_150 = arith.constant 0 : i32
      %dma_start3A_151 = tpu.memref_slice %arg6[%dma_start3A_149, %dma_start3A_150] : memref<10240x128xf32, #tpu.memory_space<vmem_shared>> -> memref<10240x128xf32, #tpu.memory_space<vmem_shared>>
      tpu.enqueue_indirect_dma source(%arg10 : memref<64x128xf32, #tpu.memory_space<vmem>>) target(%dma_start3A_151 : memref<10240x128xf32, #tpu.memory_space<vmem_shared>>) offsets(%dma_start3A_148 : memref<64xi32, #tpu.memory_space<vmem>>) semaphore(%arg18 : memref<!tpu.dma_semaphore, #tpu.memory_space<semaphore_mem>>) {add = true}
      %mul3A_152 = arith.constant 4 : i32
      %mul3A_153 = arith.muli %add3A_98, %mul3A_152 : i32
      %add3A_154 = arith.constant 2 : i32
      %add3A_155 = arith.addi %mul3A_153, %add3A_154 : i32
      %dma_wait3A_156 = arith.constant 0 : i32
      %dma_wait3A_157 = arith.constant 0 : i32
      %dma_wait3A_158 = tpu.memref_slice %arg2[%dma_wait3A_156, %dma_wait3A_157] : memref<20480x128xf32, #tpu.memory_space<hbm>> -> memref<64x128xf32, #tpu.memory_space<hbm>>
      %dma_wait3A_159 = arith.constant 0 : i32
      %dma_wait3A_160 = arith.constant 0 : i32
      %dma_wait3A_161 = tpu.memref_slice %arg2[%dma_wait3A_159, %dma_wait3A_160] : memref<20480x128xf32, #tpu.memory_space<hbm>> -> memref<64x128xf32, #tpu.memory_space<hbm>>
      tpu.wait_dma2 semaphore(%arg18 : memref<!tpu.dma_semaphore, #tpu.memory_space<semaphore_mem>>) src(%dma_wait3A_161 : memref<64x128xf32, #tpu.memory_space<hbm>>) dst(%arg10 : memref<64x128xf32, #tpu.memory_space<vmem>>)
      %lt3A_162 = arith.constant 19 : i32
      %lt3A_163 = arith.cmpi slt, %add3A_98, %lt3A_162 : i32
      %convert_element_type3A_164 = arith.extui %lt3A_163 : i1 to i32
      %cond3A_165 = arith.constant 0 : i32
      %cond3A_166 = arith.cmpi ne, %convert_element_type3A_164, %cond3A_165 : i32
      scf.if %cond3A_166 {
        %add3A_206 = arith.constant 4 : i32
        %add3A_207 = arith.addi %add3A_155, %add3A_206 : i32
        %sub3A_208 = arith.constant 1 : i32
        %sub3A_209 = arith.subi %add3A_207, %sub3A_208 : i32
        %dma_start3A_210 = arith.constant 0 : i32
        %dma_start3A_211 = tpu.memref_slice %arg7[%sub3A_209, %dma_start3A_210] : memref<80x64xi32, #tpu.memory_space<vmem>> -> memref<1x64xi32, #tpu.memory_space<vmem>>
        %dma_start3A_212 = tpu.memref_squeeze %dma_start3A_211 : memref<1x64xi32, #tpu.memory_space<vmem>> -> memref<64xi32, #tpu.memory_space<vmem>>
        %dma_start3A_213 = arith.constant 0 : i32
        %dma_start3A_214 = arith.constant 0 : i32
        %dma_start3A_215 = tpu.memref_slice %arg2[%dma_start3A_213, %dma_start3A_214] : memref<20480x128xf32, #tpu.memory_space<hbm>> -> memref<20480x128xf32, #tpu.memory_space<hbm>>
        tpu.enqueue_indirect_dma source(%dma_start3A_215 : memref<20480x128xf32, #tpu.memory_space<hbm>>) target(%arg10 : memref<64x128xf32, #tpu.memory_space<vmem>>) offsets(%dma_start3A_212 : memref<64xi32, #tpu.memory_space<vmem>>) semaphore(%arg14 : memref<!tpu.dma_semaphore, #tpu.memory_space<semaphore_mem>>)
      } else {
      }
      %dma_wait3A_167 = arith.constant 0 : i32
      %dma_wait3A_168 = arith.constant 0 : i32
      %dma_wait3A_169 = tpu.memref_slice %arg2[%dma_wait3A_167, %dma_wait3A_168] : memref<20480x128xf32, #tpu.memory_space<hbm>> -> memref<64x128xf32, #tpu.memory_space<hbm>>
      %dma_wait3A_170 = arith.constant 0 : i32
      %dma_wait3A_171 = arith.constant 0 : i32
      %dma_wait3A_172 = tpu.memref_slice %arg2[%dma_wait3A_170, %dma_wait3A_171] : memref<20480x128xf32, #tpu.memory_space<hbm>> -> memref<64x128xf32, #tpu.memory_space<hbm>>
      tpu.wait_dma2 semaphore(%arg15 : memref<!tpu.dma_semaphore, #tpu.memory_space<semaphore_mem>>) src(%dma_wait3A_172 : memref<64x128xf32, #tpu.memory_space<hbm>>) dst(%arg11 : memref<64x128xf32, #tpu.memory_space<vmem>>)
      %dma_start3A_173 = arith.constant 0 : i32
      %dma_start3A_174 = tpu.memref_slice %arg8[%add3A_155, %dma_start3A_173] : memref<80x64xi32, #tpu.memory_space<vmem>> -> memref<1x64xi32, #tpu.memory_space<vmem>>
      %dma_start3A_175 = tpu.memref_squeeze %dma_start3A_174 : memref<1x64xi32, #tpu.memory_space<vmem>> -> memref<64xi32, #tpu.memory_space<vmem>>
      %dma_start3A_176 = arith.constant 0 : i32
      %dma_start3A_177 = arith.constant 0 : i32
      %dma_start3A_178 = tpu.memref_slice %arg6[%dma_start3A_176, %dma_start3A_177] : memref<10240x128xf32, #tpu.memory_space<vmem_shared>> -> memref<10240x128xf32, #tpu.memory_space<vmem_shared>>
      tpu.enqueue_indirect_dma source(%arg11 : memref<64x128xf32, #tpu.memory_space<vmem>>) target(%dma_start3A_178 : memref<10240x128xf32, #tpu.memory_space<vmem_shared>>) offsets(%dma_start3A_175 : memref<64xi32, #tpu.memory_space<vmem>>) semaphore(%arg19 : memref<!tpu.dma_semaphore, #tpu.memory_space<semaphore_mem>>) {add = true}
      %mul3A_179 = arith.constant 4 : i32
      %mul3A_180 = arith.muli %add3A_98, %mul3A_179 : i32
      %add3A_181 = arith.constant 3 : i32
      %add3A_182 = arith.addi %mul3A_180, %add3A_181 : i32
      %dma_wait3A_183 = arith.constant 0 : i32
      %dma_wait3A_184 = arith.constant 0 : i32
      %dma_wait3A_185 = tpu.memref_slice %arg2[%dma_wait3A_183, %dma_wait3A_184] : memref<20480x128xf32, #tpu.memory_space<hbm>> -> memref<64x128xf32, #tpu.memory_space<hbm>>
      %dma_wait3A_186 = arith.constant 0 : i32
      %dma_wait3A_187 = arith.constant 0 : i32
      %dma_wait3A_188 = tpu.memref_slice %arg2[%dma_wait3A_186, %dma_wait3A_187] : memref<20480x128xf32, #tpu.memory_space<hbm>> -> memref<64x128xf32, #tpu.memory_space<hbm>>
      tpu.wait_dma2 semaphore(%arg19 : memref<!tpu.dma_semaphore, #tpu.memory_space<semaphore_mem>>) src(%dma_wait3A_188 : memref<64x128xf32, #tpu.memory_space<hbm>>) dst(%arg11 : memref<64x128xf32, #tpu.memory_space<vmem>>)
      %lt3A_189 = arith.constant 19 : i32
      %lt3A_190 = arith.cmpi slt, %add3A_98, %lt3A_189 : i32
      %convert_element_type3A_191 = arith.extui %lt3A_190 : i1 to i32
      %cond3A_192 = arith.constant 0 : i32
      %cond3A_193 = arith.cmpi ne, %convert_element_type3A_191, %cond3A_192 : i32
      scf.if %cond3A_193 {
        %add3A_206 = arith.constant 4 : i32
        %add3A_207 = arith.addi %add3A_182, %add3A_206 : i32
        %sub3A_208 = arith.constant 1 : i32
        %sub3A_209 = arith.subi %add3A_207, %sub3A_208 : i32
        %dma_start3A_210 = arith.constant 0 : i32
        %dma_start3A_211 = tpu.memref_slice %arg7[%sub3A_209, %dma_start3A_210] : memref<80x64xi32, #tpu.memory_space<vmem>> -> memref<1x64xi32, #tpu.memory_space<vmem>>
        %dma_start3A_212 = tpu.memref_squeeze %dma_start3A_211 : memref<1x64xi32, #tpu.memory_space<vmem>> -> memref<64xi32, #tpu.memory_space<vmem>>
        %dma_start3A_213 = arith.constant 0 : i32
        %dma_start3A_214 = arith.constant 0 : i32
        %dma_start3A_215 = tpu.memref_slice %arg2[%dma_start3A_213, %dma_start3A_214] : memref<20480x128xf32, #tpu.memory_space<hbm>> -> memref<20480x128xf32, #tpu.memory_space<hbm>>
        tpu.enqueue_indirect_dma source(%dma_start3A_215 : memref<20480x128xf32, #tpu.memory_space<hbm>>) target(%arg11 : memref<64x128xf32, #tpu.memory_space<vmem>>) offsets(%dma_start3A_212 : memref<64xi32, #tpu.memory_space<vmem>>) semaphore(%arg15 : memref<!tpu.dma_semaphore, #tpu.memory_space<semaphore_mem>>)
      } else {
      }
      %dma_wait3A_194 = arith.constant 0 : i32
      %dma_wait3A_195 = arith.constant 0 : i32
      %dma_wait3A_196 = tpu.memref_slice %arg2[%dma_wait3A_194, %dma_wait3A_195] : memref<20480x128xf32, #tpu.memory_space<hbm>> -> memref<64x128xf32, #tpu.memory_space<hbm>>
      %dma_wait3A_197 = arith.constant 0 : i32
      %dma_wait3A_198 = arith.constant 0 : i32
      %dma_wait3A_199 = tpu.memref_slice %arg2[%dma_wait3A_197, %dma_wait3A_198] : memref<20480x128xf32, #tpu.memory_space<hbm>> -> memref<64x128xf32, #tpu.memory_space<hbm>>
      tpu.wait_dma2 semaphore(%arg16 : memref<!tpu.dma_semaphore, #tpu.memory_space<semaphore_mem>>) src(%dma_wait3A_199 : memref<64x128xf32, #tpu.memory_space<hbm>>) dst(%arg12 : memref<64x128xf32, #tpu.memory_space<vmem>>)
      %dma_start3A_200 = arith.constant 0 : i32
      %dma_start3A_201 = tpu.memref_slice %arg8[%add3A_182, %dma_start3A_200] : memref<80x64xi32, #tpu.memory_space<vmem>> -> memref<1x64xi32, #tpu.memory_space<vmem>>
      %dma_start3A_202 = tpu.memref_squeeze %dma_start3A_201 : memref<1x64xi32, #tpu.memory_space<vmem>> -> memref<64xi32, #tpu.memory_space<vmem>>
      %dma_start3A_203 = arith.constant 0 : i32
      %dma_start3A_204 = arith.constant 0 : i32
      %dma_start3A_205 = tpu.memref_slice %arg6[%dma_start3A_203, %dma_start3A_204] : memref<10240x128xf32, #tpu.memory_space<vmem_shared>> -> memref<10240x128xf32, #tpu.memory_space<vmem_shared>>
      tpu.enqueue_indirect_dma source(%arg12 : memref<64x128xf32, #tpu.memory_space<vmem>>) target(%dma_start3A_205 : memref<10240x128xf32, #tpu.memory_space<vmem_shared>>) offsets(%dma_start3A_202 : memref<64xi32, #tpu.memory_space<vmem>>) semaphore(%arg20 : memref<!tpu.dma_semaphore, #tpu.memory_space<semaphore_mem>>) {add = true}
    }
    %scan3A_81 = arith.constant 20 : i32
    %dma_wait3A_82 = arith.constant 0 : i32
    %dma_wait3A_83 = arith.constant 0 : i32
    %dma_wait3A_84 = tpu.memref_slice %arg2[%dma_wait3A_82, %dma_wait3A_83] : memref<20480x128xf32, #tpu.memory_space<hbm>> -> memref<64x128xf32, #tpu.memory_space<hbm>>
    %dma_wait3A_85 = arith.constant 0 : i32
    %dma_wait3A_86 = arith.constant 0 : i32
    %dma_wait3A_87 = tpu.memref_slice %arg2[%dma_wait3A_85, %dma_wait3A_86] : memref<20480x128xf32, #tpu.memory_space<hbm>> -> memref<64x128xf32, #tpu.memory_space<hbm>>
    tpu.wait_dma2 semaphore(%arg20 : memref<!tpu.dma_semaphore, #tpu.memory_space<semaphore_mem>>) src(%dma_wait3A_87 : memref<64x128xf32, #tpu.memory_space<hbm>>) dst(%arg12 : memref<64x128xf32, #tpu.memory_space<vmem>>)
    %barrier3A_88 = arith.constant 0 : index
    tpu.barrier barrier_id(%barrier3A_88)
    %mul3A_89 = arith.constant 640 : i32
    %mul3A_90 = arith.muli %arg1, %mul3A_89 : i32
    %mul3A_91 = arith.constant 640 : i32
    %mul3A_92 = arith.muli %arg1, %mul3A_91 : i32
    %add3A_93 = arith.addi %mul3A_0, %mul3A_92 : i32
    "tpu.region"() ({
      %run_scoped3A = tpu.sem_alloc : memref<!tpu.dma_semaphore, #tpu.memory_space<semaphore_mem>>
      %dma_start3A_94 = arith.constant 0 : i32
      %dma_start3A_95 = tpu.memref_slice %arg5[%add3A_93, %dma_start3A_94] : memref<20480x128xf32, #tpu.memory_space<hbm>> -> memref<640x128xf32, #tpu.memory_space<hbm>>
      %dma_start3A_96 = arith.constant 0 : i32
      %dma_start3A_97 = tpu.memref_slice %arg6[%mul3A_90, %dma_start3A_96] : memref<10240x128xf32, #tpu.memory_space<vmem_shared>> -> memref<640x128xf32, #tpu.memory_space<vmem_shared>>
      tpu.enqueue_dma source(%dma_start3A_97 : memref<640x128xf32, #tpu.memory_space<vmem_shared>>) target(%dma_start3A_95 : memref<640x128xf32, #tpu.memory_space<hbm>>) target_semaphore(%run_scoped3A : memref<!tpu.dma_semaphore, #tpu.memory_space<semaphore_mem>>)
      %dma_wait3A_98 = arith.constant 0 : i32
      %dma_wait3A_99 = tpu.memref_slice %arg5[%add3A_93, %dma_wait3A_98] : memref<20480x128xf32, #tpu.memory_space<hbm>> -> memref<640x128xf32, #tpu.memory_space<hbm>>
      %dma_wait3A_100 = arith.constant 0 : i32
      %dma_wait3A_101 = tpu.memref_slice %arg6[%mul3A_90, %dma_wait3A_100] : memref<10240x128xf32, #tpu.memory_space<vmem_shared>> -> memref<640x128xf32, #tpu.memory_space<vmem_shared>>
      tpu.wait_dma2 semaphore(%run_scoped3A : memref<!tpu.dma_semaphore, #tpu.memory_space<semaphore_mem>>) src(%dma_wait3A_101 : memref<640x128xf32, #tpu.memory_space<vmem_shared>>) dst(%dma_wait3A_99 : memref<640x128xf32, #tpu.memory_space<hbm>>)
      tpu.yield
    }) : () -> ()
    return
  }
}

module attributes {stable_mosaic.version = 14 : i64} {
  func.func @_mm1_body(%arg0: i32, %arg1: memref<2048x256xf32, #tpu.memory_space<vmem>>, %arg2: memref<256x256xf32, #tpu.memory_space<vmem>>, %arg3: memref<32x2048xf32, #tpu.memory_space<vmem>>, %arg4: memref<2x2048x128xf32, #tpu.memory_space<vmem>>, %arg5: memref<2048xf32, #tpu.memory_space<vmem>>) attributes {dimension_semantics = [#tpu.dimension_semantics<parallel>], iteration_bounds = array<i64: 5>, scalar_prefetch = 0 : i64, scratch_operands = 0 : i64, tpu.core_type = #tpu.core_type<tc>, window_params = [{transform_indices = @transform_0, window_bounds = array<i64: 2048, 256>}, {pipeline_mode = #tpu.pipeline_mode<synchronous>, transform_indices = @transform_1, window_bounds = array<i64: 256, 256>}, {transform_indices = @transform_2, window_bounds = array<i64: 32, 2048>}, {transform_indices = @transform_3, window_bounds = array<i64: 2, 2048, 128>}, {transform_indices = @transform_4, window_bounds = array<i64: 2048>}]} {
    %get3A = arith.constant 0 : index
    %get3A_0 = arith.constant 0 : index
    %get3A_1 = vector.load %arg3[%get3A, %get3A_0] : memref<32x2048xf32, #tpu.memory_space<vmem>>, vector<32x2048xf32>
    %reduce_sum3A = arith.constant dense<0.000000e+00> : vector<2048xf32>
    %reduce_sum3A_2 = vector.multi_reduction <add>, %get3A_1, %reduce_sum3A [0] : vector<32x2048xf32> to vector<2048xf32>
    %add3A = arith.constant 1.000000e+00 : f32
    %add3A_3 = vector.broadcast %add3A : f32 to vector<2048xf32>
    %add3A_4 = arith.addf %reduce_sum3A_2, %add3A_3 : vector<2048xf32>
    %rsqrt3A = math.rsqrt %add3A_4 : vector<2048xf32>
    %swap3A = arith.constant 0 : index
    %swap3A_5 = vector.load %arg5[%swap3A] : memref<2048xf32, #tpu.memory_space<vmem>>, vector<2048xf32>
    tpu.vector_store %arg5[%swap3A], %rsqrt3A {strides = array<i32>} : memref<2048xf32, #tpu.memory_space<vmem>>, vector<2048xf32>,
    %get3A_6 = arith.constant 0 : index
    %get3A_7 = arith.constant 0 : index
    %get3A_8 = vector.load %arg1[%get3A_6, %get3A_7] : memref<2048x256xf32, #tpu.memory_space<vmem>>, vector<2048x256xf32>
    %get3A_9 = arith.constant 0 : index
    %get3A_10 = arith.constant 0 : index
    %get3A_11 = vector.load %arg2[%get3A_9, %get3A_10] : memref<256x256xf32, #tpu.memory_space<vmem>>, vector<256x256xf32>
    %dot_general3A = arith.constant dense<0.000000e+00> : vector<2048x256xf32>
    %dot_general3A_12 = tpu.matmul %get3A_8, %get3A_11, %dot_general3A {dimension_numbers = #tpu.dot_dimension_numbers<[1], [0], [0], [1], [0, 0, 1, 1], [], []>, transpose_lhs_hint = false} : vector<2048x256xf32>, vector<256x256xf32>, vector<2048x256xf32> -> vector<2048x256xf32>
    %broadcast_in_dim3A = vector.shape_cast %rsqrt3A : vector<2048xf32> to vector<2048x1xf32>
    %mul3A = vector.broadcast %broadcast_in_dim3A : vector<2048x1xf32> to vector<2048x256xf32>
    %mul3A_13 = arith.mulf %dot_general3A_12, %mul3A : vector<2048x256xf32>
    %slice3A = vector.extract_strided_slice %mul3A_13 {offsets = [0, 0], sizes = [2048, 128], strides = [1, 1]} : vector<2048x256xf32> to vector<2048x128xf32>
    %swap3A_14 = arith.constant 0 : index
    %swap3A_15 = arith.constant 0 : index
    %swap3A_16 = arith.constant 0 : index
    %swap3A_17 = vector.load %arg4[%swap3A_14, %swap3A_15, %swap3A_16] : memref<2x2048x128xf32, #tpu.memory_space<vmem>>, vector<1x2048x128xf32>
    %swap3A_18 = vector.shape_cast %swap3A_17 : vector<1x2048x128xf32> to vector<2048x128xf32>
    %swap3A_19 = vector.shape_cast %slice3A : vector<2048x128xf32> to vector<1x2048x128xf32>
    tpu.vector_store %arg4[%swap3A_14, %swap3A_15, %swap3A_16], %swap3A_19 {strides = array<i32>} : memref<2x2048x128xf32, #tpu.memory_space<vmem>>, vector<1x2048x128xf32>,
    %slice3A_20 = vector.extract_strided_slice %mul3A_13 {offsets = [0, 128], sizes = [2048, 128], strides = [1, 1]} : vector<2048x256xf32> to vector<2048x128xf32>
    %swap3A_21 = arith.constant 1 : index
    %swap3A_22 = arith.constant 0 : index
    %swap3A_23 = arith.constant 0 : index
    %swap3A_24 = vector.load %arg4[%swap3A_21, %swap3A_22, %swap3A_23] : memref<2x2048x128xf32, #tpu.memory_space<vmem>>, vector<1x2048x128xf32>
    %swap3A_25 = vector.shape_cast %swap3A_24 : vector<1x2048x128xf32> to vector<2048x128xf32>
    %swap3A_26 = vector.shape_cast %slice3A_20 : vector<2048x128xf32> to vector<1x2048x128xf32>
    tpu.vector_store %arg4[%swap3A_21, %swap3A_22, %swap3A_23], %swap3A_26 {strides = array<i32>} : memref<2x2048x128xf32, #tpu.memory_space<vmem>>, vector<1x2048x128xf32>,
    return
  }
  func.func @transform_0(%arg0: i32) -> (i32, i32) {
    %c0_i32 = arith.constant 0 : i32
    %c0_i32_0 = arith.constant 0 : i32
    return %arg0, %c0_i32 : i32, i32
  }
  func.func @transform_1(%arg0: i32) -> (i32, i32) {
    %c0_i32 = arith.constant 0 : i32
    %c0_i32_0 = arith.constant 0 : i32
    %c0_i32_1 = arith.constant 0 : i32
    return %c0_i32, %c0_i32_0 : i32, i32
  }
  func.func @transform_2(%arg0: i32) -> (i32, i32) {
    %c0_i32 = arith.constant 0 : i32
    %c0_i32_0 = arith.constant 0 : i32
    return %c0_i32, %arg0 : i32, i32
  }
  func.func @transform_3(%arg0: i32) -> (i32, i32, i32) {
    %c0_i32 = arith.constant 0 : i32
    %c0_i32_0 = arith.constant 0 : i32
    %c0_i32_1 = arith.constant 0 : i32
    return %c0_i32, %arg0, %c0_i32_0 : i32, i32, i32
  }
  func.func @transform_4(%arg0: i32) -> i32 {
    %c0_i32 = arith.constant 0 : i32
    return %arg0 : i32
  }
}

module attributes {stable_mosaic.version = 14 : i64} {
  func.func @_mid_body(%arg0: i32, %arg1: memref<2x2048x128xf32, #tpu.memory_space<vmem>>, %arg2: memref<2048xf32, #tpu.memory_space<vmem>>, %arg3: memref<256xf32, #tpu.memory_space<vmem>>, %arg4: memref<256x256xf32, #tpu.memory_space<vmem>>, %arg5: memref<2x2048x128xf32, #tpu.memory_space<vmem>>) attributes {dimension_semantics = [#tpu.dimension_semantics<parallel>], iteration_bounds = array<i64: 5>, scalar_prefetch = 0 : i64, scratch_operands = 0 : i64, tpu.core_type = #tpu.core_type<tc>, window_params = [{transform_indices = @transform_0, window_bounds = array<i64: 2, 2048, 128>}, {transform_indices = @transform_1, window_bounds = array<i64: 2048>}, {pipeline_mode = #tpu.pipeline_mode<synchronous>, transform_indices = @transform_2, window_bounds = array<i64: 256>}, {pipeline_mode = #tpu.pipeline_mode<synchronous>, transform_indices = @transform_3, window_bounds = array<i64: 256, 256>}, {transform_indices = @transform_4, window_bounds = array<i64: 2, 2048, 128>}]} {
    %get3A = arith.constant 0 : index
    %get3A_0 = vector.load %arg2[%get3A] : memref<2048xf32, #tpu.memory_space<vmem>>, vector<2048xf32>
    %broadcast_in_dim3A = vector.shape_cast %get3A_0 : vector<2048xf32> to vector<2048x1xf32>
    %get3A_1 = arith.constant 0 : index
    %get3A_2 = vector.load %arg3[%get3A_1] : memref<256xf32, #tpu.memory_space<vmem>>, vector<256xf32>
    %get3A_3 = arith.constant 0 : index
    %get3A_4 = arith.constant 0 : index
    %get3A_5 = arith.constant 0 : index
    %get3A_6 = vector.load %arg1[%get3A_3, %get3A_4, %get3A_5] : memref<2x2048x128xf32, #tpu.memory_space<vmem>>, vector<1x2048x128xf32>
    %get3A_7 = vector.shape_cast %get3A_6 : vector<1x2048x128xf32> to vector<2048x128xf32>
    %mul3A = vector.broadcast %broadcast_in_dim3A : vector<2048x1xf32> to vector<2048x128xf32>
    %mul3A_8 = arith.mulf %get3A_7, %mul3A : vector<2048x128xf32>
    %slice3A = vector.extract_strided_slice %get3A_2 {offsets = [0], sizes = [128], strides = [1]} : vector<256xf32> to vector<128xf32>
    %broadcast_in_dim3A_9 = vector.shape_cast %slice3A : vector<128xf32> to vector<1x128xf32>
    %add3A = vector.broadcast %broadcast_in_dim3A_9 : vector<1x128xf32> to vector<2048x128xf32>
    %add3A_10 = arith.addf %mul3A_8, %add3A : vector<2048x128xf32>
    %max3A = arith.constant 0.000000e+00 : f32
    %max3A_11 = vector.broadcast %max3A : f32 to vector<2048x128xf32>
    %max3A_12 = arith.maximumf %add3A_10, %max3A_11 : vector<2048x128xf32>
    %get3A_13 = arith.constant 1 : index
    %get3A_14 = arith.constant 0 : index
    %get3A_15 = arith.constant 0 : index
    %get3A_16 = vector.load %arg1[%get3A_13, %get3A_14, %get3A_15] : memref<2x2048x128xf32, #tpu.memory_space<vmem>>, vector<1x2048x128xf32>
    %get3A_17 = vector.shape_cast %get3A_16 : vector<1x2048x128xf32> to vector<2048x128xf32>
    %mul3A_18 = vector.broadcast %broadcast_in_dim3A : vector<2048x1xf32> to vector<2048x128xf32>
    %mul3A_19 = arith.mulf %get3A_17, %mul3A_18 : vector<2048x128xf32>
    %slice3A_20 = vector.extract_strided_slice %get3A_2 {offsets = [128], sizes = [128], strides = [1]} : vector<256xf32> to vector<128xf32>
    %broadcast_in_dim3A_21 = vector.shape_cast %slice3A_20 : vector<128xf32> to vector<1x128xf32>
    %add3A_22 = vector.broadcast %broadcast_in_dim3A_21 : vector<1x128xf32> to vector<2048x128xf32>
    %add3A_23 = arith.addf %mul3A_19, %add3A_22 : vector<2048x128xf32>
    %max3A_24 = arith.constant 0.000000e+00 : f32
    %max3A_25 = vector.broadcast %max3A_24 : f32 to vector<2048x128xf32>
    %max3A_26 = arith.maximumf %add3A_23, %max3A_25 : vector<2048x128xf32>
    %get3A_27 = arith.constant 0 : index
    %get3A_28 = arith.constant 0 : index
    %get3A_29 = vector.load %arg4[%get3A_27, %get3A_28] : memref<256x256xf32, #tpu.memory_space<vmem>>, vector<128x256xf32>
    %dot_general3A = arith.constant dense<0.000000e+00> : vector<2048x256xf32>
    %dot_general3A_30 = tpu.matmul %max3A_12, %get3A_29, %dot_general3A {dimension_numbers = #tpu.dot_dimension_numbers<[1], [0], [0], [1], [0, 0, 1, 1], [], []>, transpose_lhs_hint = false} : vector<2048x128xf32>, vector<128x256xf32>, vector<2048x256xf32> -> vector<2048x256xf32>
    %get3A_31 = arith.constant 128 : index
    %get3A_32 = arith.constant 0 : index
    %get3A_33 = vector.load %arg4[%get3A_31, %get3A_32] : memref<256x256xf32, #tpu.memory_space<vmem>>, vector<128x256xf32>
    %dot_general3A_34 = arith.constant dense<0.000000e+00> : vector<2048x256xf32>
    %dot_general3A_35 = tpu.matmul %max3A_26, %get3A_33, %dot_general3A_34 {dimension_numbers = #tpu.dot_dimension_numbers<[1], [0], [0], [1], [0, 0, 1, 1], [], []>, transpose_lhs_hint = false} : vector<2048x128xf32>, vector<128x256xf32>, vector<2048x256xf32> -> vector<2048x256xf32>
    %add3A_36 = arith.addf %dot_general3A_30, %dot_general3A_35 : vector<2048x256xf32>
    %mul3A_37 = vector.broadcast %broadcast_in_dim3A : vector<2048x1xf32> to vector<2048x256xf32>
    %mul3A_38 = arith.mulf %add3A_36, %mul3A_37 : vector<2048x256xf32>
    %slice3A_39 = vector.extract_strided_slice %mul3A_38 {offsets = [0, 0], sizes = [2048, 128], strides = [1, 1]} : vector<2048x256xf32> to vector<2048x128xf32>
    %swap3A = arith.constant 0 : index
    %swap3A_40 = arith.constant 0 : index
    %swap3A_41 = arith.constant 0 : index
    %swap3A_42 = vector.load %arg5[%swap3A, %swap3A_40, %swap3A_41] : memref<2x2048x128xf32, #tpu.memory_space<vmem>>, vector<1x2048x128xf32>
    %swap3A_43 = vector.shape_cast %swap3A_42 : vector<1x2048x128xf32> to vector<2048x128xf32>
    %swap3A_44 = vector.shape_cast %slice3A_39 : vector<2048x128xf32> to vector<1x2048x128xf32>
    tpu.vector_store %arg5[%swap3A, %swap3A_40, %swap3A_41], %swap3A_44 {strides = array<i32>} : memref<2x2048x128xf32, #tpu.memory_space<vmem>>, vector<1x2048x128xf32>,
    %slice3A_45 = vector.extract_strided_slice %mul3A_38 {offsets = [0, 128], sizes = [2048, 128], strides = [1, 1]} : vector<2048x256xf32> to vector<2048x128xf32>
    %swap3A_46 = arith.constant 1 : index
    %swap3A_47 = arith.constant 0 : index
    %swap3A_48 = arith.constant 0 : index
    %swap3A_49 = vector.load %arg5[%swap3A_46, %swap3A_47, %swap3A_48] : memref<2x2048x128xf32, #tpu.memory_space<vmem>>, vector<1x2048x128xf32>
    %swap3A_50 = vector.shape_cast %swap3A_49 : vector<1x2048x128xf32> to vector<2048x128xf32>
    %swap3A_51 = vector.shape_cast %slice3A_45 : vector<2048x128xf32> to vector<1x2048x128xf32>
    tpu.vector_store %arg5[%swap3A_46, %swap3A_47, %swap3A_48], %swap3A_51 {strides = array<i32>} : memref<2x2048x128xf32, #tpu.memory_space<vmem>>, vector<1x2048x128xf32>,
    return
  }
  func.func @transform_0(%arg0: i32) -> (i32, i32, i32) {
    %c0_i32 = arith.constant 0 : i32
    %c0_i32_0 = arith.constant 0 : i32
    %c0_i32_1 = arith.constant 0 : i32
    return %c0_i32, %arg0, %c0_i32_0 : i32, i32, i32
  }
  func.func @transform_1(%arg0: i32) -> i32 {
    %c0_i32 = arith.constant 0 : i32
    return %arg0 : i32
  }
  func.func @transform_2(%arg0: i32) -> i32 {
    %c0_i32 = arith.constant 0 : i32
    %c0_i32_0 = arith.constant 0 : i32
    return %c0_i32 : i32
  }
  func.func @transform_3(%arg0: i32) -> (i32, i32) {
    %c0_i32 = arith.constant 0 : i32
    %c0_i32_0 = arith.constant 0 : i32
    %c0_i32_1 = arith.constant 0 : i32
    return %c0_i32, %c0_i32_0 : i32, i32
  }
  func.func @transform_4(%arg0: i32) -> (i32, i32, i32) {
    %c0_i32 = arith.constant 0 : i32
    %c0_i32_0 = arith.constant 0 : i32
    %c0_i32_1 = arith.constant 0 : i32
    return %c0_i32, %arg0, %c0_i32_0 : i32, i32, i32
  }
}

module attributes {stable_mosaic.version = 14 : i64} {
  func.func @_pool_body(%arg0: i32, %arg1: memref<2x2048x128xf32, #tpu.memory_space<vmem>>, %arg2: memref<2048xf32, #tpu.memory_space<vmem>>, %arg3: memref<256xf32, #tpu.memory_space<vmem>>, %arg4: memref<2048xi32, #tpu.memory_space<vmem>>, %arg5: memref<256x1xf32, #tpu.memory_space<vmem>>, %arg6: memref<1xf32, #tpu.memory_space<vmem>>, %arg7: memref<64xf32, #tpu.memory_space<vmem>>, %arg8: memref<64x256xf32, #tpu.memory_space<vmem>>, %arg9: memref<64xf32, #tpu.memory_space<vmem>>) attributes {dimension_semantics = [#tpu.dimension_semantics<arbitrary>], iteration_bounds = array<i64: 5>, scalar_prefetch = 0 : i64, scratch_operands = 2 : i64, tpu.core_type = #tpu.core_type<tc>, window_params = [{transform_indices = @transform_0, window_bounds = array<i64: 2, 2048, 128>}, {transform_indices = @transform_1, window_bounds = array<i64: 2048>}, {pipeline_mode = #tpu.pipeline_mode<synchronous>, transform_indices = @transform_2, window_bounds = array<i64: 256>}, {transform_indices = @transform_3, window_bounds = array<i64: 2048>}, {pipeline_mode = #tpu.pipeline_mode<synchronous>, transform_indices = @transform_4, window_bounds = array<i64: 256, 1>}, {pipeline_mode = #tpu.pipeline_mode<synchronous>, transform_indices = @transform_5, window_bounds = array<i64: 1>}, {pipeline_mode = #tpu.pipeline_mode<synchronous>, transform_indices = @transform_6, window_bounds = array<i64: 64>}]} {
    %eq3A = arith.constant 0 : i32
    %eq3A_0 = arith.cmpi eq, %arg0, %eq3A : i32
    %convert_element_type3A = arith.extui %eq3A_0 : i1 to i32
    %cond3A = arith.constant 0 : i32
    %cond3A_1 = arith.cmpi ne, %convert_element_type3A, %cond3A : i32
    scf.if %cond3A_1 {
      %broadcast_in_dim3A_49 = arith.constant 0.000000e+00 : f32
      %broadcast_in_dim3A_50 = vector.broadcast %broadcast_in_dim3A_49 : f32 to vector<64x256xf32>
      %swap3A_51 = arith.constant 0 : index
      %swap3A_52 = arith.constant 0 : index
      %swap3A_53 = vector.load %arg8[%swap3A_51, %swap3A_52] : memref<64x256xf32, #tpu.memory_space<vmem>>, vector<64x256xf32>
      tpu.vector_store %arg8[%swap3A_51, %swap3A_52], %broadcast_in_dim3A_50 {strides = array<i32>} : memref<64x256xf32, #tpu.memory_space<vmem>>, vector<64x256xf32>,
      %broadcast_in_dim3A_54 = arith.constant 0.000000e+00 : f32
      %broadcast_in_dim3A_55 = vector.broadcast %broadcast_in_dim3A_54 : f32 to vector<64xf32>
      %swap3A_56 = arith.constant 0 : index
      %swap3A_57 = vector.load %arg9[%swap3A_56] : memref<64xf32, #tpu.memory_space<vmem>>, vector<64xf32>
      tpu.vector_store %arg9[%swap3A_56], %broadcast_in_dim3A_55 {strides = array<i32>} : memref<64xf32, #tpu.memory_space<vmem>>, vector<64xf32>,
    } else {
    }
    %get3A = arith.constant 0 : index
    %get3A_2 = vector.load %arg2[%get3A] : memref<2048xf32, #tpu.memory_space<vmem>>, vector<2048xf32>
    %broadcast_in_dim3A = vector.shape_cast %get3A_2 : vector<2048xf32> to vector<2048x1xf32>
    %get3A_3 = arith.constant 0 : index
    %get3A_4 = vector.load %arg3[%get3A_3] : memref<256xf32, #tpu.memory_space<vmem>>, vector<256xf32>
    %get3A_5 = arith.constant 0 : index
    %get3A_6 = arith.constant 0 : index
    %get3A_7 = arith.constant 0 : index
    %get3A_8 = vector.load %arg1[%get3A_5, %get3A_6, %get3A_7] : memref<2x2048x128xf32, #tpu.memory_space<vmem>>, vector<1x2048x128xf32>
    %get3A_9 = vector.shape_cast %get3A_8 : vector<1x2048x128xf32> to vector<2048x128xf32>
    %mul3A = vector.broadcast %broadcast_in_dim3A : vector<2048x1xf32> to vector<2048x128xf32>
    %mul3A_10 = arith.mulf %get3A_9, %mul3A : vector<2048x128xf32>
    %slice3A = vector.extract_strided_slice %get3A_4 {offsets = [0], sizes = [128], strides = [1]} : vector<256xf32> to vector<128xf32>
    %broadcast_in_dim3A_11 = vector.shape_cast %slice3A : vector<128xf32> to vector<1x128xf32>
    %add3A = vector.broadcast %broadcast_in_dim3A_11 : vector<1x128xf32> to vector<2048x128xf32>
    %add3A_12 = arith.addf %mul3A_10, %add3A : vector<2048x128xf32>
    %get3A_13 = arith.constant 1 : index
    %get3A_14 = arith.constant 0 : index
    %get3A_15 = arith.constant 0 : index
    %get3A_16 = vector.load %arg1[%get3A_13, %get3A_14, %get3A_15] : memref<2x2048x128xf32, #tpu.memory_space<vmem>>, vector<1x2048x128xf32>
    %get3A_17 = vector.shape_cast %get3A_16 : vector<1x2048x128xf32> to vector<2048x128xf32>
    %mul3A_18 = vector.broadcast %broadcast_in_dim3A : vector<2048x1xf32> to vector<2048x128xf32>
    %mul3A_19 = arith.mulf %get3A_17, %mul3A_18 : vector<2048x128xf32>
    %slice3A_20 = vector.extract_strided_slice %get3A_4 {offsets = [128], sizes = [128], strides = [1]} : vector<256xf32> to vector<128xf32>
    %broadcast_in_dim3A_21 = vector.shape_cast %slice3A_20 : vector<128xf32> to vector<1x128xf32>
    %add3A_22 = vector.broadcast %broadcast_in_dim3A_21 : vector<1x128xf32> to vector<2048x128xf32>
    %add3A_23 = arith.addf %mul3A_19, %add3A_22 : vector<2048x128xf32>
    %concatenate3A = tpu.concatenate %add3A_12, %add3A_23 in 1 : vector<2048x128xf32>, vector<2048x128xf32> -> vector<2048x256xf32>
    %iota3A = tpu.iota {dimensions = array<i32: 1>} : vector<2048x64xi32>
    %get3A_24 = arith.constant 0 : index
    %get3A_25 = vector.load %arg4[%get3A_24] : memref<2048xi32, #tpu.memory_space<vmem>>, vector<2048xi32>
    %broadcast_in_dim3A_26 = vector.shape_cast %get3A_25 : vector<2048xi32> to vector<2048x1xi32>
    %eq3A_27 = vector.broadcast %broadcast_in_dim3A_26 : vector<2048x1xi32> to vector<2048x64xi32>
    %eq3A_28 = arith.cmpi eq, %eq3A_27, %iota3A : vector<2048x64xi32>
    %convert_element_type3A_29 = arith.extui %eq3A_28 : vector<2048x64xi1> to vector<2048x64xi32>
    %convert_element_type3A_30 = arith.sitofp %convert_element_type3A_29 : vector<2048x64xi32> to vector<2048x64xf32>
    %get3A_31 = arith.constant 0 : index
    %get3A_32 = arith.constant 0 : index
    %get3A_33 = vector.load %arg8[%get3A_31, %get3A_32] : memref<64x256xf32, #tpu.memory_space<vmem>>, vector<64x256xf32>
    %dot_general3A = arith.constant dense<0.000000e+00> : vector<64x256xf32>
    %dot_general3A_34 = tpu.matmul %convert_element_type3A_30, %concatenate3A, %dot_general3A {dimension_numbers = #tpu.dot_dimension_numbers<[0], [0], [1], [1], [0, 1, 1, 1], [], []>, transpose_lhs_hint = false} : vector<2048x64xf32>, vector<2048x256xf32>, vector<64x256xf32> -> vector<64x256xf32>
    %add3A_35 = arith.addf %get3A_33, %dot_general3A_34 : vector<64x256xf32>
    %swap3A = arith.constant 0 : index
    %swap3A_36 = arith.constant 0 : index
    %swap3A_37 = vector.load %arg8[%swap3A, %swap3A_36] : memref<64x256xf32, #tpu.memory_space<vmem>>, vector<64x256xf32>
    tpu.vector_store %arg8[%swap3A, %swap3A_36], %add3A_35 {strides = array<i32>} : memref<64x256xf32, #tpu.memory_space<vmem>>, vector<64x256xf32>,
    %get3A_38 = arith.constant 0 : index
    %get3A_39 = vector.load %arg9[%get3A_38] : memref<64xf32, #tpu.memory_space<vmem>>, vector<64xf32>
    %reduce_sum3A = arith.constant dense<0.000000e+00> : vector<64xf32>
    %reduce_sum3A_40 = vector.multi_reduction <add>, %convert_element_type3A_30, %reduce_sum3A [0] : vector<2048x64xf32> to vector<64xf32>
    %add3A_41 = arith.addf %get3A_39, %reduce_sum3A_40 : vector<64xf32>
    %swap3A_42 = arith.constant 0 : index
    %swap3A_43 = vector.load %arg9[%swap3A_42] : memref<64xf32, #tpu.memory_space<vmem>>, vector<64xf32>
    tpu.vector_store %arg9[%swap3A_42], %add3A_41 {strides = array<i32>} : memref<64xf32, #tpu.memory_space<vmem>>, vector<64xf32>,
    %eq3A_44 = arith.constant 4 : i32
    %eq3A_45 = arith.cmpi eq, %arg0, %eq3A_44 : i32
    %convert_element_type3A_46 = arith.extui %eq3A_45 : i1 to i32
    %cond3A_47 = arith.constant 0 : i32
    %cond3A_48 = arith.cmpi ne, %convert_element_type3A_46, %cond3A_47 : i32
    scf.if %cond3A_48 {
      %get3A_49 = arith.constant 0 : index
      %get3A_50 = arith.constant 0 : index
      %get3A_51 = vector.load %arg8[%get3A_49, %get3A_50] : memref<64x256xf32, #tpu.memory_space<vmem>>, vector<64x256xf32>
      %get3A_52 = arith.constant 0 : index
      %get3A_53 = vector.load %arg9[%get3A_52] : memref<64xf32, #tpu.memory_space<vmem>>, vector<64xf32>
      %max3A = arith.constant 1.000000e+00 : f32
      %max3A_54 = vector.broadcast %max3A : f32 to vector<64xf32>
      %max3A_55 = arith.maximumf %get3A_53, %max3A_54 : vector<64xf32>
      %broadcast_in_dim3A_56 = vector.shape_cast %max3A_55 : vector<64xf32> to vector<64x1xf32>
      %div3A = vector.broadcast %broadcast_in_dim3A_56 : vector<64x1xf32> to vector<64x256xf32>
      %div3A_57 = arith.divf %get3A_51, %div3A : vector<64x256xf32>
      %get3A_58 = arith.constant 0 : index
      %get3A_59 = arith.constant 0 : index
      %get3A_60 = vector.load %arg5[%get3A_58, %get3A_59] : memref<256x1xf32, #tpu.memory_space<vmem>>, vector<256x1xf32>
      %dot_general3A_61 = arith.constant dense<0.000000e+00> : vector<64x1xf32>
      %dot_general3A_62 = tpu.matmul %div3A_57, %get3A_60, %dot_general3A_61 {dimension_numbers = #tpu.dot_dimension_numbers<[1], [0], [0], [1], [0, 0, 1, 1], [], []>, transpose_lhs_hint = false} : vector<64x256xf32>, vector<256x1xf32>, vector<64x1xf32> -> vector<64x1xf32>
      %get3A_63 = arith.constant 0 : index
      %get3A_64 = vector.load %arg6[%get3A_63] : memref<1xf32, #tpu.memory_space<vmem>>, vector<1xf32>
      %broadcast_in_dim3A_65 = vector.shape_cast %get3A_64 : vector<1xf32> to vector<1x1xf32>
      %add3A_66 = vector.broadcast %broadcast_in_dim3A_65 : vector<1x1xf32> to vector<64x1xf32>
      %add3A_67 = arith.addf %dot_general3A_62, %add3A_66 : vector<64x1xf32>
      %squeeze3A = vector.shape_cast %add3A_67 : vector<64x1xf32> to vector<64xf32>
      %logistic3A = arith.negf %squeeze3A : vector<64xf32>
      %logistic3A_68 = math.exp %logistic3A : vector<64xf32>
      %logistic3A_69 = arith.constant 1.000000e+00 : f32
      %logistic3A_70 = vector.broadcast %logistic3A_69 : f32 to vector<64xf32>
      %logistic3A_71 = arith.addf %logistic3A_70, %logistic3A_68 : vector<64xf32>
      %logistic3A_72 = arith.divf %logistic3A_70, %logistic3A_71 : vector<64xf32>
      %swap3A_73 = arith.constant 0 : index
      %swap3A_74 = vector.load %arg7[%swap3A_73] : memref<64xf32, #tpu.memory_space<vmem>>, vector<64xf32>
      tpu.vector_store %arg7[%swap3A_73], %logistic3A_72 {strides = array<i32>} : memref<64xf32, #tpu.memory_space<vmem>>, vector<64xf32>,
    } else {
    }
    return
  }
  func.func @transform_0(%arg0: i32) -> (i32, i32, i32) {
    %c0_i32 = arith.constant 0 : i32
    %c0_i32_0 = arith.constant 0 : i32
    %c0_i32_1 = arith.constant 0 : i32
    return %c0_i32, %arg0, %c0_i32_0 : i32, i32, i32
  }
  func.func @transform_1(%arg0: i32) -> i32 {
    %c0_i32 = arith.constant 0 : i32
    return %arg0 : i32
  }
  func.func @transform_2(%arg0: i32) -> i32 {
    %c0_i32 = arith.constant 0 : i32
    %c0_i32_0 = arith.constant 0 : i32
    return %c0_i32 : i32
  }
  func.func @transform_3(%arg0: i32) -> i32 {
    %c0_i32 = arith.constant 0 : i32
    return %arg0 : i32
  }
  func.func @transform_4(%arg0: i32) -> (i32, i32) {
    %c0_i32 = arith.constant 0 : i32
    %c0_i32_0 = arith.constant 0 : i32
    %c0_i32_1 = arith.constant 0 : i32
    return %c0_i32, %c0_i32_0 : i32, i32
  }
  func.func @transform_5(%arg0: i32) -> i32 {
    %c0_i32 = arith.constant 0 : i32
    %c0_i32_0 = arith.constant 0 : i32
    return %c0_i32 : i32
  }
  func.func @transform_6(%arg0: i32) -> i32 {
    %c0_i32 = arith.constant 0 : i32
    %c0_i32_0 = arith.constant 0 : i32
    return %c0_i32 : i32
  }
}

</mosaic_0001>

<sc_bundles>
// kernel: kernel.11.cloned.1.call-start
scs
__scs_entry_jumppad:
0x0: {  	(pc) =	sbr.rel $0x88, $3  }
0x1: {  	(tag) =	ssettag $0x0;
	lr =	simm.s32 $0x1  }
0x2: {  	[smem:$0x3F98] =	sst lr;
	_ =	strace $0xD0000000  }
0x3: {  	_ = 	snop  }
0x4: {  	_ = 	snop  }
0x5: {  	_ = 	snop  }
0x6: {  	_ = 	snop  }
0x7: {  	_ = 	snop  }
__scs_overlays_trampoline_lowered:
0x8: {  	[smem:$0x3FA7] =	sst s0  }
0x9: {  	[smem:$0x3FA8] =	sst s1  }
0xa: {  	[smem:$0x3FA9] =	sst s2  }
0xb: {  	[smem:$0x3FAA] =	sst s3  }
0xc: {  	[smem:$0x3FAB] =	sst s4  }
0xd: {  	[smem:$0x3FAC] =	sst s5  }
0xe: {  	[smem:$0x3FAD] =	sst s6  }
0xf: {  	[smem:$0x3FAE] =	sst s7  }
0x10: {  	[smem:$0x3FAF] =	sst s8  }
0x11: {  	[smem:$0x3FB0] =	sst s9;
	s0 =	simm.s32 @!p0 $0x0  }
0x12: {  	s1 =	sld [smem:$0x3F96];
	s0 =	simm.s32 @p0 $0x1  }
0x13: {  	[smem:$0x3FB1] =	sst s0;
	s0 =	simm.s32 @!p1 $0x0  }
0x14: {  	s2 =	sld [smem:$0x3F95];
	s0 =	simm.s32 @p1 $0x1  }
0x15: {  	[smem:$0x3FB2] =	sst s0;
	s0 =	simm.s32 @!p2 $0x0  }
0x16: {  	s3 =	sld [smem:$0x3FDB];
	s0 =	simm.s32 @p2 $0x1  }
0x17: {  	s4 =	simm.s32 $0x1BF5;
	[smem:$0x3FB4] =	sst s0  }
0x18: {  	s0 =	sld [smem:$0x3F97];
	_ =	swait.ge [sflag:s4], $0x0  }
0x19: {  	s7 =	sld [smem:$0x3F98]  }
0x1a: {  	s8 =	sadd.s32 $0xFFFFE003, lr  }
0x1b: {  	s9 =	sadd.s32 $0xFFFFFEF7, lr;
	s5 =	simm.s32 $0xFFFFFFFF;
	p2 =	slt.u32 s8, $0xFFFFF086  }
0x1c: {  	p1 =	slt.u32 s9, $0xF7A;
	s5 =	simm.s32 @!p2 $0x0  }
0x1d: {  	s5 =	simm.s32 @p1 $0x1;
	p0 =	seq.s32 s7, s2  }
0x1e: {  	s7 =	smul.u32 @!p0 $0xF7A, s2;
	p2 =	seq.s32 @!p0 s5, $0x0  }
0x1f: {  	s9 =	smul.u32 $0xF7A, s1;
	s8 =	simm.s32 @!p0 $0x1BF5;
	p2 =	por !p2, p0  }
0x20: {  	[sflag:s8] =	ssyncset.s32 @!p0 $0xFFFFF086;
	s6 =	sadd.s32 @!p0 s3, s7;
	s7 =	simm.s32 @!p0 $0x108  }
0x21: {  	s3 =	sadd.s32 s3, s9;
	s6 =	sadd.s32 @!p0 $0x88, s6;
	s7 =	simm.s32 @p2 $0x1082  }
0x22: {  	[simem:s7], [sflag:s8] =	dma.local @!p0 [hbm:s6], $0xF7A  }
0x23: {  	s9 =	sor.u32 $0xD0000000, s2;
	s6 =	simm.s32 $0x108;
	_ =	swait.ge @!p0 [sflag:s8], $0x0  }
0x24: {  	s3 =	sadd.s32 $0x88, s3;
	s6 =	simm.s32 @!p1 $0x1082;
	[sflag:s4] =	ssyncset.s32 $0xFFFFF086  }
0x25: {  	[simem:s6], [sflag:s4] =	dma.local [hbm:s3], $0xF7A  }
0x26: {  	[smem:$0x3F98] =	sst s1;
	(tag) =	ssettag s2;
	_ =	strace s9  }
0x27: {  	s1 =	sld [smem:$0x3FA8]  }
0x28: {  	s2 =	sld [smem:$0x3FA9]  }
0x29: {  	s4 =	sld [smem:$0x3FAB]  }
0x2a: {  	p0 =	seq.s32 s5, $0x0;
	s5 =	sld [smem:$0x3FAC]  }
0x2b: {  	s6 =	sld [smem:$0x3FAD]  }
0x2c: {  	s7 =	sld [smem:$0x3FAE]  }
0x2d: {  	s3 =	simm.s32 $0x108;
	s8 =	sld [smem:$0x3FAF]  }
0x2e: {  	s3 =	simm.s32 @!p0 $0x1082;
	s9 =	sld [smem:$0x3FB0]  }
0x2f: {  	lr =	sadd.s32 s0, s3;
	s0 =	sld [smem:$0x3FA7]  }
0x30: {  	s3 =	sld [smem:$0x3FAA]  }
0x31: {  	[smem:$0x3FB3] =	sst s10  }
0x32: {  	s10 =	sld [smem:$0x3FB1];
	_ =	sdelay $0x3  }
0x33: {  	p0 =	seq.s32 s10, $0x1;
	s10 =	sld [smem:$0x3FB3];
	_ =	sdelay $0x3  }
0x34: {  	[smem:$0x3FB3] =	sst s10  }
0x35: {  	s10 =	sld [smem:$0x3FB2];
	_ =	sdelay $0x3  }
0x36: {  	p1 =	seq.s32 s10, $0x1;
	s10 =	sld [smem:$0x3FB3];
	_ =	sdelay $0x3  }
0x37: {  	[smem:$0x3FB3] =	sst s10  }
0x38: {  	s10 =	sld [smem:$0x3FB4]  }
0x39: {  	_ = 	snop;
	(pc) =	sbr.ind lr, $3  }
0x3a: {  	_ = 	snop  }
0x3b: {  	_ = 	snop  }
0x3c: {  	p2 =	seq.s32 s10, $0x1;
	s10 =	sld [smem:$0x3FB3]  }
0x3d: {  	_ =	shalt  }
0x3e: {  	_ =	shalt  }
0x3f: {  	_ =	shalt  }
0x40: {  	_ =	shalt  }
0x41: {  	_ =	shalt  }
0x42: {  	_ =	shalt  }
0x43: {  	_ =	shalt  }
0x44: {  	_ =	shalt  }
0x45: {  	_ =	shalt  }
0x46: {  	_ =	shalt  }
0x47: {  	_ =	shalt  }
0x48: {  	_ =	shalt  }
0x49: {  	_ =	shalt  }
0x4a: {  	_ =	shalt  }
0x4b: {  	_ =	shalt  }
0x4c: {  	_ =	shalt  }
0x4d: {  	_ =	shalt  }
0x4e: {  	_ =	shalt  }
0x4f: {  	_ =	shalt  }
0x50: {  	_ =	shalt  }
0x51: {  	_ =	shalt  }
0x52: {  	_ =	shalt  }
0x53: {  	_ =	shalt  }
0x54: {  	_ =	shalt  }
0x55: {  	_ =	shalt  }
0x56: {  	_ =	shalt  }
0x57: {  	_ =	shalt  }
0x58: {  	_ =	shalt  }
0x59: {  	_ =	shalt  }
0x5a: {  	_ =	shalt  }
0x5b: {  	_ =	shalt  }
0x5c: {  	_ =	shalt  }
0x5d: {  	_ =	shalt  }
0x5e: {  	_ =	shalt  }
0x5f: {  	_ =	shalt  }
0x60: {  	_ =	shalt  }
0x61: {  	_ =	shalt  }
0x62: {  	_ =	shalt  }
0x63: {  	_ =	shalt  }
0x64: {  	_ =	shalt  }
0x65: {  	_ =	shalt  }
0x66: {  	_ =	shalt  }
0x67: {  	_ =	shalt  }
0x68: {  	_ =	shalt  }
0x69: {  	_ =	shalt  }
0x6a: {  	_ =	shalt  }
0x6b: {  	_ =	shalt  }
0x6c: {  	_ =	shalt  }
0x6d: {  	_ =	shalt  }
0x6e: {  	_ =	shalt  }
0x6f: {  	_ =	shalt  }
0x70: {  	_ =	shalt  }
0x71: {  	_ =	shalt  }
0x72: {  	_ =	shalt  }
0x73: {  	_ =	shalt  }
0x74: {  	_ =	shalt  }
0x75: {  	_ =	shalt  }
0x76: {  	_ =	shalt  }
0x77: {  	_ =	shalt  }
0x78: {  	_ =	shalt  }
0x79: {  	_ =	shalt  }
0x7a: {  	_ =	shalt  }
0x7b: {  	_ =	shalt  }
0x7c: {  	_ =	shalt  }
0x7d: {  	_ =	shalt  }
0x7e: {  	_ =	shalt  }
0x7f: {  	_ =	shalt  }
0x80: {  	_ =	shalt  }
0x81: {  	_ =	shalt  }
0x82: {  	_ =	shalt  }
0x83: {  	_ =	shalt  }
0x84: {  	_ =	shalt  }
0x85: {  	_ =	shalt  }
0x86: {  	_ =	shalt  }
0x87: {  	_ =	shalt  }
.Lfunc_end0:
.L_simem_size_0:
called_computation.1_lowered:
.L_overlay_start_0:
0x88: {  	s2 =	sld [smem:$0x3FD9]  }
0x89: {  	s3 =	sld [smem:$0x3FFE];
	_ =	sdelay $0x1  }
0x8a: {  	s1 =	srdreg.scid  }
0x8b: {  	s0 =	sand.u32 $0x1, s1  }
0x8c: {  	s16 =	sshll.u32 s0, $0xA;
	s2 =	sadd.s32 s3, s2  }
0x8d: {  	s2 =	sadd.s32 s2, s16  }
0x8e: {  	[smem:$0x3FBF] =	sst s2  }
0x8f: {  	_ = 	snop  }
0x90: {  	(tm) =	ssettm $0x1  }
0x91: {  	s17 =	sld [smem:$0x3FFB];
	_ =	sdelay $0x3  }
0x92: {  	_ =	strace s17  }
0x93: {  	s2 =	sld [smem:$0x3FFC];
	_ =	sdelay $0x3  }
0x94: {  	_ =	strace s2  }
0x95: {  	s2 =	sld [smem:$0x3FFD];
	_ =	sdelay $0x3  }
0x96: {  	_ =	strace s2  }
0x97: {  	_ =	strace $0x8FFFFFFF  }
0x98: {  	s18 =	sld [smem:$0x3FDB];
	_ =	sdelay $0x1  }
0x99: {  	s19 =	simm.s32 $_scs_section_size  }
0x9a: {  	s4 =	simm.s32 $_size__tile_overlayer_lowered;
	s5 =	simm.s32 $_tile_overlayer_lowered  }
0x9b: {  	s22 =	simm.s32 $0x1BFF;
	s21 =	sshll.u32 s5, $0x1;
	s2 =	sadd.s32 s19, s18  }
0x9c: {  	s6 =	simm.s32 $0x0;
	s20 =	sshll.u32 s4, $0x1;
	s4 =	sadd.s32 s21, s2  }
0x9d: {  	[timem:s6], [sflag:s22] =	dma.local [hbm:s4], s20  }
0x9e: {  	_ =	swait.ge [sflag:s22], s20  }
0x9f: {  	s3 =	ssub.s32 $0x0, s20;
	[sflag:s22] =	ssyncset.done $0x0  }
0xa0: {  	[sflag:s22] =	ssyncadd.s32 s3;
	_ =	sdelay $0x1  }
0xa1: {  	s23 =	simm.s32 $0x1B8B  }
0xa2: {  	_ =	swait.ge [sflag:s23], $0x1  }
0xa3: {  	[sflag:s23] =	ssyncset.done $0x0  }
0xa4: {  	s25 =	simm.s32 $0x1B8E;
	s24 =	sld [smem:$0x3FFE];
	[sflag:s23] =	ssyncadd.s32 $0xFFFFFFFF  }
0xa5: {  	s26 =	simm.s32 $execute0_lowered;
	[smem:$0x3FD2] =	sst s25  }
0xa6: {  	s4 =	sshll.u32 s26, $0x1;
	_ =	strace $0x80000049;
	[dreg:$0x1] =	wrdreg $0xFFFFFFFF  }
0xa7: {  	s28 =	simm.s32 $_size_execute0_lowered;
	s2 =	sadd.s32 s2, s4;
	[dreg:$0x0] =	wrdreg $0x0  }
0xa8: {  	s4 =	sshll.u32 s28, $0x1;
	[dreg:$0x2] =	wrdreg s2  }
0xa9: {  	[dreg:$0x3] =	wrdreg s4  }
0xaa: {  	[dreg:$0x4] =	wrdreg $0xC0  }
0xab: {  	_ =	task [dreg:s6], $0x5FFFF  }
0xac: {  	[dreg:$0x1] =	wrdreg $0xFFFFFFFF  }
0xad: {  	[dreg:$0x0] =	wrdreg $0x60  }
0xae: {  	[dreg:$0x2] =	wrdreg s24  }
0xaf: {  	[dreg:$0x3] =	wrdreg $0x0  }
0xb0: {  	[dreg:$0x4] =	wrdreg $0x9  }
0xb1: {  	_ =	task.clear_ibuf [dreg:s6], $0x5FFFF;
	_ =	strace $0x90000049  }
0xb2: {  	s29 =	simm.s32 $0x9;
	_ =	strace $0x8000004B  }
0xb3: {  	_ =	swait.ge [sflag:s29], $0x1  }
0xb4: {  	[sflag:s29] =	ssyncadd.s32 $0xFFFFFFFF  }
0xb5: {  	_ =	strace $0x9000004B  }
0xb6: {  	_ =	sfence  }
0xb7: {  	s30 =	sld [smem:$0x0];
	_ =	sdelay $0x2  }
0xb8: {  	s31 =	sshll.u32 s1, $0xD;
	s1 =	sshrl.u32 s1, $0x2  }
0xb9: {  	s3 =	sand.u32 $0x4000, s31;
	s1 =	sadd.s32 s1, s30  }
0xba: {  	s0 =	sor.u32 s3, s0;
	s1 =	sshll.u32 s1, $0x11  }
0xbb: {  	s0 =	sor.u32 s1, s0  }
0xbc: {  	s0 =	sadd.s32 $0x8F2B, s0  }
0xbd: {  	[sflag:s0] =	ssyncadd.remote.s32 $0x1  }
0xbe: {  	_ =	sfence.sel $0xFFFF  }
0xbf: {  	[dreg:$0x0] =	wrdreg $0xFFFFFFFF;
	(pc) =	sbr.abs _section_cstart, $3  }
0xc0: {  	[dreg:$0x1] =	wrdreg $0xFFFFFFFF  }
0xc1: {  	_ =	task.clear_ibuf [dreg:s6], $0x2FFFF;
	_ =	strace $0x9FFFFFFF  }
0xc2: {  	(tm) =	ssettm $0x7FFFFFFF  }
0xc3: {  	_ =	shalt  }
tec
execute0_lowered:
.L_overlay_start_1:
0x0: {  	(tag) =	ssettag $0x1  }
0x1: {  	s0 =	rddreg [dreg:$0x0]  }
0x2: {  	s1 =	rddreg [dreg:$0x1];
	s2 =	srdreg.scid;
	s4 =	simm.s32 $0x0  }
0x3: {  	s12 =	stileid.u32;
	s14 =	simm.s32 $0x9;
	s15 =	simm.s32 $0x14000  }
0x4: {  	s16 =	simm.s32 $0x15400;
	s17 =	simm.s32 $0x40;
	s18 =	simm.s32 $0x16800  }
0x5: {  	s29 =	simm.s32 $0x2;
	s31 =	simm.s32 $0x6;
	s5 =	smul.u32 $0x280, s12  }
0x6: {  	s19 =	simm.s32 $0x16740;
	s28 =	simm.s32 $0x0;
	s8 =	smul.u32 $0x50000, s12  }
0x7: {  	s2 =	sand.u32 $0x1, s2;
	[smem:$0x7FF] =	sst s4;
	s11 =	smul.u32 $0x2800, s12  }
0x8: {  	s4 =	sadd.s32 $0x1AC00, s0;
	s7 =	sadd.s32 $0x10C00, s0;
	s23 =	smul.u32 $0x500, s12  }
0x9: {  	s20 =	sadd.s32 $0x1C00, s0;
	s22 =	sshll.u32 s12, $0x6;
	s3 =	smul.u32 $0x2800, s2  }
0xa: {  	_ =	strace $0x8000004A;
	s6 =	sshll.u32 s2, $0x4;
	s2 =	ssub.s32 $0x2, s2  }
0xb: {  	s6 =	sor.u32 s12, s6;
	s9 =	sshrl.u32 s2, $0x1;
	s8 =	sshrl.u32 s8, $0x2  }
0xc: {  	s24 =	sshrl.u32 s11, $0x3;
	s11 =	simm.s32 $0x153C0;
	s12 =	simm.s32 $0x16700  }
0xd: {  	s3 =	sadd.s32 s5, s3;
	s10 =	smul.u32 $0x500, s6;
	s2 =	ssub.s32 s2, s9  }
0xe: {  	s21 =	smul.u32 $0x2800, s6;
	s8 =	sadd.s32 s8, s1;
	s6 =	sor.u32 $0x1C09, s22  }
0xf: {  	s5 =	sadd.s32 s20, s24;
	s22 =	simm.s32 $0x1A800;
	s24 =	simm.s32 $0x1C800  }
0x10: {  	s3 =	sshll.u32 s3, $0x4;
	s26 =	sadd.s32 $0x280, s5;
	s30 =	smax.u32 s2, $0x1  }
0x11: {  	s13 =	sshrl.u32 s8, $0x3;
	s2 =	simm.s32 $0x3;
	s5 =	simm.s32 $0x7  }
0x12: {  	s8 =	simm.s32 $0x4;
	s0 =	sadd.s32 s3, s0;
	[dreg:$0x7] =	wrdreg s26  }
0x13: {  	s3 =	sadd.s32 s4, s3;
	s10 =	sadd.s32 s7, s10;
	[dreg:$0x9] =	wrdreg s30  }
0x14: {  	s9 =	sshrl.u32 s21, $0x3;
	s26 =	simm.s32 $0x5;
	[dreg:$0x3] =	wrdreg s3  }
0x15: {  	s21 =	simm.s32 $0x16780;
	[dreg:$0x4] =	wrdreg s10;
	s3 =	sadd.s32 s20, s23  }
0x16: {  	s25 =	sadd.s32 s7, s9;
	s0 =	sadd.s32 $0x6AC00, s0;
	s20 =	simm.s32 $0x18800  }
0x17: {  	s7 =	simm.s32 $0x14180;
	s9 =	simm.s32 $0x154C0;
	[dreg:$0x5] =	wrdreg s3  }
0x18: {  	s10 =	simm.s32 $0x8;
	s3 =	sadd.s32 $0x280, s25;
	[dreg:$0x8] =	wrdreg s0  }
0x19: {  	s23 =	simm.s32 $0x167C0;
	s25 =	simm.s32 $0x1;
	[dreg:$0x6] =	wrdreg s3  }
.LBB2_1:
0x1a: {  	s0 =	rddreg [dreg:$0x3]  }
0x1b: {  	[spmem:s13], [sflag:s6] =	dma.local [hbm:s0], $0x2800  }
0x1c: {  	_ =	swait.ge [sflag:s14], $0x2800  }
0x1d: {  	[sflag:s14] =	ssyncset.done $0x0  }
0x1e: {  	[sflag:s14] =	ssyncadd.s32 $0xFFFFD800  }
0x1f: {  	[bflag:$0x0] =	sbarrier.arrive $0xFFFF  }
0x20: {  	s0 =	simm.s32 $0x0;
	s3 =	rddreg [dreg:$0x4]  }
0x21: {  	[tilespmem:s15], [sflag:$0x9] =	stream.linear.gather [hbm4b:s3+s0], $0x1400, $0x38;
	[tilespmem:$0x1E800] =	vst v63  }
0x22: {  	_ =	swait.ge [sflag:s14], $0x1400  }
0x23: {  	[sflag:s14] =	ssyncset.done $0x0  }
0x24: {  	s3 =	rddreg [dreg:$0x5];
	[sflag:s14] =	ssyncadd.s32 $0xFFFFEC00  }
0x25: {  	[tilespmem:s16], [sflag:$0x9] =	stream.linear.gather [hbm4b:s3+s0], $0x1400, $0x38;
	[tilespmem:$0x1E800] =	vst v63  }
0x26: {  	_ =	swait.ge [sflag:s14], $0x1400  }
0x27: {  	[sflag:s14] =	ssyncset.done $0x0  }
0x28: {  	[sflag:s14] =	ssyncadd.s32 $0xFFFFEC00  }
0x29: {  	[tilespmem:s18], [sflag:$0x1] =	stream.indirect.gather [hbm4b:s4+s17], $0x80, s15, s17, $0xb8;
	[tilespmem:$0x1E800] =	vst v63  }
0x2a: {  	s3 =	simm.s32 $0x14040  }
0x2b: {  	[tilespmem:s20], [sflag:$0x2] =	stream.indirect.gather [hbm4b:s4+s17], $0x80, s3, s17, $0xb8;
	[tilespmem:$0x1E800] =	vst v63  }
0x2c: {  	s3 =	simm.s32 $0x14080  }
0x2d: {  	[tilespmem:s22], [sflag:$0x3] =	stream.indirect.gather [hbm4b:s4+s17], $0x80, s3, s17, $0xb8;
	[tilespmem:$0x1E800] =	vst v63  }
0x2e: {  	s3 =	simm.s32 $0x140C0  }
0x2f: {  	[tilespmem:s24], [sflag:$0x4] =	stream.indirect.gather [hbm4b:s4+s17], $0x80, s3, s17, $0xb8;
	[tilespmem:$0x1E800] =	vst v63  }
0x30: {  	_ =	swait.ge [sflag:s25], $0x2000  }
0x31: {  	[sflag:s25] =	ssyncset.done $0x0  }
0x32: {  	[sflag:s25] =	ssyncadd.s32 $0xFFFFE000  }
0x33: {  	[spmem:s1] =	stream.indirect.scatter.add.f32 [tilespmem:s18], [sflag:$0x5], $0x80, s16, s17, $0xb8;
	[tilespmem:$0x1E800] =	vst v63  }
0x34: {  	_ =	swait.ge [sflag:s26], $0x2000  }
0x35: {  	[sflag:s26] =	ssyncset.done $0x0  }
0x36: {  	s3 =	simm.s32 $0x14100;
	[sflag:s26] =	ssyncadd.s32 $0xFFFFE000  }
0x37: {  	[tilespmem:s18], [sflag:$0x1] =	stream.indirect.gather [hbm4b:s4+s17], $0x80, s3, s17, $0xb8;
	[tilespmem:$0x1E800] =	vst v63  }
0x38: {  	_ =	swait.ge [sflag:s29], $0x2000  }
0x39: {  	[sflag:s29] =	ssyncset.done $0x0  }
0x3a: {  	s3 =	simm.s32 $0x15440;
	[sflag:s29] =	ssyncadd.s32 $0xFFFFE000  }
0x3b: {  	[spmem:s1] =	stream.indirect.scatter.add.f32 [tilespmem:s20], [sflag:$0x6], $0x80, s3, s17, $0xb8;
	[tilespmem:$0x1E800] =	vst v63  }
0x3c: {  	_ =	swait.ge [sflag:s31], $0x2000  }
0x3d: {  	[sflag:s31] =	ssyncset.done $0x0  }
0x3e: {  	s3 =	simm.s32 $0x14140;
	[sflag:s31] =	ssyncadd.s32 $0xFFFFE000  }
0x3f: {  	[tilespmem:s20], [sflag:$0x2] =	stream.indirect.gather [hbm4b:s4+s17], $0x80, s3, s17, $0xb8;
	[tilespmem:$0x1E800] =	vst v63  }
0x40: {  	_ =	swait.ge [sflag:s2], $0x2000  }
0x41: {  	[sflag:s2] =	ssyncset.done $0x0  }
0x42: {  	s3 =	simm.s32 $0x15480;
	[sflag:s2] =	ssyncadd.s32 $0xFFFFE000  }
0x43: {  	[spmem:s1] =	stream.indirect.scatter.add.f32 [tilespmem:s22], [sflag:$0x7], $0x80, s3, s17, $0xb8;
	[tilespmem:$0x1E800] =	vst v63  }
0x44: {  	_ =	swait.ge [sflag:s5], $0x2000  }
0x45: {  	[sflag:s5] =	ssyncset.done $0x0  }
0x46: {  	[sflag:s5] =	ssyncadd.s32 $0xFFFFE000  }
0x47: {  	[tilespmem:s22], [sflag:$0x3] =	stream.indirect.gather [hbm4b:s4+s17], $0x80, s7, s17, $0xb8;
	[tilespmem:$0x1E800] =	vst v63  }
0x48: {  	_ =	swait.ge [sflag:s8], $0x2000  }
0x49: {  	[sflag:s8] =	ssyncset.done $0x0  }
0x4a: {  	[sflag:s8] =	ssyncadd.s32 $0xFFFFE000  }
0x4b: {  	[spmem:s1] =	stream.indirect.scatter.add.f32 [tilespmem:s24], [sflag:$0x8], $0x80, s9, s17, $0xb8;
	[tilespmem:$0x1E800] =	vst v63  }
0x4c: {  	_ =	swait.ge [sflag:s10], $0x2000  }
0x4d: {  	[sflag:s10] =	ssyncset.done $0x0  }
0x4e: {  	s3 =	simm.s32 $0x141C0;
	[sflag:s10] =	ssyncadd.s32 $0xFFFFE000  }
0x4f: {  	[tilespmem:s24], [sflag:$0x4] =	stream.indirect.gather [hbm4b:s4+s17], $0x80, s3, s17, $0xb8;
	[tilespmem:$0x1E800] =	vst v63  }
0x50: {  	_ =	swait.ge [sflag:s25], $0x2000  }
0x51: {  	[sflag:s25] =	ssyncset.done $0x0  }
0x52: {  	s3 =	simm.s32 $0x15500;
	[sflag:s25] =	ssyncadd.s32 $0xFFFFE000  }
0x53: {  	[spmem:s1] =	stream.indirect.scatter.add.f32 [tilespmem:s18], [sflag:$0x5], $0x80, s3, s17, $0xb8;
	[tilespmem:$0x1E800] =	vst v63  }
0x54: {  	_ =	swait.ge [sflag:s26], $0x2000  }
0x55: {  	[sflag:s26] =	ssyncset.done $0x0  }
0x56: {  	s3 =	simm.s32 $0x14200;
	[sflag:s26] =	ssyncadd.s32 $0xFFFFE000  }
0x57: {  	[tilespmem:s18], [sflag:$0x1] =	stream.indirect.gather [hbm4b:s4+s17], $0x80, s3, s17, $0xb8;
	[tilespmem:$0x1E800] =	vst v63  }
0x58: {  	_ =	swait.ge [sflag:s29], $0x2000  }
0x59: {  	[sflag:s29] =	ssyncset.done $0x0  }
0x5a: {  	s3 =	simm.s32 $0x15540;
	[sflag:s29] =	ssyncadd.s32 $0xFFFFE000  }
0x5b: {  	[spmem:s1] =	stream.indirect.scatter.add.f32 [tilespmem:s20], [sflag:$0x6], $0x80, s3, s17, $0xb8;
	[tilespmem:$0x1E800] =	vst v63  }
0x5c: {  	_ =	swait.ge [sflag:s31], $0x2000  }
0x5d: {  	[sflag:s31] =	ssyncset.done $0x0  }
0x5e: {  	s3 =	simm.s32 $0x14240;
	[sflag:s31] =	ssyncadd.s32 $0xFFFFE000  }
0x5f: {  	[tilespmem:s20], [sflag:$0x2] =	stream.indirect.gather [hbm4b:s4+s17], $0x80, s3, s17, $0xb8;
	[tilespmem:$0x1E800] =	vst v63  }
0x60: {  	_ =	swait.ge [sflag:s2], $0x2000  }
0x61: {  	[sflag:s2] =	ssyncset.done $0x0  }
0x62: {  	s3 =	simm.s32 $0x15580;
	[sflag:s2] =	ssyncadd.s32 $0xFFFFE000  }
0x63: {  	[spmem:s1] =	stream.indirect.scatter.add.f32 [tilespmem:s22], [sflag:$0x7], $0x80, s3, s17, $0xb8;
	[tilespmem:$0x1E800] =	vst v63  }
0x64: {  	_ =	swait.ge [sflag:s5], $0x2000  }
0x65: {  	[sflag:s5] =	ssyncset.done $0x0  }
0x66: {  	s3 =	simm.s32 $0x14280;
	[sflag:s5] =	ssyncadd.s32 $0xFFFFE000  }
0x67: {  	[tilespmem:s22], [sflag:$0x3] =	stream.indirect.gather [hbm4b:s4+s17], $0x80, s3, s17, $0xb8;
	[tilespmem:$0x1E800] =	vst v63  }
0x68: {  	_ =	swait.ge [sflag:s8], $0x2000  }
0x69: {  	[sflag:s8] =	ssyncset.done $0x0  }
0x6a: {  	s30 =	simm.s32 $0x400;
	s0 =	simm.s32 $0x155C0;
	[sflag:s8] =	ssyncadd.s32 $0xFFFFE000  }
.LBB2_2:
0x6b: {  	[spmem:s1] =	stream.indirect.scatter.add.f32 [tilespmem:s24], [sflag:$0x8], $0x80, s0, s17, $0xb8;
	[tilespmem:$0x1E800] =	vst v63  }
0x6c: {  	s0 =	smov.u32 s30  }
0x6d: {  	p0 =	sne.s32 s30, $0x4400;
	s30 =	sadd.s32 $0x400, s30;
	_ =	swait.ge [sflag:s10], $0x2000  }
0x6e: {  	s0 =	sshra.s32 s0, $0x2;
	[sflag:s10] =	ssyncset.done $0x0  }
0x6f: {  	s3 =	sadd.s32 $0x141C0, s0;
	[sflag:s10] =	ssyncadd.s32 $0xFFFFE000  }
0x70: {  	[tilespmem:s24], [sflag:$0x4] =	stream.indirect.gather [hbm4b:s4+s17], $0x80, s3, s17, $0xb8;
	[tilespmem:$0x1E800] =	vst v63  }
0x71: {  	_ =	swait.ge [sflag:s25], $0x2000  }
0x72: {  	[sflag:s25] =	ssyncset.done $0x0  }
0x73: {  	s3 =	sadd.s32 $0x15500, s0;
	[sflag:s25] =	ssyncadd.s32 $0xFFFFE000  }
0x74: {  	[spmem:s1] =	stream.indirect.scatter.add.f32 [tilespmem:s18], [sflag:$0x5], $0x80, s3, s17, $0xb8;
	[tilespmem:$0x1E800] =	vst v63  }
0x75: {  	_ =	swait.ge [sflag:s26], $0x2000  }
0x76: {  	[sflag:s26] =	ssyncset.done $0x0  }
0x77: {  	s3 =	sadd.s32 $0x14200, s0;
	[sflag:s26] =	ssyncadd.s32 $0xFFFFE000  }
0x78: {  	[tilespmem:s18], [sflag:$0x1] =	stream.indirect.gather [hbm4b:s4+s17], $0x80, s3, s17, $0xb8;
	[tilespmem:$0x1E800] =	vst v63  }
0x79: {  	_ =	swait.ge [sflag:s29], $0x2000  }
0x7a: {  	[sflag:s29] =	ssyncset.done $0x0  }
0x7b: {  	s3 =	sadd.s32 $0x15540, s0;
	[sflag:s29] =	ssyncadd.s32 $0xFFFFE000  }
0x7c: {  	[spmem:s1] =	stream.indirect.scatter.add.f32 [tilespmem:s20], [sflag:$0x6], $0x80, s3, s17, $0xb8;
	[tilespmem:$0x1E800] =	vst v63  }
0x7d: {  	_ =	swait.ge [sflag:s31], $0x2000  }
0x7e: {  	[sflag:s31] =	ssyncset.done $0x0  }
0x7f: {  	s3 =	sadd.s32 $0x14240, s0;
	[sflag:s31] =	ssyncadd.s32 $0xFFFFE000  }
0x80: {  	[tilespmem:s20], [sflag:$0x2] =	stream.indirect.gather [hbm4b:s4+s17], $0x80, s3, s17, $0xb8;
	[tilespmem:$0x1E800] =	vst v63  }
0x81: {  	_ =	swait.ge [sflag:s2], $0x2000  }
0x82: {  	[sflag:s2] =	ssyncset.done $0x0  }
0x83: {  	s3 =	sadd.s32 $0x15580, s0;
	[sflag:s2] =	ssyncadd.s32 $0xFFFFE000  }
0x84: {  	[spmem:s1] =	stream.indirect.scatter.add.f32 [tilespmem:s22], [sflag:$0x7], $0x80, s3, s17, $0xb8;
	[tilespmem:$0x1E800] =	vst v63  }
0x85: {  	_ =	swait.ge [sflag:s5], $0x2000  }
0x86: {  	[sflag:s5] =	ssyncset.done $0x0  }
.Ltmp0:
0x87: {  	s3 =	sadd.s32 $0x14280, s0;
	[sflag:s5] =	ssyncadd.s32 $0xFFFFE000;
	(pc) =	sbr.rel @p0 .LBB2_2-.Ltmp0, $4  }
0x88: {  	[tilespmem:s22], [sflag:$0x3] =	stream.indirect.gather [hbm4b:s4+s17], $0x80, s3, s17, $0xb8;
	[tilespmem:$0x1E800] =	vst v63  }
0x89: {  	_ =	swait.ge [sflag:s8], $0x2000  }
0x8a: {  	[sflag:s8] =	ssyncset.done $0x0  }
0x8b: {  	s0 =	sadd.s32 $0x155C0, s0;
	[sflag:s8] =	ssyncadd.s32 $0xFFFFE000  }
0x8c: {  	[spmem:s1] =	stream.indirect.scatter.add.f32 [tilespmem:s24], [sflag:$0x8], $0x80, s0, s17, $0xb8;
	[tilespmem:$0x1E800] =	vst v63  }
0x8d: {  	_ =	swait.ge [sflag:s10], $0x2000  }
0x8e: {  	[sflag:s10] =	ssyncset.done $0x0  }
0x8f: {  	[sflag:s10] =	ssyncadd.s32 $0xFFFFE000  }
0x90: {  	[tilespmem:s24], [sflag:$0x4] =	stream.indirect.gather [hbm4b:s4+s17], $0x80, s11, s17, $0xb8;
	[tilespmem:$0x1E800] =	vst v63  }
0x91: {  	_ =	swait.ge [sflag:s25], $0x2000  }
0x92: {  	[sflag:s25] =	ssyncset.done $0x0  }
0x93: {  	[sflag:s25] =	ssyncadd.s32 $0xFFFFE000  }
0x94: {  	[spmem:s1] =	stream.indirect.scatter.add.f32 [tilespmem:s18], [sflag:$0x5], $0x80, s12, s17, $0xb8;
	[tilespmem:$0x1E800] =	vst v63  }
0x95: {  	_ =	swait.ge [sflag:s26], $0x2000  }
0x96: {  	[sflag:s26] =	ssyncset.done $0x0  }
0x97: {  	[sflag:s26] =	ssyncadd.s32 $0xFFFFE000  }
0x98: {  	_ =	swait.ge [sflag:s29], $0x2000  }
0x99: {  	[sflag:s29] =	ssyncset.done $0x0  }
0x9a: {  	[sflag:s29] =	ssyncadd.s32 $0xFFFFE000  }
0x9b: {  	[spmem:s1] =	stream.indirect.scatter.add.f32 [tilespmem:s20], [sflag:$0x6], $0x80, s19, s17, $0xb8;
	[tilespmem:$0x1E800] =	vst v63  }
0x9c: {  	_ =	swait.ge [sflag:s31], $0x2000  }
0x9d: {  	[sflag:s31] =	ssyncset.done $0x0  }
0x9e: {  	[sflag:s31] =	ssyncadd.s32 $0xFFFFE000  }
0x9f: {  	_ =	swait.ge [sflag:s2], $0x2000  }
0xa0: {  	[sflag:s2] =	ssyncset.done $0x0  }
0xa1: {  	[sflag:s2] =	ssyncadd.s32 $0xFFFFE000  }
0xa2: {  	[spmem:s1] =	stream.indirect.scatter.add.f32 [tilespmem:s22], [sflag:$0x7], $0x80, s21, s17, $0xb8;
	[tilespmem:$0x1E800] =	vst v63  }
0xa3: {  	_ =	swait.ge [sflag:s5], $0x2000  }
0xa4: {  	[sflag:s5] =	ssyncset.done $0x0  }
0xa5: {  	[sflag:s5] =	ssyncadd.s32 $0xFFFFE000  }
0xa6: {  	_ =	swait.ge [sflag:s8], $0x2000  }
0xa7: {  	[sflag:s8] =	ssyncset.done $0x0  }
0xa8: {  	[sflag:s8] =	ssyncadd.s32 $0xFFFFE000  }
0xa9: {  	[spmem:s1] =	stream.indirect.scatter.add.f32 [tilespmem:s24], [sflag:$0x8], $0x80, s23, s17, $0xb8;
	[tilespmem:$0x1E800] =	vst v63  }
0xaa: {  	_ =	swait.ge [sflag:s10], $0x2000  }
0xab: {  	[sflag:s10] =	ssyncset.done $0x0  }
0xac: {  	s0 =	simm.s32 $0x0;
	s3 =	rddreg [dreg:$0x6];
	[sflag:s10] =	ssyncadd.s32 $0xFFFFE000  }
0xad: {  	[tilespmem:s15], [sflag:$0x9] =	stream.linear.gather [hbm4b:s3+s0], $0x1400, $0x38;
	[tilespmem:$0x1E800] =	vst v63  }
0xae: {  	_ =	swait.ge [sflag:s14], $0x1400  }
0xaf: {  	[sflag:s14] =	ssyncset.done $0x0  }
0xb0: {  	s3 =	rddreg [dreg:$0x7];
	[sflag:s14] =	ssyncadd.s32 $0xFFFFEC00  }
0xb1: {  	[tilespmem:s16], [sflag:$0x9] =	stream.linear.gather [hbm4b:s3+s0], $0x1400, $0x38;
	[tilespmem:$0x1E800] =	vst v63  }
0xb2: {  	_ =	swait.ge [sflag:s14], $0x1400  }
0xb3: {  	[sflag:s14] =	ssyncset.done $0x0  }
0xb4: {  	[sflag:s14] =	ssyncadd.s32 $0xFFFFEC00  }
0xb5: {  	[tilespmem:s18], [sflag:$0x1] =	stream.indirect.gather [hbm4b:s4+s17], $0x80, s15, s17, $0xb8;
	[tilespmem:$0x1E800] =	vst v63  }
0xb6: {  	s3 =	simm.s32 $0x14040  }
0xb7: {  	[tilespmem:s20], [sflag:$0x2] =	stream.indirect.gather [hbm4b:s4+s17], $0x80, s3, s17, $0xb8;
	[tilespmem:$0x1E800] =	vst v63  }
0xb8: {  	s3 =	simm.s32 $0x14080  }
0xb9: {  	[tilespmem:s22], [sflag:$0x3] =	stream.indirect.gather [hbm4b:s4+s17], $0x80, s3, s17, $0xb8;
	[tilespmem:$0x1E800] =	vst v63  }
0xba: {  	s3 =	simm.s32 $0x140C0  }
0xbb: {  	[tilespmem:s24], [sflag:$0x4] =	stream.indirect.gather [hbm4b:s4+s17], $0x80, s3, s17, $0xb8;
	[tilespmem:$0x1E800] =	vst v63  }
0xbc: {  	_ =	swait.ge [sflag:s25], $0x2000  }
0xbd: {  	[sflag:s25] =	ssyncset.done $0x0  }
0xbe: {  	[sflag:s25] =	ssyncadd.s32 $0xFFFFE000  }
0xbf: {  	[spmem:s1] =	stream.indirect.scatter.add.f32 [tilespmem:s18], [sflag:$0x5], $0x80, s16, s17, $0xb8;
	[tilespmem:$0x1E800] =	vst v63  }
0xc0: {  	_ =	swait.ge [sflag:s26], $0x2000  }
0xc1: {  	[sflag:s26] =	ssyncset.done $0x0  }
0xc2: {  	s3 =	simm.s32 $0x14100;
	[sflag:s26] =	ssyncadd.s32 $0xFFFFE000  }
0xc3: {  	[tilespmem:s18], [sflag:$0x1] =	stream.indirect.gather [hbm4b:s4+s17], $0x80, s3, s17, $0xb8;
	[tilespmem:$0x1E800] =	vst v63  }
0xc4: {  	_ =	swait.ge [sflag:s29], $0x2000  }
0xc5: {  	[sflag:s29] =	ssyncset.done $0x0  }
0xc6: {  	s3 =	simm.s32 $0x15440;
	[sflag:s29] =	ssyncadd.s32 $0xFFFFE000  }
0xc7: {  	[spmem:s1] =	stream.indirect.scatter.add.f32 [tilespmem:s20], [sflag:$0x6], $0x80, s3, s17, $0xb8;
	[tilespmem:$0x1E800] =	vst v63  }
0xc8: {  	_ =	swait.ge [sflag:s31], $0x2000  }
0xc9: {  	[sflag:s31] =	ssyncset.done $0x0  }
0xca: {  	s3 =	simm.s32 $0x14140;
	[sflag:s31] =	ssyncadd.s32 $0xFFFFE000  }
0xcb: {  	[tilespmem:s20], [sflag:$0x2] =	stream.indirect.gather [hbm4b:s4+s17], $0x80, s3, s17, $0xb8;
	[tilespmem:$0x1E800] =	vst v63  }
0xcc: {  	_ =	swait.ge [sflag:s2], $0x2000  }
0xcd: {  	[sflag:s2] =	ssyncset.done $0x0  }
0xce: {  	s3 =	simm.s32 $0x15480;
	[sflag:s2] =	ssyncadd.s32 $0xFFFFE000  }
0xcf: {  	[spmem:s1] =	stream.indirect.scatter.add.f32 [tilespmem:s22], [sflag:$0x7], $0x80, s3, s17, $0xb8;
	[tilespmem:$0x1E800] =	vst v63  }
0xd0: {  	_ =	swait.ge [sflag:s5], $0x2000  }
0xd1: {  	[sflag:s5] =	ssyncset.done $0x0  }
0xd2: {  	[sflag:s5] =	ssyncadd.s32 $0xFFFFE000  }
0xd3: {  	[tilespmem:s22], [sflag:$0x3] =	stream.indirect.gather [hbm4b:s4+s17], $0x80, s7, s17, $0xb8;
	[tilespmem:$0x1E800] =	vst v63  }
0xd4: {  	_ =	swait.ge [sflag:s8], $0x2000  }
0xd5: {  	[sflag:s8] =	ssyncset.done $0x0  }
0xd6: {  	[sflag:s8] =	ssyncadd.s32 $0xFFFFE000  }
0xd7: {  	[spmem:s1] =	stream.indirect.scatter.add.f32 [tilespmem:s24], [sflag:$0x8], $0x80, s9, s17, $0xb8;
	[tilespmem:$0x1E800] =	vst v63  }
0xd8: {  	_ =	swait.ge [sflag:s10], $0x2000  }
0xd9: {  	[sflag:s10] =	ssyncset.done $0x0  }
0xda: {  	s3 =	simm.s32 $0x141C0;
	[sflag:s10] =	ssyncadd.s32 $0xFFFFE000  }
0xdb: {  	[tilespmem:s24], [sflag:$0x4] =	stream.indirect.gather [hbm4b:s4+s17], $0x80, s3, s17, $0xb8;
	[tilespmem:$0x1E800] =	vst v63  }
0xdc: {  	_ =	swait.ge [sflag:s25], $0x2000  }
0xdd: {  	[sflag:s25] =	ssyncset.done $0x0  }
0xde: {  	s3 =	simm.s32 $0x15500;
	[sflag:s25] =	ssyncadd.s32 $0xFFFFE000  }
0xdf: {  	[spmem:s1] =	stream.indirect.scatter.add.f32 [tilespmem:s18], [sflag:$0x5], $0x80, s3, s17, $0xb8;
	[tilespmem:$0x1E800] =	vst v63  }
0xe0: {  	_ =	swait.ge [sflag:s26], $0x2000  }
0xe1: {  	[sflag:s26] =	ssyncset.done $0x0  }
0xe2: {  	s3 =	simm.s32 $0x14200;
	[sflag:s26] =	ssyncadd.s32 $0xFFFFE000  }
0xe3: {  	[tilespmem:s18], [sflag:$0x1] =	stream.indirect.gather [hbm4b:s4+s17], $0x80, s3, s17, $0xb8;
	[tilespmem:$0x1E800] =	vst v63  }
0xe4: {  	_ =	swait.ge [sflag:s29], $0x2000  }
0xe5: {  	[sflag:s29] =	ssyncset.done $0x0  }
0xe6: {  	s3 =	simm.s32 $0x15540;
	[sflag:s29] =	ssyncadd.s32 $0xFFFFE000  }
0xe7: {  	[spmem:s1] =	stream.indirect.scatter.add.f32 [tilespmem:s20], [sflag:$0x6], $0x80, s3, s17, $0xb8;
	[tilespmem:$0x1E800] =	vst v63  }
0xe8: {  	_ =	swait.ge [sflag:s31], $0x2000  }
0xe9: {  	[sflag:s31] =	ssyncset.done $0x0  }
0xea: {  	s3 =	simm.s32 $0x14240;
	[sflag:s31] =	ssyncadd.s32 $0xFFFFE000  }
0xeb: {  	[tilespmem:s20], [sflag:$0x2] =	stream.indirect.gather [hbm4b:s4+s17], $0x80, s3, s17, $0xb8;
	[tilespmem:$0x1E800] =	vst v63  }
0xec: {  	_ =	swait.ge [sflag:s2], $0x2000  }
0xed: {  	[sflag:s2] =	ssyncset.done $0x0  }
0xee: {  	s3 =	simm.s32 $0x15580;
	[sflag:s2] =	ssyncadd.s32 $0xFFFFE000  }
0xef: {  	[spmem:s1] =	stream.indirect.scatter.add.f32 [tilespmem:s22], [sflag:$0x7], $0x80, s3, s17, $0xb8;
	[tilespmem:$0x1E800] =	vst v63  }
0xf0: {  	_ =	swait.ge [sflag:s5], $0x2000  }
0xf1: {  	[sflag:s5] =	ssyncset.done $0x0  }
0xf2: {  	s3 =	simm.s32 $0x14280;
	[sflag:s5] =	ssyncadd.s32 $0xFFFFE000  }
0xf3: {  	[tilespmem:s22], [sflag:$0x3] =	stream.indirect.gather [hbm4b:s4+s17], $0x80, s3, s17, $0xb8;
	[tilespmem:$0x1E800] =	vst v63  }
0xf4: {  	_ =	swait.ge [sflag:s8], $0x2000  }
0xf5: {  	[sflag:s8] =	ssyncset.done $0x0  }
0xf6: {  	s30 =	simm.s32 $0x400;
	s0 =	simm.s32 $0x155C0;
	[sflag:s8] =	ssyncadd.s32 $0xFFFFE000  }
.LBB2_4:
0xf7: {  	[spmem:s1] =	stream.indirect.scatter.add.f32 [tilespmem:s24], [sflag:$0x8], $0x80, s0, s17, $0xb8;
	[tilespmem:$0x1E800] =	vst v63  }
0xf8: {  	s0 =	smov.u32 s30  }
0xf9: {  	p0 =	sne.s32 s30, $0x4400;
	s30 =	sadd.s32 $0x400, s30;
	_ =	swait.ge [sflag:s10], $0x2000  }
0xfa: {  	s0 =	sshra.s32 s0, $0x2;
	[sflag:s10] =	ssyncset.done $0x0  }
0xfb: {  	s3 =	sadd.s32 $0x141C0, s0;
	[sflag:s10] =	ssyncadd.s32 $0xFFFFE000  }
0xfc: {  	[tilespmem:s24], [sflag:$0x4] =	stream.indirect.gather [hbm4b:s4+s17], $0x80, s3, s17, $0xb8;
	[tilespmem:$0x1E800] =	vst v63  }
0xfd: {  	_ =	swait.ge [sflag:s25], $0x2000  }
0xfe: {  	[sflag:s25] =	ssyncset.done $0x0  }
0xff: {  	s3 =	sadd.s32 $0x15500, s0;
	[sflag:s25] =	ssyncadd.s32 $0xFFFFE000  }
0x100: {  	[spmem:s1] =	stream.indirect.scatter.add.f32 [tilespmem:s18], [sflag:$0x5], $0x80, s3, s17, $0xb8;
	[tilespmem:$0x1E800] =	vst v63  }
0x101: {  	_ =	swait.ge [sflag:s26], $0x2000  }
0x102: {  	[sflag:s26] =	ssyncset.done $0x0  }
0x103: {  	s3 =	sadd.s32 $0x14200, s0;
	[sflag:s26] =	ssyncadd.s32 $0xFFFFE000  }
0x104: {  	[tilespmem:s18], [sflag:$0x1] =	stream.indirect.gather [hbm4b:s4+s17], $0x80, s3, s17, $0xb8;
	[tilespmem:$0x1E800] =	vst v63  }
0x105: {  	_ =	swait.ge [sflag:s29], $0x2000  }
0x106: {  	[sflag:s29] =	ssyncset.done $0x0  }
0x107: {  	s3 =	sadd.s32 $0x15540, s0;
	[sflag:s29] =	ssyncadd.s32 $0xFFFFE000  }
0x108: {  	[spmem:s1] =	stream.indirect.scatter.add.f32 [tilespmem:s20], [sflag:$0x6], $0x80, s3, s17, $0xb8;
	[tilespmem:$0x1E800] =	vst v63  }
0x109: {  	_ =	swait.ge [sflag:s31], $0x2000  }
0x10a: {  	[sflag:s31] =	ssyncset.done $0x0  }
0x10b: {  	s3 =	sadd.s32 $0x14240, s0;
	[sflag:s31] =	ssyncadd.s32 $0xFFFFE000  }
0x10c: {  	[tilespmem:s20], [sflag:$0x2] =	stream.indirect.gather [hbm4b:s4+s17], $0x80, s3, s17, $0xb8;
	[tilespmem:$0x1E800] =	vst v63  }
0x10d: {  	_ =	swait.ge [sflag:s2], $0x2000  }
0x10e: {  	[sflag:s2] =	ssyncset.done $0x0  }
0x10f: {  	s3 =	sadd.s32 $0x15580, s0;
	[sflag:s2] =	ssyncadd.s32 $0xFFFFE000  }
0x110: {  	[spmem:s1] =	stream.indirect.scatter.add.f32 [tilespmem:s22], [sflag:$0x7], $0x80, s3, s17, $0xb8;
	[tilespmem:$0x1E800] =	vst v63  }
0x111: {  	_ =	swait.ge [sflag:s5], $0x2000  }
0x112: {  	[sflag:s5] =	ssyncset.done $0x0  }
.Ltmp1:
0x113: {  	s3 =	sadd.s32 $0x14280, s0;
	[sflag:s5] =	ssyncadd.s32 $0xFFFFE000;
	(pc) =	sbr.rel @p0 .LBB2_4-.Ltmp1, $4  }
0x114: {  	[tilespmem:s22], [sflag:$0x3] =	stream.indirect.gather [hbm4b:s4+s17], $0x80, s3, s17, $0xb8;
	[tilespmem:$0x1E800] =	vst v63  }
0x115: {  	_ =	swait.ge [sflag:s8], $0x2000  }
0x116: {  	[sflag:s8] =	ssyncset.done $0x0  }
0x117: {  	s0 =	sadd.s32 $0x155C0, s0;
	[sflag:s8] =	ssyncadd.s32 $0xFFFFE000  }
0x118: {  	[spmem:s1] =	stream.indirect.scatter.add.f32 [tilespmem:s24], [sflag:$0x8], $0x80, s0, s17, $0xb8;
	[tilespmem:$0x1E800] =	vst v63  }
0x119: {  	_ =	swait.ge [sflag:s10], $0x2000  }
0x11a: {  	[sflag:s10] =	ssyncset.done $0x0  }
0x11b: {  	[sflag:s10] =	ssyncadd.s32 $0xFFFFE000  }
0x11c: {  	[tilespmem:s24], [sflag:$0x4] =	stream.indirect.gather [hbm4b:s4+s17], $0x80, s11, s17, $0xb8;
	[tilespmem:$0x1E800] =	vst v63  }
0x11d: {  	_ =	swait.ge [sflag:s25], $0x2000  }
0x11e: {  	[sflag:s25] =	ssyncset.done $0x0  }
0x11f: {  	[sflag:s25] =	ssyncadd.s32 $0xFFFFE000  }
0x120: {  	[spmem:s1] =	stream.indirect.scatter.add.f32 [tilespmem:s18], [sflag:$0x5], $0x80, s12, s17, $0xb8;
	[tilespmem:$0x1E800] =	vst v63  }
0x121: {  	_ =	swait.ge [sflag:s26], $0x2000  }
0x122: {  	[sflag:s26] =	ssyncset.done $0x0  }
0x123: {  	[sflag:s26] =	ssyncadd.s32 $0xFFFFE000  }
0x124: {  	_ =	swait.ge [sflag:s29], $0x2000  }
0x125: {  	[sflag:s29] =	ssyncset.done $0x0  }
0x126: {  	[sflag:s29] =	ssyncadd.s32 $0xFFFFE000  }
0x127: {  	[spmem:s1] =	stream.indirect.scatter.add.f32 [tilespmem:s20], [sflag:$0x6], $0x80, s19, s17, $0xb8;
	[tilespmem:$0x1E800] =	vst v63  }
0x128: {  	_ =	swait.ge [sflag:s31], $0x2000  }
0x129: {  	[sflag:s31] =	ssyncset.done $0x0  }
0x12a: {  	[sflag:s31] =	ssyncadd.s32 $0xFFFFE000  }
0x12b: {  	_ =	swait.ge [sflag:s2], $0x2000  }
0x12c: {  	[sflag:s2] =	ssyncset.done $0x0  }
0x12d: {  	[sflag:s2] =	ssyncadd.s32 $0xFFFFE000  }
0x12e: {  	[spmem:s1] =	stream.indirect.scatter.add.f32 [tilespmem:s22], [sflag:$0x7], $0x80, s21, s17, $0xb8;
	[tilespmem:$0x1E800] =	vst v63  }
0x12f: {  	_ =	swait.ge [sflag:s5], $0x2000  }
0x130: {  	[sflag:s5] =	ssyncset.done $0x0  }
0x131: {  	[sflag:s5] =	ssyncadd.s32 $0xFFFFE000  }
0x132: {  	_ =	swait.ge [sflag:s8], $0x2000  }
0x133: {  	[sflag:s8] =	ssyncset.done $0x0  }
0x134: {  	[sflag:s8] =	ssyncadd.s32 $0xFFFFE000  }
0x135: {  	[spmem:s1] =	stream.indirect.scatter.add.f32 [tilespmem:s24], [sflag:$0x8], $0x80, s23, s17, $0xb8;
	[tilespmem:$0x1E800] =	vst v63  }
0x136: {  	_ =	swait.ge [sflag:s10], $0x2000  }
0x137: {  	[sflag:s10] =	ssyncset.done $0x0  }
0x138: {  	[sflag:s10] =	ssyncadd.s32 $0xFFFFE000  }
0x139: {  	[bflag:$0x0] =	sbarrier.arrive $0xFFFF  }
0x13a: {  	s3 =	rddreg [dreg:$0x8]  }
0x13b: {  	[hbm:s3], [sflag:s6] =	dma.local [spmem:s13], $0x2800  }
0x13c: {  	_ =	swait.ge [sflag:s14], $0x2800  }
0x13d: {  	s28 =	sadd.s32 $0x1, s28;
	s30 =	rddreg [dreg:$0x9]  }
0x13e: {  	p0 =	sne.s32 s28, s30  }
.Ltmp2:
0x13f: {  	_ = 	snop;
	(pc) =	sbr.rel @p0 .LBB2_1-.Ltmp2, $3  }
0x140: {  	_ =	sdelay $0x1  }
0x141: {  	[sflag:s14] =	ssyncset.done $0x0  }
0x142: {  	[sflag:s14] =	ssyncadd.s32 $0xFFFFD800  }
0x143: {  	_ =	sfence.sel $0x180000  }
0x144: {  	[bflag:$0x0] =	sbarrier.arrive $0xFFFF  }
0x145: {  	_ =	strace $0x9000004A  }
0x146: {  	s0 =	stileid.u32;
	[bflag:$0x2] =	sbarrier.arrive $0xFFFF  }
0x147: {  	p0 =	sne.s32 s0, $0x0;
	s0 =	rddreg [dreg:$0x2]  }
0x148: {  	s0 =	sadd.s32 @!p0 $0x100000, s0  }
0x149: {  	[sflag:s0] =	ssyncadd.tile.s32 @!p0 $0x1;
	_ =	shalt  }
.Lfunc_end2:
_tile_overlayer_lowered:
.L_overlay_start_2:
0x14a: {  	(tag) =	ssettag $0x2  }
0x14b: {  	s0 =	rddreg [dreg:$0x0];
	s2 =	stileid.u32  }
0x14c: {  	s1 =	rddreg [dreg:$0x1];
	p0 =	sne.s32 s2, $0x0  }
0x14d: {  	s3 =	rddreg [dreg:$0x2];
	[bflag:$0x3] =	sbarrier.arrive $0xFFFF;
	s2 =	simm.s32 @!p0 $0x1C09  }
0x14e: {  	[timem:s3], [sflag:s2] =	dma.local @!p0 [hbm:s0], s1  }
0x14f: {  	s0 =	simm.s32 @!p0 $0x9  }
0x150: {  	_ =	swait.ge @!p0 [sflag:s0], s1  }
0x151: {  	s1 =	ssub.s32 @!p0 $0x0, s1;
	[sflag:s0] =	ssyncset.done @!p0 $0x0  }
0x152: {  	[sflag:s0] =	ssyncadd.s32 @!p0 s1  }
0x153: {  	[bflag:$0x3] =	sbarrier.arrive $0xFFFF  }
0x154: {  	_ =	shalt  }

// kernel: kernel.14.cloned.1.call-start
scs
__scs_entry_jumppad:
0x0: {  	(pc) =	sbr.rel $0x88, $3  }
0x1: {  	(tag) =	ssettag $0x0;
	lr =	simm.s32 $0x1  }
0x2: {  	[smem:$0x3F98] =	sst lr;
	_ =	strace $0xD0000000  }
0x3: {  	_ = 	snop  }
0x4: {  	_ = 	snop  }
0x5: {  	_ = 	snop  }
0x6: {  	_ = 	snop  }
0x7: {  	_ = 	snop  }
__scs_overlays_trampoline_lowered:
0x8: {  	[smem:$0x3FA7] =	sst s0  }
0x9: {  	[smem:$0x3FA8] =	sst s1  }
0xa: {  	[smem:$0x3FA9] =	sst s2  }
0xb: {  	[smem:$0x3FAA] =	sst s3  }
0xc: {  	[smem:$0x3FAB] =	sst s4  }
0xd: {  	[smem:$0x3FAC] =	sst s5  }
0xe: {  	[smem:$0x3FAD] =	sst s6  }
0xf: {  	[smem:$0x3FAE] =	sst s7  }
0x10: {  	[smem:$0x3FAF] =	sst s8  }
0x11: {  	[smem:$0x3FB0] =	sst s9;
	s0 =	simm.s32 @!p0 $0x0  }
0x12: {  	s1 =	sld [smem:$0x3F96];
	s0 =	simm.s32 @p0 $0x1  }
0x13: {  	[smem:$0x3FB1] =	sst s0;
	s0 =	simm.s32 @!p1 $0x0  }
0x14: {  	s2 =	sld [smem:$0x3F95];
	s0 =	simm.s32 @p1 $0x1  }
0x15: {  	[smem:$0x3FB2] =	sst s0;
	s0 =	simm.s32 @!p2 $0x0  }
0x16: {  	s3 =	sld [smem:$0x3FDB];
	s0 =	simm.s32 @p2 $0x1  }
0x17: {  	s4 =	simm.s32 $0x1BF5;
	[smem:$0x3FB4] =	sst s0  }
0x18: {  	s0 =	sld [smem:$0x3F97];
	_ =	swait.ge [sflag:s4], $0x0  }
0x19: {  	s7 =	sld [smem:$0x3F98]  }
0x1a: {  	s8 =	sadd.s32 $0xFFFFE003, lr  }
0x1b: {  	s9 =	sadd.s32 $0xFFFFFEF7, lr;
	s5 =	simm.s32 $0xFFFFFFFF;
	p2 =	slt.u32 s8, $0xFFFFF086  }
0x1c: {  	p1 =	slt.u32 s9, $0xF7A;
	s5 =	simm.s32 @!p2 $0x0  }
0x1d: {  	s5 =	simm.s32 @p1 $0x1;
	p0 =	seq.s32 s7, s2  }
0x1e: {  	s7 =	smul.u32 @!p0 $0xF7A, s2;
	p2 =	seq.s32 @!p0 s5, $0x0  }
0x1f: {  	s9 =	smul.u32 $0xF7A, s1;
	s8 =	simm.s32 @!p0 $0x1BF5;
	p2 =	por !p2, p0  }
0x20: {  	[sflag:s8] =	ssyncset.s32 @!p0 $0xFFFFF086;
	s6 =	sadd.s32 @!p0 s3, s7;
	s7 =	simm.s32 @!p0 $0x108  }
0x21: {  	s3 =	sadd.s32 s3, s9;
	s6 =	sadd.s32 @!p0 $0x88, s6;
	s7 =	simm.s32 @p2 $0x1082  }
0x22: {  	[simem:s7], [sflag:s8] =	dma.local @!p0 [hbm:s6], $0xF7A  }
0x23: {  	s9 =	sor.u32 $0xD0000000, s2;
	s6 =	simm.s32 $0x108;
	_ =	swait.ge @!p0 [sflag:s8], $0x0  }
0x24: {  	s3 =	sadd.s32 $0x88, s3;
	s6 =	simm.s32 @!p1 $0x1082;
	[sflag:s4] =	ssyncset.s32 $0xFFFFF086  }
0x25: {  	[simem:s6], [sflag:s4] =	dma.local [hbm:s3], $0xF7A  }
0x26: {  	[smem:$0x3F98] =	sst s1;
	(tag) =	ssettag s2;
	_ =	strace s9  }
0x27: {  	s1 =	sld [smem:$0x3FA8]  }
0x28: {  	s2 =	sld [smem:$0x3FA9]  }
0x29: {  	s4 =	sld [smem:$0x3FAB]  }
0x2a: {  	p0 =	seq.s32 s5, $0x0;
	s5 =	sld [smem:$0x3FAC]  }
0x2b: {  	s6 =	sld [smem:$0x3FAD]  }
0x2c: {  	s7 =	sld [smem:$0x3FAE]  }
0x2d: {  	s3 =	simm.s32 $0x108;
	s8 =	sld [smem:$0x3FAF]  }
0x2e: {  	s3 =	simm.s32 @!p0 $0x1082;
	s9 =	sld [smem:$0x3FB0]  }
0x2f: {  	lr =	sadd.s32 s0, s3;
	s0 =	sld [smem:$0x3FA7]  }
0x30: {  	s3 =	sld [smem:$0x3FAA]  }
0x31: {  	[smem:$0x3FB3] =	sst s10  }
0x32: {  	s10 =	sld [smem:$0x3FB1];
	_ =	sdelay $0x3  }
0x33: {  	p0 =	seq.s32 s10, $0x1;
	s10 =	sld [smem:$0x3FB3];
	_ =	sdelay $0x3  }
0x34: {  	[smem:$0x3FB3] =	sst s10  }
0x35: {  	s10 =	sld [smem:$0x3FB2];
	_ =	sdelay $0x3  }
0x36: {  	p1 =	seq.s32 s10, $0x1;
	s10 =	sld [smem:$0x3FB3];
	_ =	sdelay $0x3  }
0x37: {  	[smem:$0x3FB3] =	sst s10  }
0x38: {  	s10 =	sld [smem:$0x3FB4]  }
0x39: {  	_ = 	snop;
	(pc) =	sbr.ind lr, $3  }
0x3a: {  	_ = 	snop  }
0x3b: {  	_ = 	snop  }
0x3c: {  	p2 =	seq.s32 s10, $0x1;
	s10 =	sld [smem:$0x3FB3]  }
0x3d: {  	_ =	shalt  }
0x3e: {  	_ =	shalt  }
0x3f: {  	_ =	shalt  }
0x40: {  	_ =	shalt  }
0x41: {  	_ =	shalt  }
0x42: {  	_ =	shalt  }
0x43: {  	_ =	shalt  }
0x44: {  	_ =	shalt  }
0x45: {  	_ =	shalt  }
0x46: {  	_ =	shalt  }
0x47: {  	_ =	shalt  }
0x48: {  	_ =	shalt  }
0x49: {  	_ =	shalt  }
0x4a: {  	_ =	shalt  }
0x4b: {  	_ =	shalt  }
0x4c: {  	_ =	shalt  }
0x4d: {  	_ =	shalt  }
0x4e: {  	_ =	shalt  }
0x4f: {  	_ =	shalt  }
0x50: {  	_ =	shalt  }
0x51: {  	_ =	shalt  }
0x52: {  	_ =	shalt  }
0x53: {  	_ =	shalt  }
0x54: {  	_ =	shalt  }
0x55: {  	_ =	shalt  }
0x56: {  	_ =	shalt  }
0x57: {  	_ =	shalt  }
0x58: {  	_ =	shalt  }
0x59: {  	_ =	shalt  }
0x5a: {  	_ =	shalt  }
0x5b: {  	_ =	shalt  }
0x5c: {  	_ =	shalt  }
0x5d: {  	_ =	shalt  }
0x5e: {  	_ =	shalt  }
0x5f: {  	_ =	shalt  }
0x60: {  	_ =	shalt  }
0x61: {  	_ =	shalt  }
0x62: {  	_ =	shalt  }
0x63: {  	_ =	shalt  }
0x64: {  	_ =	shalt  }
0x65: {  	_ =	shalt  }
0x66: {  	_ =	shalt  }
0x67: {  	_ =	shalt  }
0x68: {  	_ =	shalt  }
0x69: {  	_ =	shalt  }
0x6a: {  	_ =	shalt  }
0x6b: {  	_ =	shalt  }
0x6c: {  	_ =	shalt  }
0x6d: {  	_ =	shalt  }
0x6e: {  	_ =	shalt  }
0x6f: {  	_ =	shalt  }
0x70: {  	_ =	shalt  }
0x71: {  	_ =	shalt  }
0x72: {  	_ =	shalt  }
0x73: {  	_ =	shalt  }
0x74: {  	_ =	shalt  }
0x75: {  	_ =	shalt  }
0x76: {  	_ =	shalt  }
0x77: {  	_ =	shalt  }
0x78: {  	_ =	shalt  }
0x79: {  	_ =	shalt  }
0x7a: {  	_ =	shalt  }
0x7b: {  	_ =	shalt  }
0x7c: {  	_ =	shalt  }
0x7d: {  	_ =	shalt  }
0x7e: {  	_ =	shalt  }
0x7f: {  	_ =	shalt  }
0x80: {  	_ =	shalt  }
0x81: {  	_ =	shalt  }
0x82: {  	_ =	shalt  }
0x83: {  	_ =	shalt  }
0x84: {  	_ =	shalt  }
0x85: {  	_ =	shalt  }
0x86: {  	_ =	shalt  }
0x87: {  	_ =	shalt  }
.Lfunc_end0:
.L_simem_size_0:
called_computation.2_lowered:
.L_overlay_start_0:
0x88: {  	s2 =	sld [smem:$0x3FD9]  }
0x89: {  	s3 =	sld [smem:$0x3FFE];
	_ =	sdelay $0x1  }
0x8a: {  	s1 =	srdreg.scid  }
0x8b: {  	s0 =	sand.u32 $0x1, s1  }
0x8c: {  	s16 =	sshll.u32 s0, $0xA;
	s2 =	sadd.s32 s3, s2  }
0x8d: {  	s2 =	sadd.s32 s2, s16  }
0x8e: {  	[smem:$0x3FBF] =	sst s2  }
0x8f: {  	_ = 	snop  }
0x90: {  	(tm) =	ssettm $0x1  }
0x91: {  	s17 =	sld [smem:$0x3FFB];
	_ =	sdelay $0x3  }
0x92: {  	_ =	strace s17  }
0x93: {  	s2 =	sld [smem:$0x3FFC];
	_ =	sdelay $0x3  }
0x94: {  	_ =	strace s2  }
0x95: {  	s2 =	sld [smem:$0x3FFD];
	_ =	sdelay $0x3  }
0x96: {  	_ =	strace s2  }
0x97: {  	_ =	strace $0x8FFFFFFF  }
0x98: {  	s18 =	sld [smem:$0x3FDB];
	_ =	sdelay $0x1  }
0x99: {  	s19 =	simm.s32 $_scs_section_size  }
0x9a: {  	s4 =	simm.s32 $_size__tile_overlayer_lowered;
	s5 =	simm.s32 $_tile_overlayer_lowered  }
0x9b: {  	s22 =	simm.s32 $0x1BFF;
	s21 =	sshll.u32 s5, $0x1;
	s2 =	sadd.s32 s19, s18  }
0x9c: {  	s6 =	simm.s32 $0x0;
	s20 =	sshll.u32 s4, $0x1;
	s4 =	sadd.s32 s21, s2  }
0x9d: {  	[timem:s6], [sflag:s22] =	dma.local [hbm:s4], s20  }
0x9e: {  	_ =	swait.ge [sflag:s22], s20  }
0x9f: {  	s3 =	ssub.s32 $0x0, s20;
	[sflag:s22] =	ssyncset.done $0x0  }
0xa0: {  	[sflag:s22] =	ssyncadd.s32 s3;
	_ =	sdelay $0x1  }
0xa1: {  	s23 =	simm.s32 $0x1B8B  }
0xa2: {  	_ =	swait.ge [sflag:s23], $0x1  }
0xa3: {  	[sflag:s23] =	ssyncset.done $0x0  }
0xa4: {  	s25 =	simm.s32 $0x1B8E;
	s24 =	sld [smem:$0x3FFE];
	[sflag:s23] =	ssyncadd.s32 $0xFFFFFFFF  }
0xa5: {  	s26 =	simm.s32 $execute0_lowered;
	[smem:$0x3FD2] =	sst s25  }
0xa6: {  	s4 =	sshll.u32 s26, $0x1;
	_ =	strace $0x8000004C;
	[dreg:$0x1] =	wrdreg $0xFFFFFFFF  }
0xa7: {  	s28 =	simm.s32 $_size_execute0_lowered;
	s2 =	sadd.s32 s2, s4;
	[dreg:$0x0] =	wrdreg $0x0  }
0xa8: {  	s4 =	sshll.u32 s28, $0x1;
	[dreg:$0x2] =	wrdreg s2  }
0xa9: {  	[dreg:$0x3] =	wrdreg s4  }
0xaa: {  	[dreg:$0x4] =	wrdreg $0xC0  }
0xab: {  	_ =	task [dreg:s6], $0x5FFFF  }
0xac: {  	[dreg:$0x1] =	wrdreg $0xFFFFFFFF  }
0xad: {  	[dreg:$0x0] =	wrdreg $0x60  }
0xae: {  	[dreg:$0x2] =	wrdreg s24  }
0xaf: {  	[dreg:$0x3] =	wrdreg $0x0  }
0xb0: {  	[dreg:$0x4] =	wrdreg $0x9  }
0xb1: {  	_ =	task.clear_ibuf [dreg:s6], $0x5FFFF;
	_ =	strace $0x9000004C  }
0xb2: {  	s29 =	simm.s32 $0x9;
	_ =	strace $0x8000004E  }
0xb3: {  	_ =	swait.ge [sflag:s29], $0x1  }
0xb4: {  	[sflag:s29] =	ssyncadd.s32 $0xFFFFFFFF  }
0xb5: {  	_ =	strace $0x9000004E  }
0xb6: {  	_ =	sfence  }
0xb7: {  	s30 =	sld [smem:$0x0];
	_ =	sdelay $0x2  }
0xb8: {  	s31 =	sshll.u32 s1, $0xD;
	s1 =	sshrl.u32 s1, $0x2  }
0xb9: {  	s3 =	sand.u32 $0x4000, s31;
	s1 =	sadd.s32 s1, s30  }
0xba: {  	s0 =	sor.u32 s3, s0;
	s1 =	sshll.u32 s1, $0x11  }
0xbb: {  	s0 =	sor.u32 s1, s0  }
0xbc: {  	s0 =	sadd.s32 $0x8F2B, s0  }
0xbd: {  	[sflag:s0] =	ssyncadd.remote.s32 $0x1  }
0xbe: {  	_ =	sfence.sel $0xFFFF  }
0xbf: {  	[dreg:$0x0] =	wrdreg $0xFFFFFFFF;
	(pc) =	sbr.abs _section_cstart, $3  }
0xc0: {  	[dreg:$0x1] =	wrdreg $0xFFFFFFFF  }
0xc1: {  	_ =	task.clear_ibuf [dreg:s6], $0x2FFFF;
	_ =	strace $0x9FFFFFFF  }
0xc2: {  	(tm) =	ssettm $0x7FFFFFFF  }
0xc3: {  	_ =	shalt  }
tec
execute0_lowered:
.L_overlay_start_1:
0x0: {  	(tag) =	ssettag $0x1  }
0x1: {  	s0 =	rddreg [dreg:$0x0]  }
0x2: {  	s1 =	rddreg [dreg:$0x1];
	s2 =	srdreg.scid;
	s4 =	simm.s32 $0x0  }
0x3: {  	s12 =	stileid.u32;
	s14 =	simm.s32 $0x9;
	s15 =	simm.s32 $0x14000  }
0x4: {  	s16 =	simm.s32 $0x15400;
	s17 =	simm.s32 $0x40;
	s18 =	simm.s32 $0x16800  }
0x5: {  	s29 =	simm.s32 $0x2;
	s31 =	simm.s32 $0x6;
	s5 =	smul.u32 $0x280, s12  }
0x6: {  	s19 =	simm.s32 $0x16740;
	s28 =	simm.s32 $0x0;
	s8 =	smul.u32 $0x50000, s12  }
0x7: {  	s2 =	sand.u32 $0x1, s2;
	[smem:$0x7FF] =	sst s4;
	s11 =	smul.u32 $0x2800, s12  }
0x8: {  	s4 =	sadd.s32 $0x1AC00, s0;
	s7 =	sadd.s32 $0x10C00, s0;
	s23 =	smul.u32 $0x500, s12  }
0x9: {  	s20 =	sadd.s32 $0x1C00, s0;
	s22 =	sshll.u32 s12, $0x6;
	s3 =	smul.u32 $0x2800, s2  }
0xa: {  	_ =	strace $0x8000004D;
	s6 =	sshll.u32 s2, $0x4;
	s2 =	ssub.s32 $0x2, s2  }
0xb: {  	s6 =	sor.u32 s12, s6;
	s9 =	sshrl.u32 s2, $0x1;
	s8 =	sshrl.u32 s8, $0x2  }
0xc: {  	s24 =	sshrl.u32 s11, $0x3;
	s11 =	simm.s32 $0x153C0;
	s12 =	simm.s32 $0x16700  }
0xd: {  	s3 =	sadd.s32 s5, s3;
	s10 =	smul.u32 $0x500, s6;
	s2 =	ssub.s32 s2, s9  }
0xe: {  	s21 =	smul.u32 $0x2800, s6;
	s8 =	sadd.s32 s8, s1;
	s6 =	sor.u32 $0x1C09, s22  }
0xf: {  	s5 =	sadd.s32 s20, s24;
	s22 =	simm.s32 $0x1A800;
	s24 =	simm.s32 $0x1C800  }
0x10: {  	s3 =	sshll.u32 s3, $0x4;
	s26 =	sadd.s32 $0x280, s5;
	s30 =	smax.u32 s2, $0x1  }
0x11: {  	s13 =	sshrl.u32 s8, $0x3;
	s2 =	simm.s32 $0x3;
	s5 =	simm.s32 $0x7  }
0x12: {  	s8 =	simm.s32 $0x4;
	s0 =	sadd.s32 s3, s0;
	[dreg:$0x7] =	wrdreg s26  }
0x13: {  	s3 =	sadd.s32 s4, s3;
	s10 =	sadd.s32 s7, s10;
	[dreg:$0x9] =	wrdreg s30  }
0x14: {  	s9 =	sshrl.u32 s21, $0x3;
	s26 =	simm.s32 $0x5;
	[dreg:$0x3] =	wrdreg s3  }
0x15: {  	s21 =	simm.s32 $0x16780;
	[dreg:$0x4] =	wrdreg s10;
	s3 =	sadd.s32 s20, s23  }
0x16: {  	s25 =	sadd.s32 s7, s9;
	s0 =	sadd.s32 $0x6AC00, s0;
	s20 =	simm.s32 $0x18800  }
0x17: {  	s7 =	simm.s32 $0x14180;
	s9 =	simm.s32 $0x154C0;
	[dreg:$0x5] =	wrdreg s3  }
0x18: {  	s10 =	simm.s32 $0x8;
	s3 =	sadd.s32 $0x280, s25;
	[dreg:$0x8] =	wrdreg s0  }
0x19: {  	s23 =	simm.s32 $0x167C0;
	s25 =	simm.s32 $0x1;
	[dreg:$0x6] =	wrdreg s3  }
.LBB2_1:
0x1a: {  	s0 =	rddreg [dreg:$0x3]  }
0x1b: {  	[spmem:s13], [sflag:s6] =	dma.local [hbm:s0], $0x2800  }
0x1c: {  	_ =	swait.ge [sflag:s14], $0x2800  }
0x1d: {  	[sflag:s14] =	ssyncset.done $0x0  }
0x1e: {  	[sflag:s14] =	ssyncadd.s32 $0xFFFFD800  }
0x1f: {  	[bflag:$0x0] =	sbarrier.arrive $0xFFFF  }
0x20: {  	s0 =	simm.s32 $0x0;
	s3 =	rddreg [dreg:$0x4]  }
0x21: {  	[tilespmem:s15], [sflag:$0x9] =	stream.linear.gather [hbm4b:s3+s0], $0x1400, $0x38;
	[tilespmem:$0x1E800] =	vst v63  }
0x22: {  	_ =	swait.ge [sflag:s14], $0x1400  }
0x23: {  	[sflag:s14] =	ssyncset.done $0x0  }
0x24: {  	s3 =	rddreg [dreg:$0x5];
	[sflag:s14] =	ssyncadd.s32 $0xFFFFEC00  }
0x25: {  	[tilespmem:s16], [sflag:$0x9] =	stream.linear.gather [hbm4b:s3+s0], $0x1400, $0x38;
	[tilespmem:$0x1E800] =	vst v63  }
0x26: {  	_ =	swait.ge [sflag:s14], $0x1400  }
0x27: {  	[sflag:s14] =	ssyncset.done $0x0  }
0x28: {  	[sflag:s14] =	ssyncadd.s32 $0xFFFFEC00  }
0x29: {  	[tilespmem:s18], [sflag:$0x1] =	stream.indirect.gather [hbm4b:s4+s17], $0x80, s15, s17, $0xb8;
	[tilespmem:$0x1E800] =	vst v63  }
0x2a: {  	s3 =	simm.s32 $0x14040  }
0x2b: {  	[tilespmem:s20], [sflag:$0x2] =	stream.indirect.gather [hbm4b:s4+s17], $0x80, s3, s17, $0xb8;
	[tilespmem:$0x1E800] =	vst v63  }
0x2c: {  	s3 =	simm.s32 $0x14080  }
0x2d: {  	[tilespmem:s22], [sflag:$0x3] =	stream.indirect.gather [hbm4b:s4+s17], $0x80, s3, s17, $0xb8;
	[tilespmem:$0x1E800] =	vst v63  }
0x2e: {  	s3 =	simm.s32 $0x140C0  }
0x2f: {  	[tilespmem:s24], [sflag:$0x4] =	stream.indirect.gather [hbm4b:s4+s17], $0x80, s3, s17, $0xb8;
	[tilespmem:$0x1E800] =	vst v63  }
0x30: {  	_ =	swait.ge [sflag:s25], $0x2000  }
0x31: {  	[sflag:s25] =	ssyncset.done $0x0  }
0x32: {  	[sflag:s25] =	ssyncadd.s32 $0xFFFFE000  }
0x33: {  	[spmem:s1] =	stream.indirect.scatter.add.f32 [tilespmem:s18], [sflag:$0x5], $0x80, s16, s17, $0xb8;
	[tilespmem:$0x1E800] =	vst v63  }
0x34: {  	_ =	swait.ge [sflag:s26], $0x2000  }
0x35: {  	[sflag:s26] =	ssyncset.done $0x0  }
0x36: {  	s3 =	simm.s32 $0x14100;
	[sflag:s26] =	ssyncadd.s32 $0xFFFFE000  }
0x37: {  	[tilespmem:s18], [sflag:$0x1] =	stream.indirect.gather [hbm4b:s4+s17], $0x80, s3, s17, $0xb8;
	[tilespmem:$0x1E800] =	vst v63  }
0x38: {  	_ =	swait.ge [sflag:s29], $0x2000  }
0x39: {  	[sflag:s29] =	ssyncset.done $0x0  }
0x3a: {  	s3 =	simm.s32 $0x15440;
	[sflag:s29] =	ssyncadd.s32 $0xFFFFE000  }
0x3b: {  	[spmem:s1] =	stream.indirect.scatter.add.f32 [tilespmem:s20], [sflag:$0x6], $0x80, s3, s17, $0xb8;
	[tilespmem:$0x1E800] =	vst v63  }
0x3c: {  	_ =	swait.ge [sflag:s31], $0x2000  }
0x3d: {  	[sflag:s31] =	ssyncset.done $0x0  }
0x3e: {  	s3 =	simm.s32 $0x14140;
	[sflag:s31] =	ssyncadd.s32 $0xFFFFE000  }
0x3f: {  	[tilespmem:s20], [sflag:$0x2] =	stream.indirect.gather [hbm4b:s4+s17], $0x80, s3, s17, $0xb8;
	[tilespmem:$0x1E800] =	vst v63  }
0x40: {  	_ =	swait.ge [sflag:s2], $0x2000  }
0x41: {  	[sflag:s2] =	ssyncset.done $0x0  }
0x42: {  	s3 =	simm.s32 $0x15480;
	[sflag:s2] =	ssyncadd.s32 $0xFFFFE000  }
0x43: {  	[spmem:s1] =	stream.indirect.scatter.add.f32 [tilespmem:s22], [sflag:$0x7], $0x80, s3, s17, $0xb8;
	[tilespmem:$0x1E800] =	vst v63  }
0x44: {  	_ =	swait.ge [sflag:s5], $0x2000  }
0x45: {  	[sflag:s5] =	ssyncset.done $0x0  }
0x46: {  	[sflag:s5] =	ssyncadd.s32 $0xFFFFE000  }
0x47: {  	[tilespmem:s22], [sflag:$0x3] =	stream.indirect.gather [hbm4b:s4+s17], $0x80, s7, s17, $0xb8;
	[tilespmem:$0x1E800] =	vst v63  }
0x48: {  	_ =	swait.ge [sflag:s8], $0x2000  }
0x49: {  	[sflag:s8] =	ssyncset.done $0x0  }
0x4a: {  	[sflag:s8] =	ssyncadd.s32 $0xFFFFE000  }
0x4b: {  	[spmem:s1] =	stream.indirect.scatter.add.f32 [tilespmem:s24], [sflag:$0x8], $0x80, s9, s17, $0xb8;
	[tilespmem:$0x1E800] =	vst v63  }
0x4c: {  	_ =	swait.ge [sflag:s10], $0x2000  }
0x4d: {  	[sflag:s10] =	ssyncset.done $0x0  }
0x4e: {  	s3 =	simm.s32 $0x141C0;
	[sflag:s10] =	ssyncadd.s32 $0xFFFFE000  }
0x4f: {  	[tilespmem:s24], [sflag:$0x4] =	stream.indirect.gather [hbm4b:s4+s17], $0x80, s3, s17, $0xb8;
	[tilespmem:$0x1E800] =	vst v63  }
0x50: {  	_ =	swait.ge [sflag:s25], $0x2000  }
0x51: {  	[sflag:s25] =	ssyncset.done $0x0  }
0x52: {  	s3 =	simm.s32 $0x15500;
	[sflag:s25] =	ssyncadd.s32 $0xFFFFE000  }
0x53: {  	[spmem:s1] =	stream.indirect.scatter.add.f32 [tilespmem:s18], [sflag:$0x5], $0x80, s3, s17, $0xb8;
	[tilespmem:$0x1E800] =	vst v63  }
0x54: {  	_ =	swait.ge [sflag:s26], $0x2000  }
0x55: {  	[sflag:s26] =	ssyncset.done $0x0  }
0x56: {  	s3 =	simm.s32 $0x14200;
	[sflag:s26] =	ssyncadd.s32 $0xFFFFE000  }
0x57: {  	[tilespmem:s18], [sflag:$0x1] =	stream.indirect.gather [hbm4b:s4+s17], $0x80, s3, s17, $0xb8;
	[tilespmem:$0x1E800] =	vst v63  }
0x58: {  	_ =	swait.ge [sflag:s29], $0x2000  }
0x59: {  	[sflag:s29] =	ssyncset.done $0x0  }
0x5a: {  	s3 =	simm.s32 $0x15540;
	[sflag:s29] =	ssyncadd.s32 $0xFFFFE000  }
0x5b: {  	[spmem:s1] =	stream.indirect.scatter.add.f32 [tilespmem:s20], [sflag:$0x6], $0x80, s3, s17, $0xb8;
	[tilespmem:$0x1E800] =	vst v63  }
0x5c: {  	_ =	swait.ge [sflag:s31], $0x2000  }
0x5d: {  	[sflag:s31] =	ssyncset.done $0x0  }
0x5e: {  	s3 =	simm.s32 $0x14240;
	[sflag:s31] =	ssyncadd.s32 $0xFFFFE000  }
0x5f: {  	[tilespmem:s20], [sflag:$0x2] =	stream.indirect.gather [hbm4b:s4+s17], $0x80, s3, s17, $0xb8;
	[tilespmem:$0x1E800] =	vst v63  }
0x60: {  	_ =	swait.ge [sflag:s2], $0x2000  }
0x61: {  	[sflag:s2] =	ssyncset.done $0x0  }
0x62: {  	s3 =	simm.s32 $0x15580;
	[sflag:s2] =	ssyncadd.s32 $0xFFFFE000  }
0x63: {  	[spmem:s1] =	stream.indirect.scatter.add.f32 [tilespmem:s22], [sflag:$0x7], $0x80, s3, s17, $0xb8;
	[tilespmem:$0x1E800] =	vst v63  }
0x64: {  	_ =	swait.ge [sflag:s5], $0x2000  }
0x65: {  	[sflag:s5] =	ssyncset.done $0x0  }
0x66: {  	s3 =	simm.s32 $0x14280;
	[sflag:s5] =	ssyncadd.s32 $0xFFFFE000  }
0x67: {  	[tilespmem:s22], [sflag:$0x3] =	stream.indirect.gather [hbm4b:s4+s17], $0x80, s3, s17, $0xb8;
	[tilespmem:$0x1E800] =	vst v63  }
0x68: {  	_ =	swait.ge [sflag:s8], $0x2000  }
0x69: {  	[sflag:s8] =	ssyncset.done $0x0  }
0x6a: {  	s30 =	simm.s32 $0x400;
	s0 =	simm.s32 $0x155C0;
	[sflag:s8] =	ssyncadd.s32 $0xFFFFE000  }
.LBB2_2:
0x6b: {  	[spmem:s1] =	stream.indirect.scatter.add.f32 [tilespmem:s24], [sflag:$0x8], $0x80, s0, s17, $0xb8;
	[tilespmem:$0x1E800] =	vst v63  }
0x6c: {  	s0 =	smov.u32 s30  }
0x6d: {  	p0 =	sne.s32 s30, $0x4400;
	s30 =	sadd.s32 $0x400, s30;
	_ =	swait.ge [sflag:s10], $0x2000  }
0x6e: {  	s0 =	sshra.s32 s0, $0x2;
	[sflag:s10] =	ssyncset.done $0x0  }
0x6f: {  	s3 =	sadd.s32 $0x141C0, s0;
	[sflag:s10] =	ssyncadd.s32 $0xFFFFE000  }
0x70: {  	[tilespmem:s24], [sflag:$0x4] =	stream.indirect.gather [hbm4b:s4+s17], $0x80, s3, s17, $0xb8;
	[tilespmem:$0x1E800] =	vst v63  }
0x71: {  	_ =	swait.ge [sflag:s25], $0x2000  }
0x72: {  	[sflag:s25] =	ssyncset.done $0x0  }
0x73: {  	s3 =	sadd.s32 $0x15500, s0;
	[sflag:s25] =	ssyncadd.s32 $0xFFFFE000  }
0x74: {  	[spmem:s1] =	stream.indirect.scatter.add.f32 [tilespmem:s18], [sflag:$0x5], $0x80, s3, s17, $0xb8;
	[tilespmem:$0x1E800] =	vst v63  }
0x75: {  	_ =	swait.ge [sflag:s26], $0x2000  }
0x76: {  	[sflag:s26] =	ssyncset.done $0x0  }
0x77: {  	s3 =	sadd.s32 $0x14200, s0;
	[sflag:s26] =	ssyncadd.s32 $0xFFFFE000  }
0x78: {  	[tilespmem:s18], [sflag:$0x1] =	stream.indirect.gather [hbm4b:s4+s17], $0x80, s3, s17, $0xb8;
	[tilespmem:$0x1E800] =	vst v63  }
0x79: {  	_ =	swait.ge [sflag:s29], $0x2000  }
0x7a: {  	[sflag:s29] =	ssyncset.done $0x0  }
0x7b: {  	s3 =	sadd.s32 $0x15540, s0;
	[sflag:s29] =	ssyncadd.s32 $0xFFFFE000  }
0x7c: {  	[spmem:s1] =	stream.indirect.scatter.add.f32 [tilespmem:s20], [sflag:$0x6], $0x80, s3, s17, $0xb8;
	[tilespmem:$0x1E800] =	vst v63  }
0x7d: {  	_ =	swait.ge [sflag:s31], $0x2000  }
0x7e: {  	[sflag:s31] =	ssyncset.done $0x0  }
0x7f: {  	s3 =	sadd.s32 $0x14240, s0;
	[sflag:s31] =	ssyncadd.s32 $0xFFFFE000  }
0x80: {  	[tilespmem:s20], [sflag:$0x2] =	stream.indirect.gather [hbm4b:s4+s17], $0x80, s3, s17, $0xb8;
	[tilespmem:$0x1E800] =	vst v63  }
0x81: {  	_ =	swait.ge [sflag:s2], $0x2000  }
0x82: {  	[sflag:s2] =	ssyncset.done $0x0  }
0x83: {  	s3 =	sadd.s32 $0x15580, s0;
	[sflag:s2] =	ssyncadd.s32 $0xFFFFE000  }
0x84: {  	[spmem:s1] =	stream.indirect.scatter.add.f32 [tilespmem:s22], [sflag:$0x7], $0x80, s3, s17, $0xb8;
	[tilespmem:$0x1E800] =	vst v63  }
0x85: {  	_ =	swait.ge [sflag:s5], $0x2000  }
0x86: {  	[sflag:s5] =	ssyncset.done $0x0  }
.Ltmp0:
0x87: {  	s3 =	sadd.s32 $0x14280, s0;
	[sflag:s5] =	ssyncadd.s32 $0xFFFFE000;
	(pc) =	sbr.rel @p0 .LBB2_2-.Ltmp0, $4  }
0x88: {  	[tilespmem:s22], [sflag:$0x3] =	stream.indirect.gather [hbm4b:s4+s17], $0x80, s3, s17, $0xb8;
	[tilespmem:$0x1E800] =	vst v63  }
0x89: {  	_ =	swait.ge [sflag:s8], $0x2000  }
0x8a: {  	[sflag:s8] =	ssyncset.done $0x0  }
0x8b: {  	s0 =	sadd.s32 $0x155C0, s0;
	[sflag:s8] =	ssyncadd.s32 $0xFFFFE000  }
0x8c: {  	[spmem:s1] =	stream.indirect.scatter.add.f32 [tilespmem:s24], [sflag:$0x8], $0x80, s0, s17, $0xb8;
	[tilespmem:$0x1E800] =	vst v63  }
0x8d: {  	_ =	swait.ge [sflag:s10], $0x2000  }
0x8e: {  	[sflag:s10] =	ssyncset.done $0x0  }
0x8f: {  	[sflag:s10] =	ssyncadd.s32 $0xFFFFE000  }
0x90: {  	[tilespmem:s24], [sflag:$0x4] =	stream.indirect.gather [hbm4b:s4+s17], $0x80, s11, s17, $0xb8;
	[tilespmem:$0x1E800] =	vst v63  }
0x91: {  	_ =	swait.ge [sflag:s25], $0x2000  }
0x92: {  	[sflag:s25] =	ssyncset.done $0x0  }
0x93: {  	[sflag:s25] =	ssyncadd.s32 $0xFFFFE000  }
0x94: {  	[spmem:s1] =	stream.indirect.scatter.add.f32 [tilespmem:s18], [sflag:$0x5], $0x80, s12, s17, $0xb8;
	[tilespmem:$0x1E800] =	vst v63  }
0x95: {  	_ =	swait.ge [sflag:s26], $0x2000  }
0x96: {  	[sflag:s26] =	ssyncset.done $0x0  }
0x97: {  	[sflag:s26] =	ssyncadd.s32 $0xFFFFE000  }
0x98: {  	_ =	swait.ge [sflag:s29], $0x2000  }
0x99: {  	[sflag:s29] =	ssyncset.done $0x0  }
0x9a: {  	[sflag:s29] =	ssyncadd.s32 $0xFFFFE000  }
0x9b: {  	[spmem:s1] =	stream.indirect.scatter.add.f32 [tilespmem:s20], [sflag:$0x6], $0x80, s19, s17, $0xb8;
	[tilespmem:$0x1E800] =	vst v63  }
0x9c: {  	_ =	swait.ge [sflag:s31], $0x2000  }
0x9d: {  	[sflag:s31] =	ssyncset.done $0x0  }
0x9e: {  	[sflag:s31] =	ssyncadd.s32 $0xFFFFE000  }
0x9f: {  	_ =	swait.ge [sflag:s2], $0x2000  }
0xa0: {  	[sflag:s2] =	ssyncset.done $0x0  }
0xa1: {  	[sflag:s2] =	ssyncadd.s32 $0xFFFFE000  }
0xa2: {  	[spmem:s1] =	stream.indirect.scatter.add.f32 [tilespmem:s22], [sflag:$0x7], $0x80, s21, s17, $0xb8;
	[tilespmem:$0x1E800] =	vst v63  }
0xa3: {  	_ =	swait.ge [sflag:s5], $0x2000  }
0xa4: {  	[sflag:s5] =	ssyncset.done $0x0  }
0xa5: {  	[sflag:s5] =	ssyncadd.s32 $0xFFFFE000  }
0xa6: {  	_ =	swait.ge [sflag:s8], $0x2000  }
0xa7: {  	[sflag:s8] =	ssyncset.done $0x0  }
0xa8: {  	[sflag:s8] =	ssyncadd.s32 $0xFFFFE000  }
0xa9: {  	[spmem:s1] =	stream.indirect.scatter.add.f32 [tilespmem:s24], [sflag:$0x8], $0x80, s23, s17, $0xb8;
	[tilespmem:$0x1E800] =	vst v63  }
0xaa: {  	_ =	swait.ge [sflag:s10], $0x2000  }
0xab: {  	[sflag:s10] =	ssyncset.done $0x0  }
0xac: {  	s0 =	simm.s32 $0x0;
	s3 =	rddreg [dreg:$0x6];
	[sflag:s10] =	ssyncadd.s32 $0xFFFFE000  }
0xad: {  	[tilespmem:s15], [sflag:$0x9] =	stream.linear.gather [hbm4b:s3+s0], $0x1400, $0x38;
	[tilespmem:$0x1E800] =	vst v63  }
0xae: {  	_ =	swait.ge [sflag:s14], $0x1400  }
0xaf: {  	[sflag:s14] =	ssyncset.done $0x0  }
0xb0: {  	s3 =	rddreg [dreg:$0x7];
	[sflag:s14] =	ssyncadd.s32 $0xFFFFEC00  }
0xb1: {  	[tilespmem:s16], [sflag:$0x9] =	stream.linear.gather [hbm4b:s3+s0], $0x1400, $0x38;
	[tilespmem:$0x1E800] =	vst v63  }
0xb2: {  	_ =	swait.ge [sflag:s14], $0x1400  }
0xb3: {  	[sflag:s14] =	ssyncset.done $0x0  }
0xb4: {  	[sflag:s14] =	ssyncadd.s32 $0xFFFFEC00  }
0xb5: {  	[tilespmem:s18], [sflag:$0x1] =	stream.indirect.gather [hbm4b:s4+s17], $0x80, s15, s17, $0xb8;
	[tilespmem:$0x1E800] =	vst v63  }
0xb6: {  	s3 =	simm.s32 $0x14040  }
0xb7: {  	[tilespmem:s20], [sflag:$0x2] =	stream.indirect.gather [hbm4b:s4+s17], $0x80, s3, s17, $0xb8;
	[tilespmem:$0x1E800] =	vst v63  }
0xb8: {  	s3 =	simm.s32 $0x14080  }
0xb9: {  	[tilespmem:s22], [sflag:$0x3] =	stream.indirect.gather [hbm4b:s4+s17], $0x80, s3, s17, $0xb8;
	[tilespmem:$0x1E800] =	vst v63  }
0xba: {  	s3 =	simm.s32 $0x140C0  }
0xbb: {  	[tilespmem:s24], [sflag:$0x4] =	stream.indirect.gather [hbm4b:s4+s17], $0x80, s3, s17, $0xb8;
	[tilespmem:$0x1E800] =	vst v63  }
0xbc: {  	_ =	swait.ge [sflag:s25], $0x2000  }
0xbd: {  	[sflag:s25] =	ssyncset.done $0x0  }
0xbe: {  	[sflag:s25] =	ssyncadd.s32 $0xFFFFE000  }
0xbf: {  	[spmem:s1] =	stream.indirect.scatter.add.f32 [tilespmem:s18], [sflag:$0x5], $0x80, s16, s17, $0xb8;
	[tilespmem:$0x1E800] =	vst v63  }
0xc0: {  	_ =	swait.ge [sflag:s26], $0x2000  }
0xc1: {  	[sflag:s26] =	ssyncset.done $0x0  }
0xc2: {  	s3 =	simm.s32 $0x14100;
	[sflag:s26] =	ssyncadd.s32 $0xFFFFE000  }
0xc3: {  	[tilespmem:s18], [sflag:$0x1] =	stream.indirect.gather [hbm4b:s4+s17], $0x80, s3, s17, $0xb8;
	[tilespmem:$0x1E800] =	vst v63  }
0xc4: {  	_ =	swait.ge [sflag:s29], $0x2000  }
0xc5: {  	[sflag:s29] =	ssyncset.done $0x0  }
0xc6: {  	s3 =	simm.s32 $0x15440;
	[sflag:s29] =	ssyncadd.s32 $0xFFFFE000  }
0xc7: {  	[spmem:s1] =	stream.indirect.scatter.add.f32 [tilespmem:s20], [sflag:$0x6], $0x80, s3, s17, $0xb8;
	[tilespmem:$0x1E800] =	vst v63  }
0xc8: {  	_ =	swait.ge [sflag:s31], $0x2000  }
0xc9: {  	[sflag:s31] =	ssyncset.done $0x0  }
0xca: {  	s3 =	simm.s32 $0x14140;
	[sflag:s31] =	ssyncadd.s32 $0xFFFFE000  }
0xcb: {  	[tilespmem:s20], [sflag:$0x2] =	stream.indirect.gather [hbm4b:s4+s17], $0x80, s3, s17, $0xb8;
	[tilespmem:$0x1E800] =	vst v63  }
0xcc: {  	_ =	swait.ge [sflag:s2], $0x2000  }
0xcd: {  	[sflag:s2] =	ssyncset.done $0x0  }
0xce: {  	s3 =	simm.s32 $0x15480;
	[sflag:s2] =	ssyncadd.s32 $0xFFFFE000  }
0xcf: {  	[spmem:s1] =	stream.indirect.scatter.add.f32 [tilespmem:s22], [sflag:$0x7], $0x80, s3, s17, $0xb8;
	[tilespmem:$0x1E800] =	vst v63  }
0xd0: {  	_ =	swait.ge [sflag:s5], $0x2000  }
0xd1: {  	[sflag:s5] =	ssyncset.done $0x0  }
0xd2: {  	[sflag:s5] =	ssyncadd.s32 $0xFFFFE000  }
0xd3: {  	[tilespmem:s22], [sflag:$0x3] =	stream.indirect.gather [hbm4b:s4+s17], $0x80, s7, s17, $0xb8;
	[tilespmem:$0x1E800] =	vst v63  }
0xd4: {  	_ =	swait.ge [sflag:s8], $0x2000  }
0xd5: {  	[sflag:s8] =	ssyncset.done $0x0  }
0xd6: {  	[sflag:s8] =	ssyncadd.s32 $0xFFFFE000  }
0xd7: {  	[spmem:s1] =	stream.indirect.scatter.add.f32 [tilespmem:s24], [sflag:$0x8], $0x80, s9, s17, $0xb8;
	[tilespmem:$0x1E800] =	vst v63  }
0xd8: {  	_ =	swait.ge [sflag:s10], $0x2000  }
0xd9: {  	[sflag:s10] =	ssyncset.done $0x0  }
0xda: {  	s3 =	simm.s32 $0x141C0;
	[sflag:s10] =	ssyncadd.s32 $0xFFFFE000  }
0xdb: {  	[tilespmem:s24], [sflag:$0x4] =	stream.indirect.gather [hbm4b:s4+s17], $0x80, s3, s17, $0xb8;
	[tilespmem:$0x1E800] =	vst v63  }
0xdc: {  	_ =	swait.ge [sflag:s25], $0x2000  }
0xdd: {  	[sflag:s25] =	ssyncset.done $0x0  }
0xde: {  	s3 =	simm.s32 $0x15500;
	[sflag:s25] =	ssyncadd.s32 $0xFFFFE000  }
0xdf: {  	[spmem:s1] =	stream.indirect.scatter.add.f32 [tilespmem:s18], [sflag:$0x5], $0x80, s3, s17, $0xb8;
	[tilespmem:$0x1E800] =	vst v63  }
0xe0: {  	_ =	swait.ge [sflag:s26], $0x2000  }
0xe1: {  	[sflag:s26] =	ssyncset.done $0x0  }
0xe2: {  	s3 =	simm.s32 $0x14200;
	[sflag:s26] =	ssyncadd.s32 $0xFFFFE000  }
0xe3: {  	[tilespmem:s18], [sflag:$0x1] =	stream.indirect.gather [hbm4b:s4+s17], $0x80, s3, s17, $0xb8;
	[tilespmem:$0x1E800] =	vst v63  }
0xe4: {  	_ =	swait.ge [sflag:s29], $0x2000  }
0xe5: {  	[sflag:s29] =	ssyncset.done $0x0  }
0xe6: {  	s3 =	simm.s32 $0x15540;
	[sflag:s29] =	ssyncadd.s32 $0xFFFFE000  }
0xe7: {  	[spmem:s1] =	stream.indirect.scatter.add.f32 [tilespmem:s20], [sflag:$0x6], $0x80, s3, s17, $0xb8;
	[tilespmem:$0x1E800] =	vst v63  }
0xe8: {  	_ =	swait.ge [sflag:s31], $0x2000  }
0xe9: {  	[sflag:s31] =	ssyncset.done $0x0  }
0xea: {  	s3 =	simm.s32 $0x14240;
	[sflag:s31] =	ssyncadd.s32 $0xFFFFE000  }
0xeb: {  	[tilespmem:s20], [sflag:$0x2] =	stream.indirect.gather [hbm4b:s4+s17], $0x80, s3, s17, $0xb8;
	[tilespmem:$0x1E800] =	vst v63  }
0xec: {  	_ =	swait.ge [sflag:s2], $0x2000  }
0xed: {  	[sflag:s2] =	ssyncset.done $0x0  }
0xee: {  	s3 =	simm.s32 $0x15580;
	[sflag:s2] =	ssyncadd.s32 $0xFFFFE000  }
0xef: {  	[spmem:s1] =	stream.indirect.scatter.add.f32 [tilespmem:s22], [sflag:$0x7], $0x80, s3, s17, $0xb8;
	[tilespmem:$0x1E800] =	vst v63  }
0xf0: {  	_ =	swait.ge [sflag:s5], $0x2000  }
0xf1: {  	[sflag:s5] =	ssyncset.done $0x0  }
0xf2: {  	s3 =	simm.s32 $0x14280;
	[sflag:s5] =	ssyncadd.s32 $0xFFFFE000  }
0xf3: {  	[tilespmem:s22], [sflag:$0x3] =	stream.indirect.gather [hbm4b:s4+s17], $0x80, s3, s17, $0xb8;
	[tilespmem:$0x1E800] =	vst v63  }
0xf4: {  	_ =	swait.ge [sflag:s8], $0x2000  }
0xf5: {  	[sflag:s8] =	ssyncset.done $0x0  }
0xf6: {  	s30 =	simm.s32 $0x400;
	s0 =	simm.s32 $0x155C0;
	[sflag:s8] =	ssyncadd.s32 $0xFFFFE000  }
.LBB2_4:
0xf7: {  	[spmem:s1] =	stream.indirect.scatter.add.f32 [tilespmem:s24], [sflag:$0x8], $0x80, s0, s17, $0xb8;
	[tilespmem:$0x1E800] =	vst v63  }
0xf8: {  	s0 =	smov.u32 s30  }
0xf9: {  	p0 =	sne.s32 s30, $0x4400;
	s30 =	sadd.s32 $0x400, s30;
	_ =	swait.ge [sflag:s10], $0x2000  }
0xfa: {  	s0 =	sshra.s32 s0, $0x2;
	[sflag:s10] =	ssyncset.done $0x0  }
0xfb: {  	s3 =	sadd.s32 $0x141C0, s0;
	[sflag:s10] =	ssyncadd.s32 $0xFFFFE000  }
0xfc: {  	[tilespmem:s24], [sflag:$0x4] =	stream.indirect.gather [hbm4b:s4+s17], $0x80, s3, s17, $0xb8;
	[tilespmem:$0x1E800] =	vst v63  }
0xfd: {  	_ =	swait.ge [sflag:s25], $0x2000  }
0xfe: {  	[sflag:s25] =	ssyncset.done $0x0  }
0xff: {  	s3 =	sadd.s32 $0x15500, s0;
	[sflag:s25] =	ssyncadd.s32 $0xFFFFE000  }
0x100: {  	[spmem:s1] =	stream.indirect.scatter.add.f32 [tilespmem:s18], [sflag:$0x5], $0x80, s3, s17, $0xb8;
	[tilespmem:$0x1E800] =	vst v63  }
0x101: {  	_ =	swait.ge [sflag:s26], $0x2000  }
0x102: {  	[sflag:s26] =	ssyncset.done $0x0  }
0x103: {  	s3 =	sadd.s32 $0x14200, s0;
	[sflag:s26] =	ssyncadd.s32 $0xFFFFE000  }
0x104: {  	[tilespmem:s18], [sflag:$0x1] =	stream.indirect.gather [hbm4b:s4+s17], $0x80, s3, s17, $0xb8;
	[tilespmem:$0x1E800] =	vst v63  }
0x105: {  	_ =	swait.ge [sflag:s29], $0x2000  }
0x106: {  	[sflag:s29] =	ssyncset.done $0x0  }
0x107: {  	s3 =	sadd.s32 $0x15540, s0;
	[sflag:s29] =	ssyncadd.s32 $0xFFFFE000  }
0x108: {  	[spmem:s1] =	stream.indirect.scatter.add.f32 [tilespmem:s20], [sflag:$0x6], $0x80, s3, s17, $0xb8;
	[tilespmem:$0x1E800] =	vst v63  }
0x109: {  	_ =	swait.ge [sflag:s31], $0x2000  }
0x10a: {  	[sflag:s31] =	ssyncset.done $0x0  }
0x10b: {  	s3 =	sadd.s32 $0x14240, s0;
	[sflag:s31] =	ssyncadd.s32 $0xFFFFE000  }
0x10c: {  	[tilespmem:s20], [sflag:$0x2] =	stream.indirect.gather [hbm4b:s4+s17], $0x80, s3, s17, $0xb8;
	[tilespmem:$0x1E800] =	vst v63  }
0x10d: {  	_ =	swait.ge [sflag:s2], $0x2000  }
0x10e: {  	[sflag:s2] =	ssyncset.done $0x0  }
0x10f: {  	s3 =	sadd.s32 $0x15580, s0;
	[sflag:s2] =	ssyncadd.s32 $0xFFFFE000  }
0x110: {  	[spmem:s1] =	stream.indirect.scatter.add.f32 [tilespmem:s22], [sflag:$0x7], $0x80, s3, s17, $0xb8;
	[tilespmem:$0x1E800] =	vst v63  }
0x111: {  	_ =	swait.ge [sflag:s5], $0x2000  }
0x112: {  	[sflag:s5] =	ssyncset.done $0x0  }
.Ltmp1:
0x113: {  	s3 =	sadd.s32 $0x14280, s0;
	[sflag:s5] =	ssyncadd.s32 $0xFFFFE000;
	(pc) =	sbr.rel @p0 .LBB2_4-.Ltmp1, $4  }
0x114: {  	[tilespmem:s22], [sflag:$0x3] =	stream.indirect.gather [hbm4b:s4+s17], $0x80, s3, s17, $0xb8;
	[tilespmem:$0x1E800] =	vst v63  }
0x115: {  	_ =	swait.ge [sflag:s8], $0x2000  }
0x116: {  	[sflag:s8] =	ssyncset.done $0x0  }
0x117: {  	s0 =	sadd.s32 $0x155C0, s0;
	[sflag:s8] =	ssyncadd.s32 $0xFFFFE000  }
0x118: {  	[spmem:s1] =	stream.indirect.scatter.add.f32 [tilespmem:s24], [sflag:$0x8], $0x80, s0, s17, $0xb8;
	[tilespmem:$0x1E800] =	vst v63  }
0x119: {  	_ =	swait.ge [sflag:s10], $0x2000  }
0x11a: {  	[sflag:s10] =	ssyncset.done $0x0  }
0x11b: {  	[sflag:s10] =	ssyncadd.s32 $0xFFFFE000  }
0x11c: {  	[tilespmem:s24], [sflag:$0x4] =	stream.indirect.gather [hbm4b:s4+s17], $0x80, s11, s17, $0xb8;
	[tilespmem:$0x1E800] =	vst v63  }
0x11d: {  	_ =	swait.ge [sflag:s25], $0x2000  }
0x11e: {  	[sflag:s25] =	ssyncset.done $0x0  }
0x11f: {  	[sflag:s25] =	ssyncadd.s32 $0xFFFFE000  }
0x120: {  	[spmem:s1] =	stream.indirect.scatter.add.f32 [tilespmem:s18], [sflag:$0x5], $0x80, s12, s17, $0xb8;
	[tilespmem:$0x1E800] =	vst v63  }
0x121: {  	_ =	swait.ge [sflag:s26], $0x2000  }
0x122: {  	[sflag:s26] =	ssyncset.done $0x0  }
0x123: {  	[sflag:s26] =	ssyncadd.s32 $0xFFFFE000  }
0x124: {  	_ =	swait.ge [sflag:s29], $0x2000  }
0x125: {  	[sflag:s29] =	ssyncset.done $0x0  }
0x126: {  	[sflag:s29] =	ssyncadd.s32 $0xFFFFE000  }
0x127: {  	[spmem:s1] =	stream.indirect.scatter.add.f32 [tilespmem:s20], [sflag:$0x6], $0x80, s19, s17, $0xb8;
	[tilespmem:$0x1E800] =	vst v63  }
0x128: {  	_ =	swait.ge [sflag:s31], $0x2000  }
0x129: {  	[sflag:s31] =	ssyncset.done $0x0  }
0x12a: {  	[sflag:s31] =	ssyncadd.s32 $0xFFFFE000  }
0x12b: {  	_ =	swait.ge [sflag:s2], $0x2000  }
0x12c: {  	[sflag:s2] =	ssyncset.done $0x0  }
0x12d: {  	[sflag:s2] =	ssyncadd.s32 $0xFFFFE000  }
0x12e: {  	[spmem:s1] =	stream.indirect.scatter.add.f32 [tilespmem:s22], [sflag:$0x7], $0x80, s21, s17, $0xb8;
	[tilespmem:$0x1E800] =	vst v63  }
0x12f: {  	_ =	swait.ge [sflag:s5], $0x2000  }
0x130: {  	[sflag:s5] =	ssyncset.done $0x0  }
0x131: {  	[sflag:s5] =	ssyncadd.s32 $0xFFFFE000  }
0x132: {  	_ =	swait.ge [sflag:s8], $0x2000  }
0x133: {  	[sflag:s8] =	ssyncset.done $0x0  }
0x134: {  	[sflag:s8] =	ssyncadd.s32 $0xFFFFE000  }
0x135: {  	[spmem:s1] =	stream.indirect.scatter.add.f32 [tilespmem:s24], [sflag:$0x8], $0x80, s23, s17, $0xb8;
	[tilespmem:$0x1E800] =	vst v63  }
0x136: {  	_ =	swait.ge [sflag:s10], $0x2000  }
0x137: {  	[sflag:s10] =	ssyncset.done $0x0  }
0x138: {  	[sflag:s10] =	ssyncadd.s32 $0xFFFFE000  }
0x139: {  	[bflag:$0x0] =	sbarrier.arrive $0xFFFF  }
0x13a: {  	s3 =	rddreg [dreg:$0x8]  }
0x13b: {  	[hbm:s3], [sflag:s6] =	dma.local [spmem:s13], $0x2800  }
0x13c: {  	_ =	swait.ge [sflag:s14], $0x2800  }
0x13d: {  	s28 =	sadd.s32 $0x1, s28;
	s30 =	rddreg [dreg:$0x9]  }
0x13e: {  	p0 =	sne.s32 s28, s30  }
.Ltmp2:
0x13f: {  	_ = 	snop;
	(pc) =	sbr.rel @p0 .LBB2_1-.Ltmp2, $3  }
0x140: {  	_ =	sdelay $0x1  }
0x141: {  	[sflag:s14] =	ssyncset.done $0x0  }
0x142: {  	[sflag:s14] =	ssyncadd.s32 $0xFFFFD800  }
0x143: {  	_ =	sfence.sel $0x180000  }
0x144: {  	[bflag:$0x0] =	sbarrier.arrive $0xFFFF  }
0x145: {  	_ =	strace $0x9000004D  }
0x146: {  	s0 =	stileid.u32;
	[bflag:$0x2] =	sbarrier.arrive $0xFFFF  }
0x147: {  	p0 =	sne.s32 s0, $0x0;
	s0 =	rddreg [dreg:$0x2]  }
0x148: {  	s0 =	sadd.s32 @!p0 $0x100000, s0  }
0x149: {  	[sflag:s0] =	ssyncadd.tile.s32 @!p0 $0x1;
	_ =	shalt  }
.Lfunc_end2:
_tile_overlayer_lowered:
.L_overlay_start_2:
0x14a: {  	(tag) =	ssettag $0x2  }
0x14b: {  	s0 =	rddreg [dreg:$0x0];
	s2 =	stileid.u32  }
0x14c: {  	s1 =	rddreg [dreg:$0x1];
	p0 =	sne.s32 s2, $0x0  }
0x14d: {  	s3 =	rddreg [dreg:$0x2];
	[bflag:$0x3] =	sbarrier.arrive $0xFFFF;
	s2 =	simm.s32 @!p0 $0x1C09  }
0x14e: {  	[timem:s3], [sflag:s2] =	dma.local @!p0 [hbm:s0], s1  }
0x14f: {  	s0 =	simm.s32 @!p0 $0x9  }
0x150: {  	_ =	swait.ge @!p0 [sflag:s0], s1  }
0x151: {  	s1 =	ssub.s32 @!p0 $0x0, s1;
	[sflag:s0] =	ssyncset.done @!p0 $0x0  }
0x152: {  	[sflag:s0] =	ssyncadd.s32 @!p0 s1  }
0x153: {  	[bflag:$0x3] =	sbarrier.arrive $0xFFFF  }
0x154: {  	_ =	shalt  }

// kernel: kernel.8.cloned.1.call-start
scs
__scs_entry_jumppad:
0x0: {  	(pc) =	sbr.rel $0x88, $3  }
0x1: {  	(tag) =	ssettag $0x0;
	lr =	simm.s32 $0x1  }
0x2: {  	[smem:$0x3F98] =	sst lr;
	_ =	strace $0xD0000000  }
0x3: {  	_ = 	snop  }
0x4: {  	_ = 	snop  }
0x5: {  	_ = 	snop  }
0x6: {  	_ = 	snop  }
0x7: {  	_ = 	snop  }
__scs_overlays_trampoline_lowered:
0x8: {  	[smem:$0x3FA7] =	sst s0  }
0x9: {  	[smem:$0x3FA8] =	sst s1  }
0xa: {  	[smem:$0x3FA9] =	sst s2  }
0xb: {  	[smem:$0x3FAA] =	sst s3  }
0xc: {  	[smem:$0x3FAB] =	sst s4  }
0xd: {  	[smem:$0x3FAC] =	sst s5  }
0xe: {  	[smem:$0x3FAD] =	sst s6  }
0xf: {  	[smem:$0x3FAE] =	sst s7  }
0x10: {  	[smem:$0x3FAF] =	sst s8  }
0x11: {  	[smem:$0x3FB0] =	sst s9;
	s0 =	simm.s32 @!p0 $0x0  }
0x12: {  	s1 =	sld [smem:$0x3F96];
	s0 =	simm.s32 @p0 $0x1  }
0x13: {  	[smem:$0x3FB1] =	sst s0;
	s0 =	simm.s32 @!p1 $0x0  }
0x14: {  	s2 =	sld [smem:$0x3F95];
	s0 =	simm.s32 @p1 $0x1  }
0x15: {  	[smem:$0x3FB2] =	sst s0;
	s0 =	simm.s32 @!p2 $0x0  }
0x16: {  	s3 =	sld [smem:$0x3FDB];
	s0 =	simm.s32 @p2 $0x1  }
0x17: {  	s4 =	simm.s32 $0x1BF5;
	[smem:$0x3FB4] =	sst s0  }
0x18: {  	s0 =	sld [smem:$0x3F97];
	_ =	swait.ge [sflag:s4], $0x0  }
0x19: {  	s7 =	sld [smem:$0x3F98]  }
0x1a: {  	s8 =	sadd.s32 $0xFFFFE003, lr  }
0x1b: {  	s9 =	sadd.s32 $0xFFFFFEF7, lr;
	s5 =	simm.s32 $0xFFFFFFFF;
	p2 =	slt.u32 s8, $0xFFFFF086  }
0x1c: {  	p1 =	slt.u32 s9, $0xF7A;
	s5 =	simm.s32 @!p2 $0x0  }
0x1d: {  	s5 =	simm.s32 @p1 $0x1;
	p0 =	seq.s32 s7, s2  }
0x1e: {  	s7 =	smul.u32 @!p0 $0xF7A, s2;
	p2 =	seq.s32 @!p0 s5, $0x0  }
0x1f: {  	s9 =	smul.u32 $0xF7A, s1;
	s8 =	simm.s32 @!p0 $0x1BF5;
	p2 =	por !p2, p0  }
0x20: {  	[sflag:s8] =	ssyncset.s32 @!p0 $0xFFFFF086;
	s6 =	sadd.s32 @!p0 s3, s7;
	s7 =	simm.s32 @!p0 $0x108  }
0x21: {  	s3 =	sadd.s32 s3, s9;
	s6 =	sadd.s32 @!p0 $0x88, s6;
	s7 =	simm.s32 @p2 $0x1082  }
0x22: {  	[simem:s7], [sflag:s8] =	dma.local @!p0 [hbm:s6], $0xF7A  }
0x23: {  	s9 =	sor.u32 $0xD0000000, s2;
	s6 =	simm.s32 $0x108;
	_ =	swait.ge @!p0 [sflag:s8], $0x0  }
0x24: {  	s3 =	sadd.s32 $0x88, s3;
	s6 =	simm.s32 @!p1 $0x1082;
	[sflag:s4] =	ssyncset.s32 $0xFFFFF086  }
0x25: {  	[simem:s6], [sflag:s4] =	dma.local [hbm:s3], $0xF7A  }
0x26: {  	[smem:$0x3F98] =	sst s1;
	(tag) =	ssettag s2;
	_ =	strace s9  }
0x27: {  	s1 =	sld [smem:$0x3FA8]  }
0x28: {  	s2 =	sld [smem:$0x3FA9]  }
0x29: {  	s4 =	sld [smem:$0x3FAB]  }
0x2a: {  	p0 =	seq.s32 s5, $0x0;
	s5 =	sld [smem:$0x3FAC]  }
0x2b: {  	s6 =	sld [smem:$0x3FAD]  }
0x2c: {  	s7 =	sld [smem:$0x3FAE]  }
0x2d: {  	s3 =	simm.s32 $0x108;
	s8 =	sld [smem:$0x3FAF]  }
0x2e: {  	s3 =	simm.s32 @!p0 $0x1082;
	s9 =	sld [smem:$0x3FB0]  }
0x2f: {  	lr =	sadd.s32 s0, s3;
	s0 =	sld [smem:$0x3FA7]  }
0x30: {  	s3 =	sld [smem:$0x3FAA]  }
0x31: {  	[smem:$0x3FB3] =	sst s10  }
0x32: {  	s10 =	sld [smem:$0x3FB1];
	_ =	sdelay $0x3  }
0x33: {  	p0 =	seq.s32 s10, $0x1;
	s10 =	sld [smem:$0x3FB3];
	_ =	sdelay $0x3  }
0x34: {  	[smem:$0x3FB3] =	sst s10  }
0x35: {  	s10 =	sld [smem:$0x3FB2];
	_ =	sdelay $0x3  }
0x36: {  	p1 =	seq.s32 s10, $0x1;
	s10 =	sld [smem:$0x3FB3];
	_ =	sdelay $0x3  }
0x37: {  	[smem:$0x3FB3] =	sst s10  }
0x38: {  	s10 =	sld [smem:$0x3FB4]  }
0x39: {  	_ = 	snop;
	(pc) =	sbr.ind lr, $3  }
0x3a: {  	_ = 	snop  }
0x3b: {  	_ = 	snop  }
0x3c: {  	p2 =	seq.s32 s10, $0x1;
	s10 =	sld [smem:$0x3FB3]  }
0x3d: {  	_ =	shalt  }
0x3e: {  	_ =	shalt  }
0x3f: {  	_ =	shalt  }
0x40: {  	_ =	shalt  }
0x41: {  	_ =	shalt  }
0x42: {  	_ =	shalt  }
0x43: {  	_ =	shalt  }
0x44: {  	_ =	shalt  }
0x45: {  	_ =	shalt  }
0x46: {  	_ =	shalt  }
0x47: {  	_ =	shalt  }
0x48: {  	_ =	shalt  }
0x49: {  	_ =	shalt  }
0x4a: {  	_ =	shalt  }
0x4b: {  	_ =	shalt  }
0x4c: {  	_ =	shalt  }
0x4d: {  	_ =	shalt  }
0x4e: {  	_ =	shalt  }
0x4f: {  	_ =	shalt  }
0x50: {  	_ =	shalt  }
0x51: {  	_ =	shalt  }
0x52: {  	_ =	shalt  }
0x53: {  	_ =	shalt  }
0x54: {  	_ =	shalt  }
0x55: {  	_ =	shalt  }
0x56: {  	_ =	shalt  }
0x57: {  	_ =	shalt  }
0x58: {  	_ =	shalt  }
0x59: {  	_ =	shalt  }
0x5a: {  	_ =	shalt  }
0x5b: {  	_ =	shalt  }
0x5c: {  	_ =	shalt  }
0x5d: {  	_ =	shalt  }
0x5e: {  	_ =	shalt  }
0x5f: {  	_ =	shalt  }
0x60: {  	_ =	shalt  }
0x61: {  	_ =	shalt  }
0x62: {  	_ =	shalt  }
0x63: {  	_ =	shalt  }
0x64: {  	_ =	shalt  }
0x65: {  	_ =	shalt  }
0x66: {  	_ =	shalt  }
0x67: {  	_ =	shalt  }
0x68: {  	_ =	shalt  }
0x69: {  	_ =	shalt  }
0x6a: {  	_ =	shalt  }
0x6b: {  	_ =	shalt  }
0x6c: {  	_ =	shalt  }
0x6d: {  	_ =	shalt  }
0x6e: {  	_ =	shalt  }
0x6f: {  	_ =	shalt  }
0x70: {  	_ =	shalt  }
0x71: {  	_ =	shalt  }
0x72: {  	_ =	shalt  }
0x73: {  	_ =	shalt  }
0x74: {  	_ =	shalt  }
0x75: {  	_ =	shalt  }
0x76: {  	_ =	shalt  }
0x77: {  	_ =	shalt  }
0x78: {  	_ =	shalt  }
0x79: {  	_ =	shalt  }
0x7a: {  	_ =	shalt  }
0x7b: {  	_ =	shalt  }
0x7c: {  	_ =	shalt  }
0x7d: {  	_ =	shalt  }
0x7e: {  	_ =	shalt  }
0x7f: {  	_ =	shalt  }
0x80: {  	_ =	shalt  }
0x81: {  	_ =	shalt  }
0x82: {  	_ =	shalt  }
0x83: {  	_ =	shalt  }
0x84: {  	_ =	shalt  }
0x85: {  	_ =	shalt  }
0x86: {  	_ =	shalt  }
0x87: {  	_ =	shalt  }
.Lfunc_end0:
.L_simem_size_0:
called_computation_lowered:
.L_overlay_start_0:
0x88: {  	s2 =	sld [smem:$0x3FD9]  }
0x89: {  	s3 =	sld [smem:$0x3FFE];
	_ =	sdelay $0x1  }
0x8a: {  	s1 =	srdreg.scid  }
0x8b: {  	s0 =	sand.u32 $0x1, s1  }
0x8c: {  	s16 =	sshll.u32 s0, $0xA;
	s2 =	sadd.s32 s3, s2  }
0x8d: {  	s2 =	sadd.s32 s2, s16  }
0x8e: {  	[smem:$0x3FBF] =	sst s2  }
0x8f: {  	_ = 	snop  }
0x90: {  	(tm) =	ssettm $0x1  }
0x91: {  	s17 =	sld [smem:$0x3FFB];
	_ =	sdelay $0x3  }
0x92: {  	_ =	strace s17  }
0x93: {  	s2 =	sld [smem:$0x3FFC];
	_ =	sdelay $0x3  }
0x94: {  	_ =	strace s2  }
0x95: {  	s2 =	sld [smem:$0x3FFD];
	_ =	sdelay $0x3  }
0x96: {  	_ =	strace s2  }
0x97: {  	_ =	strace $0x8FFFFFFF  }
0x98: {  	s18 =	sld [smem:$0x3FDB];
	_ =	sdelay $0x1  }
0x99: {  	s19 =	simm.s32 $_scs_section_size  }
0x9a: {  	s4 =	simm.s32 $_size__tile_overlayer_lowered;
	s5 =	simm.s32 $_tile_overlayer_lowered  }
0x9b: {  	s22 =	simm.s32 $0x1BFF;
	s21 =	sshll.u32 s5, $0x1;
	s2 =	sadd.s32 s19, s18  }
0x9c: {  	s6 =	simm.s32 $0x0;
	s20 =	sshll.u32 s4, $0x1;
	s4 =	sadd.s32 s21, s2  }
0x9d: {  	[timem:s6], [sflag:s22] =	dma.local [hbm:s4], s20  }
0x9e: {  	_ =	swait.ge [sflag:s22], s20  }
0x9f: {  	s3 =	ssub.s32 $0x0, s20;
	[sflag:s22] =	ssyncset.done $0x0  }
0xa0: {  	[sflag:s22] =	ssyncadd.s32 s3;
	_ =	sdelay $0x1  }
0xa1: {  	s23 =	simm.s32 $0x1B8B  }
0xa2: {  	_ =	swait.ge [sflag:s23], $0x1  }
0xa3: {  	[sflag:s23] =	ssyncset.done $0x0  }
0xa4: {  	s25 =	simm.s32 $0x1B8E;
	s24 =	sld [smem:$0x3FFE];
	[sflag:s23] =	ssyncadd.s32 $0xFFFFFFFF  }
0xa5: {  	s26 =	simm.s32 $execute0_lowered;
	[smem:$0x3FD2] =	sst s25  }
0xa6: {  	s4 =	sshll.u32 s26, $0x1;
	_ =	strace $0x80000046;
	[dreg:$0x1] =	wrdreg $0xFFFFFFFF  }
0xa7: {  	s28 =	simm.s32 $_size_execute0_lowered;
	s2 =	sadd.s32 s2, s4;
	[dreg:$0x0] =	wrdreg $0x0  }
0xa8: {  	s4 =	sshll.u32 s28, $0x1;
	[dreg:$0x2] =	wrdreg s2  }
0xa9: {  	[dreg:$0x3] =	wrdreg s4  }
0xaa: {  	[dreg:$0x4] =	wrdreg $0xC0  }
0xab: {  	_ =	task [dreg:s6], $0x5FFFF  }
0xac: {  	[dreg:$0x1] =	wrdreg $0xFFFFFFFF  }
0xad: {  	[dreg:$0x0] =	wrdreg $0x60  }
0xae: {  	[dreg:$0x2] =	wrdreg s24  }
0xaf: {  	[dreg:$0x3] =	wrdreg $0x9  }
0xb0: {  	_ =	task.clear_ibuf [dreg:s6], $0x4FFFF;
	_ =	strace $0x90000046  }
0xb1: {  	s29 =	simm.s32 $0x9;
	_ =	strace $0x80000048  }
0xb2: {  	_ =	swait.ge [sflag:s29], $0x1  }
0xb3: {  	[sflag:s29] =	ssyncadd.s32 $0xFFFFFFFF  }
0xb4: {  	_ =	strace $0x90000048  }
0xb5: {  	_ =	sfence  }
0xb6: {  	s30 =	sld [smem:$0x0];
	_ =	sdelay $0x2  }
0xb7: {  	s31 =	sshll.u32 s1, $0xD;
	s1 =	sshrl.u32 s1, $0x2  }
0xb8: {  	s3 =	sand.u32 $0x4000, s31;
	s1 =	sadd.s32 s1, s30  }
0xb9: {  	s0 =	sor.u32 s3, s0;
	s1 =	sshll.u32 s1, $0x11  }
0xba: {  	s0 =	sor.u32 s1, s0  }
0xbb: {  	s0 =	sadd.s32 $0x8F2B, s0  }
0xbc: {  	[sflag:s0] =	ssyncadd.remote.s32 $0x1  }
0xbd: {  	_ =	sfence.sel $0xFFFF  }
0xbe: {  	[dreg:$0x0] =	wrdreg $0xFFFFFFFF;
	(pc) =	sbr.abs _section_cstart, $3  }
0xbf: {  	[dreg:$0x1] =	wrdreg $0xFFFFFFFF  }
0xc0: {  	_ =	task.clear_ibuf [dreg:s6], $0x2FFFF;
	_ =	strace $0x9FFFFFFF  }
0xc1: {  	(tm) =	ssettm $0x7FFFFFFF  }
tec
execute0_lowered:
.L_overlay_start_1:
0x0: {  	(tag) =	ssettag $0x1  }
0x1: {  	s0 =	srdreg.scid  }
0x2: {  	s3 =	sand.u32 $0x1, s0  }
0x3: {  	s4 =	rddreg [dreg:$0x0];
	s0 =	stileid.u32;
	s1 =	sshll.u32 s3, $0x4  }
0x4: {  	s2 =	simm.s32 $0x0;
	s8 =	simm.s32 $0x0;
	s5 =	sor.u32 s0, s1  }
0x5: {  	[smem:$0x7FF] =	sst s2;
	s3 =	ssub.s32 $0x2, s3;
	s6 =	smul.u32 $0x280, s5  }
0x6: {  	s1 =	rddreg [dreg:$0x1];
	s7 =	sshrl.u32 s3, $0x1;
	s5 =	smul.u32 $0x500, s5  }
0x7: {  	_ =	strace $0x80000047;
	s31 =	ssub.s32 s3, s7;
	s7 =	simm.s32 $0x1  }
0x8: {  	s6 =	sadd.s32 s6, s4;
	s4 =	sadd.s32 s5, s4;
	s5 =	smax.u32 s31, $0x1  }
0x9: {  	v0 =	vimm.f32 $0.0e+00;
	v1 =	vimm.f32 $1.000000000e+00;
	s3 =	sadd.s32 $0x1C00, s6;
	s4 =	sadd.s32 $0x6C00, s4;
	s6 =	simm.s32 $0x2800  }
.LBB2_1:
0xa: {  	[tilespmem:s6], [sflag:$0x1] =	stream.linear.gather [hbm4b:s3+s2], $0x1400, $0x38;
	[tilespmem:$0x3C00] =	vst v63  }
0xb: {  	_ =	swait.ge [sflag:s7], $0x1400  }
0xc: {  	[sflag:s7] =	ssyncset.done $0x0  }
0xd: {  	s9 =	simm.s32 $0x0;
	[sflag:s7] =	ssyncadd.s32 $0xFFFFEC00  }
.LBB2_2:
0xe: {  	p0 =	sne.s32 s9, $0x9FC0  }
.Ltmp0:
0xf: {  	_ = 	snop;
	(pc) =	sbr.rel @p0 .LBB2_2-.Ltmp0, $3  }
0x10: {  	_ =	sdelay $0x1  }
0x11: {  	s10 =	sshra.s32 s9, $0x2  }
0x12: {  	s9 =	sadd.s32 $0x40, s9;
	[tilespmem:s10+$0x0] =	vst v0  }
0x13: {  	s10 =	simm.s32 $0x0;
	s9 =	simm.s32 $0x40  }
.LBB2_4:
0x14: {  	p0 =	sne.s32 s9, $0x4FC0;
	v2 =	vld [tilespmem:s10+$0x2800];
	_ =	sdelay $0x3  }
.Ltmp1:
0x15: {  	(pc) =	sbr.rel @p0 .LBB2_4-.Ltmp1, $2  }
0x16: {  	_ =	sdelay $0x2  }
0x17: {  	s10 =	sshra.s32 s9, $0x2;
	s9 =	sadd.s32 $0x40, s9;
	[tilespmem:v2+s2+$0x0] =	vst.idx.add.f32.msk $0xffff, v1  }
0x18: {  	v2 =	vld [tilespmem:s10+$0x2800];
	_ =	sdelay $0x5  }
0x19: {  	s8 =	sadd.s32 $0x1, s8  }
0x1a: {  	p0 =	sne.s32 s8, s5  }
.Ltmp2:
0x1b: {  	[tilespmem:v2+s2+$0x0] =	vst.idx.add.f32.msk $0xffff, v1;
	(pc) =	sbr.rel @p0 .LBB2_1-.Ltmp2, $4  }
0x1c: {  	[hbm4b:s4+s2] =	stream.linear.scatter [tilespmem:s2], [sflag:$0x1], $0x2800, $0x38;
	[tilespmem:$0x3C00] =	vst v63  }
0x1d: {  	_ =	swait.ge [sflag:s7], $0x2800  }
0x1e: {  	[sflag:s7] =	ssyncset.done $0x0  }
0x1f: {  	[sflag:s7] =	ssyncadd.s32 $0xFFFFD800  }
0x20: {  	_ =	sfence.sel $0x180000  }
0x21: {  	[bflag:$0x0] =	sbarrier.arrive $0xFFFF  }
0x22: {  	p0 =	sne.s32 s0, $0x0;
	_ =	strace $0x90000047  }
0x23: {  	s0 =	sadd.s32 @!p0 $0x100000, s1;
	[bflag:$0x2] =	sbarrier.arrive $0xFFFF  }
0x24: {  	[sflag:s0] =	ssyncadd.tile.s32 @!p0 $0x1;
	_ =	shalt  }
.Lfunc_end2:
_tile_overlayer_lowered:
.L_overlay_start_2:
0x25: {  	(tag) =	ssettag $0x2  }
0x26: {  	s0 =	rddreg [dreg:$0x0];
	s2 =	stileid.u32  }
0x27: {  	s1 =	rddreg [dreg:$0x1];
	p0 =	sne.s32 s2, $0x0  }
0x28: {  	s3 =	rddreg [dreg:$0x2];
	[bflag:$0x3] =	sbarrier.arrive $0xFFFF;
	s2 =	simm.s32 @!p0 $0x1C01  }
0x29: {  	[timem:s3], [sflag:s2] =	dma.local @!p0 [hbm:s0], s1  }
0x2a: {  	s0 =	simm.s32 @!p0 $0x1  }
0x2b: {  	_ =	swait.ge @!p0 [sflag:s0], s1  }
0x2c: {  	s1 =	ssub.s32 @!p0 $0x0, s1;
	[sflag:s0] =	ssyncset.done @!p0 $0x0  }
0x2d: {  	[sflag:s0] =	ssyncadd.s32 @!p0 s1  }
0x2e: {  	[bflag:$0x3] =	sbarrier.arrive $0xFFFF  }
0x2f: {  	_ =	shalt  }

</sc_bundles>
